<compile_context>
chip_gen: v7x
topology: tpu7x:2x2x1
jax: 0.10.2.dev20260603
libtpu: 0.0.44.dev20260713+nightly
codegen_flags: <defaults>
</compile_context>

<pallas_src>
import functools

import jax
import jax.numpy as jnp
from jax import lax
from jax.experimental import pallas as pl
from jax.experimental.pallas import tpu as pltpu
from jax.experimental.pallas import tpu_sc as plsc

B, T, D = 4, 4096, 4096
E = 64
TOPK = 8
N_SHARED = 2
N_OUT = N_SHARED + TOPK
ROUTE_SCALE = 2.5
N_TOK = B * T

TBLK = 512


def _keys_block(x_ref, w_ref, bias_ref, k_ref):
    s = lax.dot_general(
        x_ref[...], w_ref[...], (((1,), (1,)), ((), ())),
        preferred_element_type=jnp.float32,
    )
    m = jnp.max(s, axis=1, keepdims=True)
    p = jnp.exp(s - m)
    probs = p / jnp.sum(p, axis=1, keepdims=True)
    keys = probs + bias_ref[...]
    k_ref[...] = jnp.concatenate([keys, keys], axis=1)


def _keys(x2d, w, bias2d, n, blk0):
    return pl.pallas_call(
        _keys_block,
        grid=(n // TBLK,),
        in_specs=[
            pl.BlockSpec((TBLK, D), lambda i: (i + blk0, 0)),
            pl.BlockSpec((E, D), lambda i: (0, 0)),
            pl.BlockSpec((1, E), lambda i: (0, 0)),
        ],
        out_specs=pl.BlockSpec((TBLK, 2 * E), lambda i: (i, 0)),
        out_shape=jax.ShapeDtypeStruct((n, 2 * E), jnp.float32),
    )(x2d, w, bias2d)


_L = 16
NW = 32
NCHUNK = 4
CTOK = N_TOK // NCHUNK
CHUNK = CTOK // NW
NGRP = CHUNK // _L


def _topk_body(keys_hbm, bias_hbm, w_hbm, i_hbm, keys_v, bias_v, w_v, i_v, nc):
    wid = lax.axis_index("s") * nc + lax.axis_index("c")
    pltpu.sync_copy(keys_hbm.at[pl.ds(wid * CHUNK * 2 * E, CHUNK * 2 * E)], keys_v)
    pltpu.sync_copy(bias_hbm, bias_v)

    def group_body(g, gcarry):
        tok = lax.iota(jnp.int32, _L) + g * _L
        flat0 = tok * (2 * E)
        neg = jnp.full((_L,), -jnp.inf, jnp.float32)
        zero = jnp.zeros((_L,), jnp.int32)
        carry0 = (neg,) * TOPK + (zero,) * TOPK

        def exp_body(e, carry):
            ks = carry[:TOPK]
            ix = carry[TOPK:]
            e_spl = jnp.full((_L,), e, jnp.int32)
            v = plsc.load_gather(keys_v, [flat0 + e])
            c = [v > ks[j] for j in range(TOPK)]
            nk = [jnp.where(c[0], v, ks[0])]
            ni = [jnp.where(c[0], e_spl, ix[0])]
            for j in range(1, TOPK):
                nk.append(jnp.where(c[j], jnp.where(c[j - 1], ks[j - 1], v), ks[j]))
                ni.append(jnp.where(c[j], jnp.where(c[j - 1], ix[j - 1], e_spl), ix[j]))
            return tuple(nk) + tuple(ni)

        res = lax.fori_loop(0, E, exp_body, carry0)
        ks = res[:TOPK]
        ix = res[TOPK:]
        wtok = tok * TOPK
        itok = tok * N_OUT
        for j in range(TOPK):
            bj = plsc.load_gather(bias_v, [ix[j]])
            val = (ks[j] - bj) * ROUTE_SCALE
            plsc.store_scatter(w_v, [wtok + j], val)
            plsc.store_scatter(i_v, [itok + (j + N_SHARED)], ix[j] + N_SHARED)
        for j in range(N_SHARED):
            plsc.store_scatter(i_v, [itok + j], jnp.full((_L,), j, jnp.int32))
        return gcarry

    lax.fori_loop(0, NGRP, group_body, 0)
    pltpu.sync_copy(w_v, w_hbm.at[pl.ds(wid * CHUNK * TOPK, CHUNK * TOPK)])
    pltpu.sync_copy(i_v, i_hbm.at[pl.ds(wid * CHUNK * N_OUT, CHUNK * N_OUT)])


@functools.cache
def _topk_sc_fn():
    mesh = plsc.VectorSubcoreMesh(core_axis_name="c", subcore_axis_name="s")
    assert mesh.num_cores * mesh.num_subcores == NW
    body = functools.partial(_topk_body, nc=mesh.num_cores)
    return pl.kernel(
        body,
        mesh=mesh,
        compiler_params=pltpu.CompilerParams(needs_layout_passes=False),
        out_type=[
            jax.ShapeDtypeStruct((CTOK * TOPK,), jnp.float32),
            jax.ShapeDtypeStruct((CTOK * N_OUT,), jnp.int32),
        ],
        scratch_types=[
            pltpu.VMEM((CHUNK * 2 * E,), jnp.float32),
            pltpu.VMEM((E,), jnp.float32),
            pltpu.VMEM((CHUNK * TOPK,), jnp.float32),
            pltpu.VMEM((CHUNK * N_OUT,), jnp.int32),
        ],
    )


def kernel(x, W, gate_bias):
    x2d = x.reshape(N_TOK, D)
    bias2d = gate_bias.reshape(1, E)
    topk = _topk_sc_fn()
    w_parts, i_parts = [], []
    for c in range(NCHUNK):
        keys = _keys(x2d, W, bias2d, CTOK, c * (CTOK // TBLK))
        w_c, i_c = topk(keys.reshape(-1), gate_bias)
        w_parts.append(w_c)
        i_parts.append(i_c)
    weights = jnp.concatenate(w_parts)
    indices = jnp.concatenate(i_parts)
    return (
        weights.reshape(B, T, TOPK),
        indices.reshape(B, T, N_OUT),
    )

# --- scband reference (transcript-rebuilt; emitter-appended) ---
"""Pipeline reference for scband-deep-seek-gate-85624468013210 (READ-ONLY COPY).

The authoritative reference and input builder live on the scoring server;
editing this copy changes nothing except your own understanding.
"""

import jax, jax.numpy as jnp
import numpy as np

B, T, D = 4, 4096, 4096
E = 64          # n_routing_experts
TOPK = 8        # n_activated_experts
N_SHARED = 2    # n_shared_experts
ROUTE_SCALE = 2.5


def setup_inputs(seed: int = 0) -> dict:
    key = jax.random.key(seed)
    k1, k2 = jax.random.split(key, 2)
    x = jax.random.normal(k1, (B, T, D), dtype=jnp.float32)
    # g_w: nn.Linear(dim, n_routing_experts, bias=False) -> weight [E, D]
    W = jax.random.normal(k2, (E, D), dtype=jnp.float32) * 0.02
    # load-balance bias parameter, initialized to ones
    gate_bias = jnp.ones((E,), dtype=jnp.float32)
    return {"x": x, "W": W, "gate_bias": gate_bias}


def reference(x, W, gate_bias):
    # scores = self.g_w(x)
    scores = jnp.einsum("btd,ed->bte", x, W)
    # eval mode: auxi_loss is None (not computed)
    # score_func == 'softmax'
    scores = jax.nn.softmax(scores.astype(jnp.float32), axis=-1)
    original_scores = scores
    # bias for load balance (affects routing only, not weights)
    scores = scores + gate_bias
    # top-k over routing experts
    _, indices = jax.lax.top_k(scores, TOPK)
    # gather weights from pre-bias scores
    weights = jnp.take_along_axis(original_scores, indices, axis=-1)
    weights = weights * ROUTE_SCALE
    shared = jnp.broadcast_to(
        jnp.arange(N_SHARED, dtype=indices.dtype)[None, None, :], (B, T, N_SHARED)
    )
    expert_indices = jnp.concatenate([shared, indices + N_SHARED], axis=-1)
    return (weights.astype(x.dtype), expert_indices)

if __name__ == "__main__":
    import jax
    _d = setup_inputs()
    print(jax.jit(kernel)(*tuple(_d.values())))

</pallas_src>

<mosaic_0001>
#map = affine_map<(d0, d1) -> (0)>
module attributes {stable_mosaic.version = 14 : i64} {
  func.func @_topk_body(%arg0: i32, %arg1: i32, %arg2: memref<524288xf32, #tpu.memory_space<hbm>>, %arg3: memref<64xf32, #tpu.memory_space<hbm>>, %arg4: memref<32768xf32, #tpu.memory_space<hbm>>, %arg5: memref<40960xi32, #tpu.memory_space<hbm>>, %arg6: memref<16384xf32, #tpu.memory_space<vmem>>, %arg7: memref<64xf32, #tpu.memory_space<vmem>>, %arg8: memref<1024xf32, #tpu.memory_space<vmem>>, %arg9: memref<1280xi32, #tpu.memory_space<vmem>>) attributes {dimension_semantics = [#tpu.dimension_semantics<core_parallel>, #tpu.dimension_semantics<subcore_parallel>], iteration_bounds = array<i64: 2, 16>, scalar_prefetch = 0 : i64, scratch_operands = 4 : i64, tpu.core_type = #tpu.core_type<sc_vector_subcore>, window_params = [{transform_indices = #map}, {transform_indices = #map}, {transform_indices = #map}, {transform_indices = #map}]} {
    %mul3A = arith.constant 2 : i32
    %mul3A_0 = arith.muli %arg1, %mul3A : i32
    %add3A = arith.addi %mul3A_0, %arg0 : i32
    %mul3A_1 = arith.constant 128 : i32
    %mul3A_2 = arith.muli %add3A, %mul3A_1 : i32
    %mul3A_3 = arith.constant 2 : i32
    %mul3A_4 = arith.muli %mul3A_2, %mul3A_3 : i32
    %mul3A_5 = arith.constant 64 : i32
    %mul3A_6 = arith.muli %mul3A_4, %mul3A_5 : i32
    "tpu.region"() ({
      %run_scoped3A = tpu.sem_alloc : memref<!tpu.dma_semaphore, #tpu.memory_space<semaphore_mem>>
      %dma_start3A = tpu.memref_slice %arg2[%mul3A_6] : memref<524288xf32, #tpu.memory_space<hbm>> -> memref<16384xf32, #tpu.memory_space<hbm>>
      %dma_start3A_20 = tpu.memref_slice %arg2[%mul3A_6] : memref<524288xf32, #tpu.memory_space<hbm>> -> memref<16384xf32, #tpu.memory_space<hbm>>
      tpu.enqueue_dma source(%dma_start3A_20 : memref<16384xf32, #tpu.memory_space<hbm>>) target(%arg6 : memref<16384xf32, #tpu.memory_space<vmem>>) target_semaphore(%run_scoped3A : memref<!tpu.dma_semaphore, #tpu.memory_space<semaphore_mem>>)
      %dma_wait3A = tpu.memref_slice %arg2[%mul3A_6] : memref<524288xf32, #tpu.memory_space<hbm>> -> memref<16384xf32, #tpu.memory_space<hbm>>
      %dma_wait3A_21 = tpu.memref_slice %arg2[%mul3A_6] : memref<524288xf32, #tpu.memory_space<hbm>> -> memref<16384xf32, #tpu.memory_space<hbm>>
      tpu.wait_dma2 semaphore(%run_scoped3A : memref<!tpu.dma_semaphore, #tpu.memory_space<semaphore_mem>>) src(%dma_wait3A_21 : memref<16384xf32, #tpu.memory_space<hbm>>) dst(%arg6 : memref<16384xf32, #tpu.memory_space<vmem>>)
      tpu.yield
    }) : () -> ()
    "tpu.region"() ({
      %run_scoped3A = tpu.sem_alloc : memref<!tpu.dma_semaphore, #tpu.memory_space<semaphore_mem>>
      tpu.enqueue_dma source(%arg3 : memref<64xf32, #tpu.memory_space<hbm>>) target(%arg7 : memref<64xf32, #tpu.memory_space<vmem>>) target_semaphore(%run_scoped3A : memref<!tpu.dma_semaphore, #tpu.memory_space<semaphore_mem>>)
      tpu.wait_dma2 semaphore(%run_scoped3A : memref<!tpu.dma_semaphore, #tpu.memory_space<semaphore_mem>>) src(%arg3 : memref<64xf32, #tpu.memory_space<hbm>>) dst(%arg7 : memref<64xf32, #tpu.memory_space<vmem>>)
      tpu.yield
    }) : () -> ()
    %scan3A = arith.constant 0 : i32
    %scan3A_7 = arith.constant 0 : i32
    %scan3A_8 = arith.constant 8 : i32
    %scan3A_9 = arith.addi %scan3A_7, %scan3A_8 : i32
    %scan3A_10 = arith.constant 1 : i32
    scf.for %scan3A_20 = %scan3A_7 to %scan3A_9 step %scan3A_10  : i32 {
      %iota3A = tpu.iota {dimensions = array<i32: 0>} : vector<16xi32>
      %mul3A_21 = arith.constant 16 : i32
      %mul3A_22 = arith.muli %scan3A_20, %mul3A_21 : i32
      %add3A_23 = vector.broadcast %mul3A_22 : i32 to vector<16xi32>
      %add3A_24 = arith.addi %iota3A, %add3A_23 : vector<16xi32>
      %mul3A_25 = arith.constant 128 : i32
      %mul3A_26 = vector.broadcast %mul3A_25 : i32 to vector<16xi32>
      %mul3A_27 = arith.muli %add3A_24, %mul3A_26 : vector<16xi32>
      %broadcast_in_dim3A = arith.constant 0xFF800000 : f32
      %broadcast_in_dim3A_28 = vector.broadcast %broadcast_in_dim3A : f32 to vector<16xf32>
      %broadcast_in_dim3A_29 = arith.constant 0 : i32
      %broadcast_in_dim3A_30 = vector.broadcast %broadcast_in_dim3A_29 : i32 to vector<16xi32>
      %scan3A_31 = arith.constant 0 : i32
      %scan3A_32 = arith.constant 64 : i32
      %scan3A_33 = arith.addi %scan3A_31, %scan3A_32 : i32
      %scan3A_34 = arith.constant 1 : i32
      %scan3A_35:16 = scf.for %scan3A_163 = %scan3A_31 to %scan3A_33 step %scan3A_34 iter_args(%scan3A_164 = %broadcast_in_dim3A_28, %scan3A_165 = %broadcast_in_dim3A_28, %scan3A_166 = %broadcast_in_dim3A_28, %scan3A_167 = %broadcast_in_dim3A_28, %scan3A_168 = %broadcast_in_dim3A_28, %scan3A_169 = %broadcast_in_dim3A_28, %scan3A_170 = %broadcast_in_dim3A_28, %scan3A_171 = %broadcast_in_dim3A_28, %scan3A_172 = %broadcast_in_dim3A_30, %scan3A_173 = %broadcast_in_dim3A_30, %scan3A_174 = %broadcast_in_dim3A_30, %scan3A_175 = %broadcast_in_dim3A_30, %scan3A_176 = %broadcast_in_dim3A_30, %scan3A_177 = %broadcast_in_dim3A_30, %scan3A_178 = %broadcast_in_dim3A_30, %scan3A_179 = %broadcast_in_dim3A_30) -> (vector<16xf32>, vector<16xf32>, vector<16xf32>, vector<16xf32>, vector<16xf32>, vector<16xf32>, vector<16xf32>, vector<16xf32>, vector<16xi32>, vector<16xi32>, vector<16xi32>, vector<16xi32>, vector<16xi32>, vector<16xi32>, vector<16xi32>, vector<16xi32>)  : i32 {
        %broadcast_in_dim3A_180 = vector.broadcast %scan3A_163 : i32 to vector<16xi32>
        %add3A_181 = vector.broadcast %scan3A_163 : i32 to vector<16xi32>
        %add3A_182 = arith.addi %mul3A_27, %add3A_181 : vector<16xi32>
        %gather3A_183 = tpu.vector_load_idx %arg6[%add3A_182] : memref<16384xf32, #tpu.memory_space<vmem>>[vector<16xi32>], vector<16xf32>,
        %gt3A = arith.cmpf ogt, %gather3A_183, %scan3A_164 : vector<16xf32>
        %gt3A_184 = arith.cmpf ogt, %gather3A_183, %scan3A_165 : vector<16xf32>
        %gt3A_185 = arith.cmpf ogt, %gather3A_183, %scan3A_166 : vector<16xf32>
        %gt3A_186 = arith.cmpf ogt, %gather3A_183, %scan3A_167 : vector<16xf32>
        %gt3A_187 = arith.cmpf ogt, %gather3A_183, %scan3A_168 : vector<16xf32>
        %gt3A_188 = arith.cmpf ogt, %gather3A_183, %scan3A_169 : vector<16xf32>
        %gt3A_189 = arith.cmpf ogt, %gather3A_183, %scan3A_170 : vector<16xf32>
        %gt3A_190 = arith.cmpf ogt, %gather3A_183, %scan3A_171 : vector<16xf32>
        %select_n3A = arith.select %gt3A, %gather3A_183, %scan3A_164 : vector<16xi1>, vector<16xf32>
        %select_n3A_191 = arith.select %gt3A, %broadcast_in_dim3A_180, %scan3A_172 : vector<16xi1>, vector<16xi32>
        %select_n3A_192 = arith.select %gt3A, %scan3A_164, %gather3A_183 : vector<16xi1>, vector<16xf32>
        %select_n3A_193 = arith.select %gt3A_184, %select_n3A_192, %scan3A_165 : vector<16xi1>, vector<16xf32>
        %select_n3A_194 = arith.select %gt3A, %scan3A_172, %broadcast_in_dim3A_180 : vector<16xi1>, vector<16xi32>
        %select_n3A_195 = arith.select %gt3A_184, %select_n3A_194, %scan3A_173 : vector<16xi1>, vector<16xi32>
        %select_n3A_196 = arith.select %gt3A_184, %scan3A_165, %gather3A_183 : vector<16xi1>, vector<16xf32>
        %select_n3A_197 = arith.select %gt3A_185, %select_n3A_196, %scan3A_166 : vector<16xi1>, vector<16xf32>
        %select_n3A_198 = arith.select %gt3A_184, %scan3A_173, %broadcast_in_dim3A_180 : vector<16xi1>, vector<16xi32>
        %select_n3A_199 = arith.select %gt3A_185, %select_n3A_198, %scan3A_174 : vector<16xi1>, vector<16xi32>
        %select_n3A_200 = arith.select %gt3A_185, %scan3A_166, %gather3A_183 : vector<16xi1>, vector<16xf32>
        %select_n3A_201 = arith.select %gt3A_186, %select_n3A_200, %scan3A_167 : vector<16xi1>, vector<16xf32>
        %select_n3A_202 = arith.select %gt3A_185, %scan3A_174, %broadcast_in_dim3A_180 : vector<16xi1>, vector<16xi32>
        %select_n3A_203 = arith.select %gt3A_186, %select_n3A_202, %scan3A_175 : vector<16xi1>, vector<16xi32>
        %select_n3A_204 = arith.select %gt3A_186, %scan3A_167, %gather3A_183 : vector<16xi1>, vector<16xf32>
        %select_n3A_205 = arith.select %gt3A_187, %select_n3A_204, %scan3A_168 : vector<16xi1>, vector<16xf32>
        %select_n3A_206 = arith.select %gt3A_186, %scan3A_175, %broadcast_in_dim3A_180 : vector<16xi1>, vector<16xi32>
        %select_n3A_207 = arith.select %gt3A_187, %select_n3A_206, %scan3A_176 : vector<16xi1>, vector<16xi32>
        %select_n3A_208 = arith.select %gt3A_187, %scan3A_168, %gather3A_183 : vector<16xi1>, vector<16xf32>
        %select_n3A_209 = arith.select %gt3A_188, %select_n3A_208, %scan3A_169 : vector<16xi1>, vector<16xf32>
        %select_n3A_210 = arith.select %gt3A_187, %scan3A_176, %broadcast_in_dim3A_180 : vector<16xi1>, vector<16xi32>
        %select_n3A_211 = arith.select %gt3A_188, %select_n3A_210, %scan3A_177 : vector<16xi1>, vector<16xi32>
        %select_n3A_212 = arith.select %gt3A_188, %scan3A_169, %gather3A_183 : vector<16xi1>, vector<16xf32>
        %select_n3A_213 = arith.select %gt3A_189, %select_n3A_212, %scan3A_170 : vector<16xi1>, vector<16xf32>
        %select_n3A_214 = arith.select %gt3A_188, %scan3A_177, %broadcast_in_dim3A_180 : vector<16xi1>, vector<16xi32>
        %select_n3A_215 = arith.select %gt3A_189, %select_n3A_214, %scan3A_178 : vector<16xi1>, vector<16xi32>
        %select_n3A_216 = arith.select %gt3A_189, %scan3A_170, %gather3A_183 : vector<16xi1>, vector<16xf32>
        %select_n3A_217 = arith.select %gt3A_190, %select_n3A_216, %scan3A_171 : vector<16xi1>, vector<16xf32>
        %select_n3A_218 = arith.select %gt3A_189, %scan3A_178, %broadcast_in_dim3A_180 : vector<16xi1>, vector<16xi32>
        %select_n3A_219 = arith.select %gt3A_190, %select_n3A_218, %scan3A_179 : vector<16xi1>, vector<16xi32>
        scf.yield %select_n3A, %select_n3A_193, %select_n3A_197, %select_n3A_201, %select_n3A_205, %select_n3A_209, %select_n3A_213, %select_n3A_217, %select_n3A_191, %select_n3A_195, %select_n3A_199, %select_n3A_203, %select_n3A_207, %select_n3A_211, %select_n3A_215, %select_n3A_219 : vector<16xf32>, vector<16xf32>, vector<16xf32>, vector<16xf32>, vector<16xf32>, vector<16xf32>, vector<16xf32>, vector<16xf32>, vector<16xi32>, vector<16xi32>, vector<16xi32>, vector<16xi32>, vector<16xi32>, vector<16xi32>, vector<16xi32>, vector<16xi32>
      }
      %scan3A_36 = arith.constant 64 : i32
      %mul3A_37 = arith.constant 8 : i32
      %mul3A_38 = vector.broadcast %mul3A_37 : i32 to vector<16xi32>
      %mul3A_39 = arith.muli %add3A_24, %mul3A_38 : vector<16xi32>
      %mul3A_40 = arith.constant 10 : i32
      %mul3A_41 = vector.broadcast %mul3A_40 : i32 to vector<16xi32>
      %mul3A_42 = arith.muli %add3A_24, %mul3A_41 : vector<16xi32>
      %gather3A = tpu.vector_load_idx %arg7[%scan3A_35#8] : memref<64xf32, #tpu.memory_space<vmem>>[vector<16xi32>], vector<16xf32>,
      %sub3A = arith.subf %scan3A_35#0, %gather3A : vector<16xf32>
      %mul3A_43 = arith.constant 2.500000e+00 : f32
      %mul3A_44 = vector.broadcast %mul3A_43 : f32 to vector<16xf32>
      %mul3A_45 = arith.mulf %sub3A, %mul3A_44 : vector<16xf32>
      %add3A_46 = arith.constant 0 : i32
      %add3A_47 = vector.broadcast %add3A_46 : i32 to vector<16xi32>
      %add3A_48 = arith.addi %mul3A_39, %add3A_47 : vector<16xi32>
      tpu.vector_store_idx %arg8[%add3A_48], %mul3A_45 : memref<1024xf32, #tpu.memory_space<vmem>>[vector<16xi32>], vector<16xf32>,
      %add3A_49 = arith.constant 2 : i32
      %add3A_50 = vector.broadcast %add3A_49 : i32 to vector<16xi32>
      %add3A_51 = arith.addi %mul3A_42, %add3A_50 : vector<16xi32>
      %add3A_52 = arith.constant 2 : i32
      %add3A_53 = vector.broadcast %add3A_52 : i32 to vector<16xi32>
      %add3A_54 = arith.addi %scan3A_35#8, %add3A_53 : vector<16xi32>
      tpu.vector_store_idx %arg9[%add3A_51], %add3A_54 : memref<1280xi32, #tpu.memory_space<vmem>>[vector<16xi32>], vector<16xi32>,
      %gather3A_55 = tpu.vector_load_idx %arg7[%scan3A_35#9] : memref<64xf32, #tpu.memory_space<vmem>>[vector<16xi32>], vector<16xf32>,
      %sub3A_56 = arith.subf %scan3A_35#1, %gather3A_55 : vector<16xf32>
      %mul3A_57 = arith.constant 2.500000e+00 : f32
      %mul3A_58 = vector.broadcast %mul3A_57 : f32 to vector<16xf32>
      %mul3A_59 = arith.mulf %sub3A_56, %mul3A_58 : vector<16xf32>
      %add3A_60 = arith.constant 1 : i32
      %add3A_61 = vector.broadcast %add3A_60 : i32 to vector<16xi32>
      %add3A_62 = arith.addi %mul3A_39, %add3A_61 : vector<16xi32>
      tpu.vector_store_idx %arg8[%add3A_62], %mul3A_59 : memref<1024xf32, #tpu.memory_space<vmem>>[vector<16xi32>], vector<16xf32>,
      %add3A_63 = arith.constant 3 : i32
      %add3A_64 = vector.broadcast %add3A_63 : i32 to vector<16xi32>
      %add3A_65 = arith.addi %mul3A_42, %add3A_64 : vector<16xi32>
      %add3A_66 = arith.constant 2 : i32
      %add3A_67 = vector.broadcast %add3A_66 : i32 to vector<16xi32>
      %add3A_68 = arith.addi %scan3A_35#9, %add3A_67 : vector<16xi32>
      tpu.vector_store_idx %arg9[%add3A_65], %add3A_68 : memref<1280xi32, #tpu.memory_space<vmem>>[vector<16xi32>], vector<16xi32>,
      %gather3A_69 = tpu.vector_load_idx %arg7[%scan3A_35#10] : memref<64xf32, #tpu.memory_space<vmem>>[vector<16xi32>], vector<16xf32>,
      %sub3A_70 = arith.subf %scan3A_35#2, %gather3A_69 : vector<16xf32>
      %mul3A_71 = arith.constant 2.500000e+00 : f32
      %mul3A_72 = vector.broadcast %mul3A_71 : f32 to vector<16xf32>
      %mul3A_73 = arith.mulf %sub3A_70, %mul3A_72 : vector<16xf32>
      %add3A_74 = arith.constant 2 : i32
      %add3A_75 = vector.broadcast %add3A_74 : i32 to vector<16xi32>
      %add3A_76 = arith.addi %mul3A_39, %add3A_75 : vector<16xi32>
      tpu.vector_store_idx %arg8[%add3A_76], %mul3A_73 : memref<1024xf32, #tpu.memory_space<vmem>>[vector<16xi32>], vector<16xf32>,
      %add3A_77 = arith.constant 4 : i32
      %add3A_78 = vector.broadcast %add3A_77 : i32 to vector<16xi32>
      %add3A_79 = arith.addi %mul3A_42, %add3A_78 : vector<16xi32>
      %add3A_80 = arith.constant 2 : i32
      %add3A_81 = vector.broadcast %add3A_80 : i32 to vector<16xi32>
      %add3A_82 = arith.addi %scan3A_35#10, %add3A_81 : vector<16xi32>
      tpu.vector_store_idx %arg9[%add3A_79], %add3A_82 : memref<1280xi32, #tpu.memory_space<vmem>>[vector<16xi32>], vector<16xi32>,
      %gather3A_83 = tpu.vector_load_idx %arg7[%scan3A_35#11] : memref<64xf32, #tpu.memory_space<vmem>>[vector<16xi32>], vector<16xf32>,
      %sub3A_84 = arith.subf %scan3A_35#3, %gather3A_83 : vector<16xf32>
      %mul3A_85 = arith.constant 2.500000e+00 : f32
      %mul3A_86 = vector.broadcast %mul3A_85 : f32 to vector<16xf32>
      %mul3A_87 = arith.mulf %sub3A_84, %mul3A_86 : vector<16xf32>
      %add3A_88 = arith.constant 3 : i32
      %add3A_89 = vector.broadcast %add3A_88 : i32 to vector<16xi32>
      %add3A_90 = arith.addi %mul3A_39, %add3A_89 : vector<16xi32>
      tpu.vector_store_idx %arg8[%add3A_90], %mul3A_87 : memref<1024xf32, #tpu.memory_space<vmem>>[vector<16xi32>], vector<16xf32>,
      %add3A_91 = arith.constant 5 : i32
      %add3A_92 = vector.broadcast %add3A_91 : i32 to vector<16xi32>
      %add3A_93 = arith.addi %mul3A_42, %add3A_92 : vector<16xi32>
      %add3A_94 = arith.constant 2 : i32
      %add3A_95 = vector.broadcast %add3A_94 : i32 to vector<16xi32>
      %add3A_96 = arith.addi %scan3A_35#11, %add3A_95 : vector<16xi32>
      tpu.vector_store_idx %arg9[%add3A_93], %add3A_96 : memref<1280xi32, #tpu.memory_space<vmem>>[vector<16xi32>], vector<16xi32>,
      %gather3A_97 = tpu.vector_load_idx %arg7[%scan3A_35#12] : memref<64xf32, #tpu.memory_space<vmem>>[vector<16xi32>], vector<16xf32>,
      %sub3A_98 = arith.subf %scan3A_35#4, %gather3A_97 : vector<16xf32>
      %mul3A_99 = arith.constant 2.500000e+00 : f32
      %mul3A_100 = vector.broadcast %mul3A_99 : f32 to vector<16xf32>
      %mul3A_101 = arith.mulf %sub3A_98, %mul3A_100 : vector<16xf32>
      %add3A_102 = arith.constant 4 : i32
      %add3A_103 = vector.broadcast %add3A_102 : i32 to vector<16xi32>
      %add3A_104 = arith.addi %mul3A_39, %add3A_103 : vector<16xi32>
      tpu.vector_store_idx %arg8[%add3A_104], %mul3A_101 : memref<1024xf32, #tpu.memory_space<vmem>>[vector<16xi32>], vector<16xf32>,
      %add3A_105 = arith.constant 6 : i32
      %add3A_106 = vector.broadcast %add3A_105 : i32 to vector<16xi32>
      %add3A_107 = arith.addi %mul3A_42, %add3A_106 : vector<16xi32>
      %add3A_108 = arith.constant 2 : i32
      %add3A_109 = vector.broadcast %add3A_108 : i32 to vector<16xi32>
      %add3A_110 = arith.addi %scan3A_35#12, %add3A_109 : vector<16xi32>
      tpu.vector_store_idx %arg9[%add3A_107], %add3A_110 : memref<1280xi32, #tpu.memory_space<vmem>>[vector<16xi32>], vector<16xi32>,
      %gather3A_111 = tpu.vector_load_idx %arg7[%scan3A_35#13] : memref<64xf32, #tpu.memory_space<vmem>>[vector<16xi32>], vector<16xf32>,
      %sub3A_112 = arith.subf %scan3A_35#5, %gather3A_111 : vector<16xf32>
      %mul3A_113 = arith.constant 2.500000e+00 : f32
      %mul3A_114 = vector.broadcast %mul3A_113 : f32 to vector<16xf32>
      %mul3A_115 = arith.mulf %sub3A_112, %mul3A_114 : vector<16xf32>
      %add3A_116 = arith.constant 5 : i32
      %add3A_117 = vector.broadcast %add3A_116 : i32 to vector<16xi32>
      %add3A_118 = arith.addi %mul3A_39, %add3A_117 : vector<16xi32>
      tpu.vector_store_idx %arg8[%add3A_118], %mul3A_115 : memref<1024xf32, #tpu.memory_space<vmem>>[vector<16xi32>], vector<16xf32>,
      %add3A_119 = arith.constant 7 : i32
      %add3A_120 = vector.broadcast %add3A_119 : i32 to vector<16xi32>
      %add3A_121 = arith.addi %mul3A_42, %add3A_120 : vector<16xi32>
      %add3A_122 = arith.constant 2 : i32
      %add3A_123 = vector.broadcast %add3A_122 : i32 to vector<16xi32>
      %add3A_124 = arith.addi %scan3A_35#13, %add3A_123 : vector<16xi32>
      tpu.vector_store_idx %arg9[%add3A_121], %add3A_124 : memref<1280xi32, #tpu.memory_space<vmem>>[vector<16xi32>], vector<16xi32>,
      %gather3A_125 = tpu.vector_load_idx %arg7[%scan3A_35#14] : memref<64xf32, #tpu.memory_space<vmem>>[vector<16xi32>], vector<16xf32>,
      %sub3A_126 = arith.subf %scan3A_35#6, %gather3A_125 : vector<16xf32>
      %mul3A_127 = arith.constant 2.500000e+00 : f32
      %mul3A_128 = vector.broadcast %mul3A_127 : f32 to vector<16xf32>
      %mul3A_129 = arith.mulf %sub3A_126, %mul3A_128 : vector<16xf32>
      %add3A_130 = arith.constant 6 : i32
      %add3A_131 = vector.broadcast %add3A_130 : i32 to vector<16xi32>
      %add3A_132 = arith.addi %mul3A_39, %add3A_131 : vector<16xi32>
      tpu.vector_store_idx %arg8[%add3A_132], %mul3A_129 : memref<1024xf32, #tpu.memory_space<vmem>>[vector<16xi32>], vector<16xf32>,
      %add3A_133 = arith.constant 8 : i32
      %add3A_134 = vector.broadcast %add3A_133 : i32 to vector<16xi32>
      %add3A_135 = arith.addi %mul3A_42, %add3A_134 : vector<16xi32>
      %add3A_136 = arith.constant 2 : i32
      %add3A_137 = vector.broadcast %add3A_136 : i32 to vector<16xi32>
      %add3A_138 = arith.addi %scan3A_35#14, %add3A_137 : vector<16xi32>
      tpu.vector_store_idx %arg9[%add3A_135], %add3A_138 : memref<1280xi32, #tpu.memory_space<vmem>>[vector<16xi32>], vector<16xi32>,
      %gather3A_139 = tpu.vector_load_idx %arg7[%scan3A_35#15] : memref<64xf32, #tpu.memory_space<vmem>>[vector<16xi32>], vector<16xf32>,
      %sub3A_140 = arith.subf %scan3A_35#7, %gather3A_139 : vector<16xf32>
      %mul3A_141 = arith.constant 2.500000e+00 : f32
      %mul3A_142 = vector.broadcast %mul3A_141 : f32 to vector<16xf32>
      %mul3A_143 = arith.mulf %sub3A_140, %mul3A_142 : vector<16xf32>
      %add3A_144 = arith.constant 7 : i32
      %add3A_145 = vector.broadcast %add3A_144 : i32 to vector<16xi32>
      %add3A_146 = arith.addi %mul3A_39, %add3A_145 : vector<16xi32>
      tpu.vector_store_idx %arg8[%add3A_146], %mul3A_143 : memref<1024xf32, #tpu.memory_space<vmem>>[vector<16xi32>], vector<16xf32>,
      %add3A_147 = arith.constant 9 : i32
      %add3A_148 = vector.broadcast %add3A_147 : i32 to vector<16xi32>
      %add3A_149 = arith.addi %mul3A_42, %add3A_148 : vector<16xi32>
      %add3A_150 = arith.constant 2 : i32
      %add3A_151 = vector.broadcast %add3A_150 : i32 to vector<16xi32>
      %add3A_152 = arith.addi %scan3A_35#15, %add3A_151 : vector<16xi32>
      tpu.vector_store_idx %arg9[%add3A_149], %add3A_152 : memref<1280xi32, #tpu.memory_space<vmem>>[vector<16xi32>], vector<16xi32>,
      %add3A_153 = arith.constant 0 : i32
      %add3A_154 = vector.broadcast %add3A_153 : i32 to vector<16xi32>
      %add3A_155 = arith.addi %mul3A_42, %add3A_154 : vector<16xi32>
      %broadcast_in_dim3A_156 = arith.constant 0 : i32
      %broadcast_in_dim3A_157 = vector.broadcast %broadcast_in_dim3A_156 : i32 to vector<16xi32>
      tpu.vector_store_idx %arg9[%add3A_155], %broadcast_in_dim3A_157 : memref<1280xi32, #tpu.memory_space<vmem>>[vector<16xi32>], vector<16xi32>,
      %add3A_158 = arith.constant 1 : i32
      %add3A_159 = vector.broadcast %add3A_158 : i32 to vector<16xi32>
      %add3A_160 = arith.addi %mul3A_42, %add3A_159 : vector<16xi32>
      %broadcast_in_dim3A_161 = arith.constant 1 : i32
      %broadcast_in_dim3A_162 = vector.broadcast %broadcast_in_dim3A_161 : i32 to vector<16xi32>
      tpu.vector_store_idx %arg9[%add3A_160], %broadcast_in_dim3A_162 : memref<1280xi32, #tpu.memory_space<vmem>>[vector<16xi32>], vector<16xi32>,
    }
    %scan3A_11 = arith.constant 8 : i32
    %mul3A_12 = arith.constant 128 : i32
    %mul3A_13 = arith.muli %add3A, %mul3A_12 : i32
    %mul3A_14 = arith.constant 8 : i32
    %mul3A_15 = arith.muli %mul3A_13, %mul3A_14 : i32
    "tpu.region"() ({
      %run_scoped3A = tpu.sem_alloc : memref<!tpu.dma_semaphore, #tpu.memory_space<semaphore_mem>>
      %dma_start3A = tpu.memref_slice %arg4[%mul3A_15] : memref<32768xf32, #tpu.memory_space<hbm>> -> memref<1024xf32, #tpu.memory_space<hbm>>
      %dma_start3A_20 = tpu.memref_slice %arg4[%mul3A_15] : memref<32768xf32, #tpu.memory_space<hbm>> -> memref<1024xf32, #tpu.memory_space<hbm>>
      tpu.enqueue_dma source(%arg8 : memref<1024xf32, #tpu.memory_space<vmem>>) target(%dma_start3A_20 : memref<1024xf32, #tpu.memory_space<hbm>>) target_semaphore(%run_scoped3A : memref<!tpu.dma_semaphore, #tpu.memory_space<semaphore_mem>>)
      %dma_wait3A = tpu.memref_slice %arg4[%mul3A_15] : memref<32768xf32, #tpu.memory_space<hbm>> -> memref<1024xf32, #tpu.memory_space<hbm>>
      %dma_wait3A_21 = tpu.memref_slice %arg4[%mul3A_15] : memref<32768xf32, #tpu.memory_space<hbm>> -> memref<1024xf32, #tpu.memory_space<hbm>>
      tpu.wait_dma2 semaphore(%run_scoped3A : memref<!tpu.dma_semaphore, #tpu.memory_space<semaphore_mem>>) src(%arg8 : memref<1024xf32, #tpu.memory_space<vmem>>) dst(%dma_wait3A_21 : memref<1024xf32, #tpu.memory_space<hbm>>)
      tpu.yield
    }) : () -> ()
    %mul3A_16 = arith.constant 128 : i32
    %mul3A_17 = arith.muli %add3A, %mul3A_16 : i32
    %mul3A_18 = arith.constant 10 : i32
    %mul3A_19 = arith.muli %mul3A_17, %mul3A_18 : i32
    "tpu.region"() ({
      %run_scoped3A = tpu.sem_alloc : memref<!tpu.dma_semaphore, #tpu.memory_space<semaphore_mem>>
      %dma_start3A = tpu.memref_slice %arg5[%mul3A_19] : memref<40960xi32, #tpu.memory_space<hbm>> -> memref<1280xi32, #tpu.memory_space<hbm>>
      %dma_start3A_20 = tpu.memref_slice %arg5[%mul3A_19] : memref<40960xi32, #tpu.memory_space<hbm>> -> memref<1280xi32, #tpu.memory_space<hbm>>
      tpu.enqueue_dma source(%arg9 : memref<1280xi32, #tpu.memory_space<vmem>>) target(%dma_start3A_20 : memref<1280xi32, #tpu.memory_space<hbm>>) target_semaphore(%run_scoped3A : memref<!tpu.dma_semaphore, #tpu.memory_space<semaphore_mem>>)
      %dma_wait3A = tpu.memref_slice %arg5[%mul3A_19] : memref<40960xi32, #tpu.memory_space<hbm>> -> memref<1280xi32, #tpu.memory_space<hbm>>
      %dma_wait3A_21 = tpu.memref_slice %arg5[%mul3A_19] : memref<40960xi32, #tpu.memory_space<hbm>> -> memref<1280xi32, #tpu.memory_space<hbm>>
      tpu.wait_dma2 semaphore(%run_scoped3A : memref<!tpu.dma_semaphore, #tpu.memory_space<semaphore_mem>>) src(%arg9 : memref<1280xi32, #tpu.memory_space<vmem>>) dst(%dma_wait3A_21 : memref<1280xi32, #tpu.memory_space<hbm>>)
      tpu.yield
    }) : () -> ()
    return
  }
}

#map = affine_map<(d0, d1) -> (0)>
module attributes {stable_mosaic.version = 14 : i64} {
  func.func @_topk_body(%arg0: i32, %arg1: i32, %arg2: memref<524288xf32, #tpu.memory_space<hbm>>, %arg3: memref<64xf32, #tpu.memory_space<hbm>>, %arg4: memref<32768xf32, #tpu.memory_space<hbm>>, %arg5: memref<40960xi32, #tpu.memory_space<hbm>>, %arg6: memref<16384xf32, #tpu.memory_space<vmem>>, %arg7: memref<64xf32, #tpu.memory_space<vmem>>, %arg8: memref<1024xf32, #tpu.memory_space<vmem>>, %arg9: memref<1280xi32, #tpu.memory_space<vmem>>) attributes {dimension_semantics = [#tpu.dimension_semantics<core_parallel>, #tpu.dimension_semantics<subcore_parallel>], iteration_bounds = array<i64: 2, 16>, scalar_prefetch = 0 : i64, scratch_operands = 4 : i64, tpu.core_type = #tpu.core_type<sc_vector_subcore>, window_params = [{transform_indices = #map}, {transform_indices = #map}, {transform_indices = #map}, {transform_indices = #map}]} {
    %mul3A = arith.constant 2 : i32
    %mul3A_0 = arith.muli %arg1, %mul3A : i32
    %add3A = arith.addi %mul3A_0, %arg0 : i32
    %mul3A_1 = arith.constant 128 : i32
    %mul3A_2 = arith.muli %add3A, %mul3A_1 : i32
    %mul3A_3 = arith.constant 2 : i32
    %mul3A_4 = arith.muli %mul3A_2, %mul3A_3 : i32
    %mul3A_5 = arith.constant 64 : i32
    %mul3A_6 = arith.muli %mul3A_4, %mul3A_5 : i32
    "tpu.region"() ({
      %run_scoped3A = tpu.sem_alloc : memref<!tpu.dma_semaphore, #tpu.memory_space<semaphore_mem>>
      %dma_start3A = tpu.memref_slice %arg2[%mul3A_6] : memref<524288xf32, #tpu.memory_space<hbm>> -> memref<16384xf32, #tpu.memory_space<hbm>>
      %dma_start3A_20 = tpu.memref_slice %arg2[%mul3A_6] : memref<524288xf32, #tpu.memory_space<hbm>> -> memref<16384xf32, #tpu.memory_space<hbm>>
      tpu.enqueue_dma source(%dma_start3A_20 : memref<16384xf32, #tpu.memory_space<hbm>>) target(%arg6 : memref<16384xf32, #tpu.memory_space<vmem>>) target_semaphore(%run_scoped3A : memref<!tpu.dma_semaphore, #tpu.memory_space<semaphore_mem>>)
      %dma_wait3A = tpu.memref_slice %arg2[%mul3A_6] : memref<524288xf32, #tpu.memory_space<hbm>> -> memref<16384xf32, #tpu.memory_space<hbm>>
      %dma_wait3A_21 = tpu.memref_slice %arg2[%mul3A_6] : memref<524288xf32, #tpu.memory_space<hbm>> -> memref<16384xf32, #tpu.memory_space<hbm>>
      tpu.wait_dma2 semaphore(%run_scoped3A : memref<!tpu.dma_semaphore, #tpu.memory_space<semaphore_mem>>) src(%dma_wait3A_21 : memref<16384xf32, #tpu.memory_space<hbm>>) dst(%arg6 : memref<16384xf32, #tpu.memory_space<vmem>>)
      tpu.yield
    }) : () -> ()
    "tpu.region"() ({
      %run_scoped3A = tpu.sem_alloc : memref<!tpu.dma_semaphore, #tpu.memory_space<semaphore_mem>>
      tpu.enqueue_dma source(%arg3 : memref<64xf32, #tpu.memory_space<hbm>>) target(%arg7 : memref<64xf32, #tpu.memory_space<vmem>>) target_semaphore(%run_scoped3A : memref<!tpu.dma_semaphore, #tpu.memory_space<semaphore_mem>>)
      tpu.wait_dma2 semaphore(%run_scoped3A : memref<!tpu.dma_semaphore, #tpu.memory_space<semaphore_mem>>) src(%arg3 : memref<64xf32, #tpu.memory_space<hbm>>) dst(%arg7 : memref<64xf32, #tpu.memory_space<vmem>>)
      tpu.yield
    }) : () -> ()
    %scan3A = arith.constant 0 : i32
    %scan3A_7 = arith.constant 0 : i32
    %scan3A_8 = arith.constant 8 : i32
    %scan3A_9 = arith.addi %scan3A_7, %scan3A_8 : i32
    %scan3A_10 = arith.constant 1 : i32
    scf.for %scan3A_20 = %scan3A_7 to %scan3A_9 step %scan3A_10  : i32 {
      %iota3A = tpu.iota {dimensions = array<i32: 0>} : vector<16xi32>
      %mul3A_21 = arith.constant 16 : i32
      %mul3A_22 = arith.muli %scan3A_20, %mul3A_21 : i32
      %add3A_23 = vector.broadcast %mul3A_22 : i32 to vector<16xi32>
      %add3A_24 = arith.addi %iota3A, %add3A_23 : vector<16xi32>
      %mul3A_25 = arith.constant 128 : i32
      %mul3A_26 = vector.broadcast %mul3A_25 : i32 to vector<16xi32>
      %mul3A_27 = arith.muli %add3A_24, %mul3A_26 : vector<16xi32>
      %broadcast_in_dim3A = arith.constant 0xFF800000 : f32
      %broadcast_in_dim3A_28 = vector.broadcast %broadcast_in_dim3A : f32 to vector<16xf32>
      %broadcast_in_dim3A_29 = arith.constant 0 : i32
      %broadcast_in_dim3A_30 = vector.broadcast %broadcast_in_dim3A_29 : i32 to vector<16xi32>
      %scan3A_31 = arith.constant 0 : i32
      %scan3A_32 = arith.constant 64 : i32
      %scan3A_33 = arith.addi %scan3A_31, %scan3A_32 : i32
      %scan3A_34 = arith.constant 1 : i32
      %scan3A_35:16 = scf.for %scan3A_163 = %scan3A_31 to %scan3A_33 step %scan3A_34 iter_args(%scan3A_164 = %broadcast_in_dim3A_28, %scan3A_165 = %broadcast_in_dim3A_28, %scan3A_166 = %broadcast_in_dim3A_28, %scan3A_167 = %broadcast_in_dim3A_28, %scan3A_168 = %broadcast_in_dim3A_28, %scan3A_169 = %broadcast_in_dim3A_28, %scan3A_170 = %broadcast_in_dim3A_28, %scan3A_171 = %broadcast_in_dim3A_28, %scan3A_172 = %broadcast_in_dim3A_30, %scan3A_173 = %broadcast_in_dim3A_30, %scan3A_174 = %broadcast_in_dim3A_30, %scan3A_175 = %broadcast_in_dim3A_30, %scan3A_176 = %broadcast_in_dim3A_30, %scan3A_177 = %broadcast_in_dim3A_30, %scan3A_178 = %broadcast_in_dim3A_30, %scan3A_179 = %broadcast_in_dim3A_30) -> (vector<16xf32>, vector<16xf32>, vector<16xf32>, vector<16xf32>, vector<16xf32>, vector<16xf32>, vector<16xf32>, vector<16xf32>, vector<16xi32>, vector<16xi32>, vector<16xi32>, vector<16xi32>, vector<16xi32>, vector<16xi32>, vector<16xi32>, vector<16xi32>)  : i32 {
        %broadcast_in_dim3A_180 = vector.broadcast %scan3A_163 : i32 to vector<16xi32>
        %add3A_181 = vector.broadcast %scan3A_163 : i32 to vector<16xi32>
        %add3A_182 = arith.addi %mul3A_27, %add3A_181 : vector<16xi32>
        %gather3A_183 = tpu.vector_load_idx %arg6[%add3A_182] : memref<16384xf32, #tpu.memory_space<vmem>>[vector<16xi32>], vector<16xf32>,
        %gt3A = arith.cmpf ogt, %gather3A_183, %scan3A_164 : vector<16xf32>
        %gt3A_184 = arith.cmpf ogt, %gather3A_183, %scan3A_165 : vector<16xf32>
        %gt3A_185 = arith.cmpf ogt, %gather3A_183, %scan3A_166 : vector<16xf32>
        %gt3A_186 = arith.cmpf ogt, %gather3A_183, %scan3A_167 : vector<16xf32>
        %gt3A_187 = arith.cmpf ogt, %gather3A_183, %scan3A_168 : vector<16xf32>
        %gt3A_188 = arith.cmpf ogt, %gather3A_183, %scan3A_169 : vector<16xf32>
        %gt3A_189 = arith.cmpf ogt, %gather3A_183, %scan3A_170 : vector<16xf32>
        %gt3A_190 = arith.cmpf ogt, %gather3A_183, %scan3A_171 : vector<16xf32>
        %select_n3A = arith.select %gt3A, %gather3A_183, %scan3A_164 : vector<16xi1>, vector<16xf32>
        %select_n3A_191 = arith.select %gt3A, %broadcast_in_dim3A_180, %scan3A_172 : vector<16xi1>, vector<16xi32>
        %select_n3A_192 = arith.select %gt3A, %scan3A_164, %gather3A_183 : vector<16xi1>, vector<16xf32>
        %select_n3A_193 = arith.select %gt3A_184, %select_n3A_192, %scan3A_165 : vector<16xi1>, vector<16xf32>
        %select_n3A_194 = arith.select %gt3A, %scan3A_172, %broadcast_in_dim3A_180 : vector<16xi1>, vector<16xi32>
        %select_n3A_195 = arith.select %gt3A_184, %select_n3A_194, %scan3A_173 : vector<16xi1>, vector<16xi32>
        %select_n3A_196 = arith.select %gt3A_184, %scan3A_165, %gather3A_183 : vector<16xi1>, vector<16xf32>
        %select_n3A_197 = arith.select %gt3A_185, %select_n3A_196, %scan3A_166 : vector<16xi1>, vector<16xf32>
        %select_n3A_198 = arith.select %gt3A_184, %scan3A_173, %broadcast_in_dim3A_180 : vector<16xi1>, vector<16xi32>
        %select_n3A_199 = arith.select %gt3A_185, %select_n3A_198, %scan3A_174 : vector<16xi1>, vector<16xi32>
        %select_n3A_200 = arith.select %gt3A_185, %scan3A_166, %gather3A_183 : vector<16xi1>, vector<16xf32>
        %select_n3A_201 = arith.select %gt3A_186, %select_n3A_200, %scan3A_167 : vector<16xi1>, vector<16xf32>
        %select_n3A_202 = arith.select %gt3A_185, %scan3A_174, %broadcast_in_dim3A_180 : vector<16xi1>, vector<16xi32>
        %select_n3A_203 = arith.select %gt3A_186, %select_n3A_202, %scan3A_175 : vector<16xi1>, vector<16xi32>
        %select_n3A_204 = arith.select %gt3A_186, %scan3A_167, %gather3A_183 : vector<16xi1>, vector<16xf32>
        %select_n3A_205 = arith.select %gt3A_187, %select_n3A_204, %scan3A_168 : vector<16xi1>, vector<16xf32>
        %select_n3A_206 = arith.select %gt3A_186, %scan3A_175, %broadcast_in_dim3A_180 : vector<16xi1>, vector<16xi32>
        %select_n3A_207 = arith.select %gt3A_187, %select_n3A_206, %scan3A_176 : vector<16xi1>, vector<16xi32>
        %select_n3A_208 = arith.select %gt3A_187, %scan3A_168, %gather3A_183 : vector<16xi1>, vector<16xf32>
        %select_n3A_209 = arith.select %gt3A_188, %select_n3A_208, %scan3A_169 : vector<16xi1>, vector<16xf32>
        %select_n3A_210 = arith.select %gt3A_187, %scan3A_176, %broadcast_in_dim3A_180 : vector<16xi1>, vector<16xi32>
        %select_n3A_211 = arith.select %gt3A_188, %select_n3A_210, %scan3A_177 : vector<16xi1>, vector<16xi32>
        %select_n3A_212 = arith.select %gt3A_188, %scan3A_169, %gather3A_183 : vector<16xi1>, vector<16xf32>
        %select_n3A_213 = arith.select %gt3A_189, %select_n3A_212, %scan3A_170 : vector<16xi1>, vector<16xf32>
        %select_n3A_214 = arith.select %gt3A_188, %scan3A_177, %broadcast_in_dim3A_180 : vector<16xi1>, vector<16xi32>
        %select_n3A_215 = arith.select %gt3A_189, %select_n3A_214, %scan3A_178 : vector<16xi1>, vector<16xi32>
        %select_n3A_216 = arith.select %gt3A_189, %scan3A_170, %gather3A_183 : vector<16xi1>, vector<16xf32>
        %select_n3A_217 = arith.select %gt3A_190, %select_n3A_216, %scan3A_171 : vector<16xi1>, vector<16xf32>
        %select_n3A_218 = arith.select %gt3A_189, %scan3A_178, %broadcast_in_dim3A_180 : vector<16xi1>, vector<16xi32>
        %select_n3A_219 = arith.select %gt3A_190, %select_n3A_218, %scan3A_179 : vector<16xi1>, vector<16xi32>
        scf.yield %select_n3A, %select_n3A_193, %select_n3A_197, %select_n3A_201, %select_n3A_205, %select_n3A_209, %select_n3A_213, %select_n3A_217, %select_n3A_191, %select_n3A_195, %select_n3A_199, %select_n3A_203, %select_n3A_207, %select_n3A_211, %select_n3A_215, %select_n3A_219 : vector<16xf32>, vector<16xf32>, vector<16xf32>, vector<16xf32>, vector<16xf32>, vector<16xf32>, vector<16xf32>, vector<16xf32>, vector<16xi32>, vector<16xi32>, vector<16xi32>, vector<16xi32>, vector<16xi32>, vector<16xi32>, vector<16xi32>, vector<16xi32>
      }
      %scan3A_36 = arith.constant 64 : i32
      %mul3A_37 = arith.constant 8 : i32
      %mul3A_38 = vector.broadcast %mul3A_37 : i32 to vector<16xi32>
      %mul3A_39 = arith.muli %add3A_24, %mul3A_38 : vector<16xi32>
      %mul3A_40 = arith.constant 10 : i32
      %mul3A_41 = vector.broadcast %mul3A_40 : i32 to vector<16xi32>
      %mul3A_42 = arith.muli %add3A_24, %mul3A_41 : vector<16xi32>
      %gather3A = tpu.vector_load_idx %arg7[%scan3A_35#8] : memref<64xf32, #tpu.memory_space<vmem>>[vector<16xi32>], vector<16xf32>,
      %sub3A = arith.subf %scan3A_35#0, %gather3A : vector<16xf32>
      %mul3A_43 = arith.constant 2.500000e+00 : f32
      %mul3A_44 = vector.broadcast %mul3A_43 : f32 to vector<16xf32>
      %mul3A_45 = arith.mulf %sub3A, %mul3A_44 : vector<16xf32>
      %add3A_46 = arith.constant 0 : i32
      %add3A_47 = vector.broadcast %add3A_46 : i32 to vector<16xi32>
      %add3A_48 = arith.addi %mul3A_39, %add3A_47 : vector<16xi32>
      tpu.vector_store_idx %arg8[%add3A_48], %mul3A_45 : memref<1024xf32, #tpu.memory_space<vmem>>[vector<16xi32>], vector<16xf32>,
      %add3A_49 = arith.constant 2 : i32
      %add3A_50 = vector.broadcast %add3A_49 : i32 to vector<16xi32>
      %add3A_51 = arith.addi %mul3A_42, %add3A_50 : vector<16xi32>
      %add3A_52 = arith.constant 2 : i32
      %add3A_53 = vector.broadcast %add3A_52 : i32 to vector<16xi32>
      %add3A_54 = arith.addi %scan3A_35#8, %add3A_53 : vector<16xi32>
      tpu.vector_store_idx %arg9[%add3A_51], %add3A_54 : memref<1280xi32, #tpu.memory_space<vmem>>[vector<16xi32>], vector<16xi32>,
      %gather3A_55 = tpu.vector_load_idx %arg7[%scan3A_35#9] : memref<64xf32, #tpu.memory_space<vmem>>[vector<16xi32>], vector<16xf32>,
      %sub3A_56 = arith.subf %scan3A_35#1, %gather3A_55 : vector<16xf32>
      %mul3A_57 = arith.constant 2.500000e+00 : f32
      %mul3A_58 = vector.broadcast %mul3A_57 : f32 to vector<16xf32>
      %mul3A_59 = arith.mulf %sub3A_56, %mul3A_58 : vector<16xf32>
      %add3A_60 = arith.constant 1 : i32
      %add3A_61 = vector.broadcast %add3A_60 : i32 to vector<16xi32>
      %add3A_62 = arith.addi %mul3A_39, %add3A_61 : vector<16xi32>
      tpu.vector_store_idx %arg8[%add3A_62], %mul3A_59 : memref<1024xf32, #tpu.memory_space<vmem>>[vector<16xi32>], vector<16xf32>,
      %add3A_63 = arith.constant 3 : i32
      %add3A_64 = vector.broadcast %add3A_63 : i32 to vector<16xi32>
      %add3A_65 = arith.addi %mul3A_42, %add3A_64 : vector<16xi32>
      %add3A_66 = arith.constant 2 : i32
      %add3A_67 = vector.broadcast %add3A_66 : i32 to vector<16xi32>
      %add3A_68 = arith.addi %scan3A_35#9, %add3A_67 : vector<16xi32>
      tpu.vector_store_idx %arg9[%add3A_65], %add3A_68 : memref<1280xi32, #tpu.memory_space<vmem>>[vector<16xi32>], vector<16xi32>,
      %gather3A_69 = tpu.vector_load_idx %arg7[%scan3A_35#10] : memref<64xf32, #tpu.memory_space<vmem>>[vector<16xi32>], vector<16xf32>,
      %sub3A_70 = arith.subf %scan3A_35#2, %gather3A_69 : vector<16xf32>
      %mul3A_71 = arith.constant 2.500000e+00 : f32
      %mul3A_72 = vector.broadcast %mul3A_71 : f32 to vector<16xf32>
      %mul3A_73 = arith.mulf %sub3A_70, %mul3A_72 : vector<16xf32>
      %add3A_74 = arith.constant 2 : i32
      %add3A_75 = vector.broadcast %add3A_74 : i32 to vector<16xi32>
      %add3A_76 = arith.addi %mul3A_39, %add3A_75 : vector<16xi32>
      tpu.vector_store_idx %arg8[%add3A_76], %mul3A_73 : memref<1024xf32, #tpu.memory_space<vmem>>[vector<16xi32>], vector<16xf32>,
      %add3A_77 = arith.constant 4 : i32
      %add3A_78 = vector.broadcast %add3A_77 : i32 to vector<16xi32>
      %add3A_79 = arith.addi %mul3A_42, %add3A_78 : vector<16xi32>
      %add3A_80 = arith.constant 2 : i32
      %add3A_81 = vector.broadcast %add3A_80 : i32 to vector<16xi32>
      %add3A_82 = arith.addi %scan3A_35#10, %add3A_81 : vector<16xi32>
      tpu.vector_store_idx %arg9[%add3A_79], %add3A_82 : memref<1280xi32, #tpu.memory_space<vmem>>[vector<16xi32>], vector<16xi32>,
      %gather3A_83 = tpu.vector_load_idx %arg7[%scan3A_35#11] : memref<64xf32, #tpu.memory_space<vmem>>[vector<16xi32>], vector<16xf32>,
      %sub3A_84 = arith.subf %scan3A_35#3, %gather3A_83 : vector<16xf32>
      %mul3A_85 = arith.constant 2.500000e+00 : f32
      %mul3A_86 = vector.broadcast %mul3A_85 : f32 to vector<16xf32>
      %mul3A_87 = arith.mulf %sub3A_84, %mul3A_86 : vector<16xf32>
      %add3A_88 = arith.constant 3 : i32
      %add3A_89 = vector.broadcast %add3A_88 : i32 to vector<16xi32>
      %add3A_90 = arith.addi %mul3A_39, %add3A_89 : vector<16xi32>
      tpu.vector_store_idx %arg8[%add3A_90], %mul3A_87 : memref<1024xf32, #tpu.memory_space<vmem>>[vector<16xi32>], vector<16xf32>,
      %add3A_91 = arith.constant 5 : i32
      %add3A_92 = vector.broadcast %add3A_91 : i32 to vector<16xi32>
      %add3A_93 = arith.addi %mul3A_42, %add3A_92 : vector<16xi32>
      %add3A_94 = arith.constant 2 : i32
      %add3A_95 = vector.broadcast %add3A_94 : i32 to vector<16xi32>
      %add3A_96 = arith.addi %scan3A_35#11, %add3A_95 : vector<16xi32>
      tpu.vector_store_idx %arg9[%add3A_93], %add3A_96 : memref<1280xi32, #tpu.memory_space<vmem>>[vector<16xi32>], vector<16xi32>,
      %gather3A_97 = tpu.vector_load_idx %arg7[%scan3A_35#12] : memref<64xf32, #tpu.memory_space<vmem>>[vector<16xi32>], vector<16xf32>,
      %sub3A_98 = arith.subf %scan3A_35#4, %gather3A_97 : vector<16xf32>
      %mul3A_99 = arith.constant 2.500000e+00 : f32
      %mul3A_100 = vector.broadcast %mul3A_99 : f32 to vector<16xf32>
      %mul3A_101 = arith.mulf %sub3A_98, %mul3A_100 : vector<16xf32>
      %add3A_102 = arith.constant 4 : i32
      %add3A_103 = vector.broadcast %add3A_102 : i32 to vector<16xi32>
      %add3A_104 = arith.addi %mul3A_39, %add3A_103 : vector<16xi32>
      tpu.vector_store_idx %arg8[%add3A_104], %mul3A_101 : memref<1024xf32, #tpu.memory_space<vmem>>[vector<16xi32>], vector<16xf32>,
      %add3A_105 = arith.constant 6 : i32
      %add3A_106 = vector.broadcast %add3A_105 : i32 to vector<16xi32>
      %add3A_107 = arith.addi %mul3A_42, %add3A_106 : vector<16xi32>
      %add3A_108 = arith.constant 2 : i32
      %add3A_109 = vector.broadcast %add3A_108 : i32 to vector<16xi32>
      %add3A_110 = arith.addi %scan3A_35#12, %add3A_109 : vector<16xi32>
      tpu.vector_store_idx %arg9[%add3A_107], %add3A_110 : memref<1280xi32, #tpu.memory_space<vmem>>[vector<16xi32>], vector<16xi32>,
      %gather3A_111 = tpu.vector_load_idx %arg7[%scan3A_35#13] : memref<64xf32, #tpu.memory_space<vmem>>[vector<16xi32>], vector<16xf32>,
      %sub3A_112 = arith.subf %scan3A_35#5, %gather3A_111 : vector<16xf32>
      %mul3A_113 = arith.constant 2.500000e+00 : f32
      %mul3A_114 = vector.broadcast %mul3A_113 : f32 to vector<16xf32>
      %mul3A_115 = arith.mulf %sub3A_112, %mul3A_114 : vector<16xf32>
      %add3A_116 = arith.constant 5 : i32
      %add3A_117 = vector.broadcast %add3A_116 : i32 to vector<16xi32>
      %add3A_118 = arith.addi %mul3A_39, %add3A_117 : vector<16xi32>
      tpu.vector_store_idx %arg8[%add3A_118], %mul3A_115 : memref<1024xf32, #tpu.memory_space<vmem>>[vector<16xi32>], vector<16xf32>,
      %add3A_119 = arith.constant 7 : i32
      %add3A_120 = vector.broadcast %add3A_119 : i32 to vector<16xi32>
      %add3A_121 = arith.addi %mul3A_42, %add3A_120 : vector<16xi32>
      %add3A_122 = arith.constant 2 : i32
      %add3A_123 = vector.broadcast %add3A_122 : i32 to vector<16xi32>
      %add3A_124 = arith.addi %scan3A_35#13, %add3A_123 : vector<16xi32>
      tpu.vector_store_idx %arg9[%add3A_121], %add3A_124 : memref<1280xi32, #tpu.memory_space<vmem>>[vector<16xi32>], vector<16xi32>,
      %gather3A_125 = tpu.vector_load_idx %arg7[%scan3A_35#14] : memref<64xf32, #tpu.memory_space<vmem>>[vector<16xi32>], vector<16xf32>,
      %sub3A_126 = arith.subf %scan3A_35#6, %gather3A_125 : vector<16xf32>
      %mul3A_127 = arith.constant 2.500000e+00 : f32
      %mul3A_128 = vector.broadcast %mul3A_127 : f32 to vector<16xf32>
      %mul3A_129 = arith.mulf %sub3A_126, %mul3A_128 : vector<16xf32>
      %add3A_130 = arith.constant 6 : i32
      %add3A_131 = vector.broadcast %add3A_130 : i32 to vector<16xi32>
      %add3A_132 = arith.addi %mul3A_39, %add3A_131 : vector<16xi32>
      tpu.vector_store_idx %arg8[%add3A_132], %mul3A_129 : memref<1024xf32, #tpu.memory_space<vmem>>[vector<16xi32>], vector<16xf32>,
      %add3A_133 = arith.constant 8 : i32
      %add3A_134 = vector.broadcast %add3A_133 : i32 to vector<16xi32>
      %add3A_135 = arith.addi %mul3A_42, %add3A_134 : vector<16xi32>
      %add3A_136 = arith.constant 2 : i32
      %add3A_137 = vector.broadcast %add3A_136 : i32 to vector<16xi32>
      %add3A_138 = arith.addi %scan3A_35#14, %add3A_137 : vector<16xi32>
      tpu.vector_store_idx %arg9[%add3A_135], %add3A_138 : memref<1280xi32, #tpu.memory_space<vmem>>[vector<16xi32>], vector<16xi32>,
      %gather3A_139 = tpu.vector_load_idx %arg7[%scan3A_35#15] : memref<64xf32, #tpu.memory_space<vmem>>[vector<16xi32>], vector<16xf32>,
      %sub3A_140 = arith.subf %scan3A_35#7, %gather3A_139 : vector<16xf32>
      %mul3A_141 = arith.constant 2.500000e+00 : f32
      %mul3A_142 = vector.broadcast %mul3A_141 : f32 to vector<16xf32>
      %mul3A_143 = arith.mulf %sub3A_140, %mul3A_142 : vector<16xf32>
      %add3A_144 = arith.constant 7 : i32
      %add3A_145 = vector.broadcast %add3A_144 : i32 to vector<16xi32>
      %add3A_146 = arith.addi %mul3A_39, %add3A_145 : vector<16xi32>
      tpu.vector_store_idx %arg8[%add3A_146], %mul3A_143 : memref<1024xf32, #tpu.memory_space<vmem>>[vector<16xi32>], vector<16xf32>,
      %add3A_147 = arith.constant 9 : i32
      %add3A_148 = vector.broadcast %add3A_147 : i32 to vector<16xi32>
      %add3A_149 = arith.addi %mul3A_42, %add3A_148 : vector<16xi32>
      %add3A_150 = arith.constant 2 : i32
      %add3A_151 = vector.broadcast %add3A_150 : i32 to vector<16xi32>
      %add3A_152 = arith.addi %scan3A_35#15, %add3A_151 : vector<16xi32>
      tpu.vector_store_idx %arg9[%add3A_149], %add3A_152 : memref<1280xi32, #tpu.memory_space<vmem>>[vector<16xi32>], vector<16xi32>,
      %add3A_153 = arith.constant 0 : i32
      %add3A_154 = vector.broadcast %add3A_153 : i32 to vector<16xi32>
      %add3A_155 = arith.addi %mul3A_42, %add3A_154 : vector<16xi32>
      %broadcast_in_dim3A_156 = arith.constant 0 : i32
      %broadcast_in_dim3A_157 = vector.broadcast %broadcast_in_dim3A_156 : i32 to vector<16xi32>
      tpu.vector_store_idx %arg9[%add3A_155], %broadcast_in_dim3A_157 : memref<1280xi32, #tpu.memory_space<vmem>>[vector<16xi32>], vector<16xi32>,
      %add3A_158 = arith.constant 1 : i32
      %add3A_159 = vector.broadcast %add3A_158 : i32 to vector<16xi32>
      %add3A_160 = arith.addi %mul3A_42, %add3A_159 : vector<16xi32>
      %broadcast_in_dim3A_161 = arith.constant 1 : i32
      %broadcast_in_dim3A_162 = vector.broadcast %broadcast_in_dim3A_161 : i32 to vector<16xi32>
      tpu.vector_store_idx %arg9[%add3A_160], %broadcast_in_dim3A_162 : memref<1280xi32, #tpu.memory_space<vmem>>[vector<16xi32>], vector<16xi32>,
    }
    %scan3A_11 = arith.constant 8 : i32
    %mul3A_12 = arith.constant 128 : i32
    %mul3A_13 = arith.muli %add3A, %mul3A_12 : i32
    %mul3A_14 = arith.constant 8 : i32
    %mul3A_15 = arith.muli %mul3A_13, %mul3A_14 : i32
    "tpu.region"() ({
      %run_scoped3A = tpu.sem_alloc : memref<!tpu.dma_semaphore, #tpu.memory_space<semaphore_mem>>
      %dma_start3A = tpu.memref_slice %arg4[%mul3A_15] : memref<32768xf32, #tpu.memory_space<hbm>> -> memref<1024xf32, #tpu.memory_space<hbm>>
      %dma_start3A_20 = tpu.memref_slice %arg4[%mul3A_15] : memref<32768xf32, #tpu.memory_space<hbm>> -> memref<1024xf32, #tpu.memory_space<hbm>>
      tpu.enqueue_dma source(%arg8 : memref<1024xf32, #tpu.memory_space<vmem>>) target(%dma_start3A_20 : memref<1024xf32, #tpu.memory_space<hbm>>) target_semaphore(%run_scoped3A : memref<!tpu.dma_semaphore, #tpu.memory_space<semaphore_mem>>)
      %dma_wait3A = tpu.memref_slice %arg4[%mul3A_15] : memref<32768xf32, #tpu.memory_space<hbm>> -> memref<1024xf32, #tpu.memory_space<hbm>>
      %dma_wait3A_21 = tpu.memref_slice %arg4[%mul3A_15] : memref<32768xf32, #tpu.memory_space<hbm>> -> memref<1024xf32, #tpu.memory_space<hbm>>
      tpu.wait_dma2 semaphore(%run_scoped3A : memref<!tpu.dma_semaphore, #tpu.memory_space<semaphore_mem>>) src(%arg8 : memref<1024xf32, #tpu.memory_space<vmem>>) dst(%dma_wait3A_21 : memref<1024xf32, #tpu.memory_space<hbm>>)
      tpu.yield
    }) : () -> ()
    %mul3A_16 = arith.constant 128 : i32
    %mul3A_17 = arith.muli %add3A, %mul3A_16 : i32
    %mul3A_18 = arith.constant 10 : i32
    %mul3A_19 = arith.muli %mul3A_17, %mul3A_18 : i32
    "tpu.region"() ({
      %run_scoped3A = tpu.sem_alloc : memref<!tpu.dma_semaphore, #tpu.memory_space<semaphore_mem>>
      %dma_start3A = tpu.memref_slice %arg5[%mul3A_19] : memref<40960xi32, #tpu.memory_space<hbm>> -> memref<1280xi32, #tpu.memory_space<hbm>>
      %dma_start3A_20 = tpu.memref_slice %arg5[%mul3A_19] : memref<40960xi32, #tpu.memory_space<hbm>> -> memref<1280xi32, #tpu.memory_space<hbm>>
      tpu.enqueue_dma source(%arg9 : memref<1280xi32, #tpu.memory_space<vmem>>) target(%dma_start3A_20 : memref<1280xi32, #tpu.memory_space<hbm>>) target_semaphore(%run_scoped3A : memref<!tpu.dma_semaphore, #tpu.memory_space<semaphore_mem>>)
      %dma_wait3A = tpu.memref_slice %arg5[%mul3A_19] : memref<40960xi32, #tpu.memory_space<hbm>> -> memref<1280xi32, #tpu.memory_space<hbm>>
      %dma_wait3A_21 = tpu.memref_slice %arg5[%mul3A_19] : memref<40960xi32, #tpu.memory_space<hbm>> -> memref<1280xi32, #tpu.memory_space<hbm>>
      tpu.wait_dma2 semaphore(%run_scoped3A : memref<!tpu.dma_semaphore, #tpu.memory_space<semaphore_mem>>) src(%arg9 : memref<1280xi32, #tpu.memory_space<vmem>>) dst(%dma_wait3A_21 : memref<1280xi32, #tpu.memory_space<hbm>>)
      tpu.yield
    }) : () -> ()
    return
  }
}

#map = affine_map<(d0, d1) -> (0)>
module attributes {stable_mosaic.version = 14 : i64} {
  func.func @_topk_body(%arg0: i32, %arg1: i32, %arg2: memref<524288xf32, #tpu.memory_space<hbm>>, %arg3: memref<64xf32, #tpu.memory_space<hbm>>, %arg4: memref<32768xf32, #tpu.memory_space<hbm>>, %arg5: memref<40960xi32, #tpu.memory_space<hbm>>, %arg6: memref<16384xf32, #tpu.memory_space<vmem>>, %arg7: memref<64xf32, #tpu.memory_space<vmem>>, %arg8: memref<1024xf32, #tpu.memory_space<vmem>>, %arg9: memref<1280xi32, #tpu.memory_space<vmem>>) attributes {dimension_semantics = [#tpu.dimension_semantics<core_parallel>, #tpu.dimension_semantics<subcore_parallel>], iteration_bounds = array<i64: 2, 16>, scalar_prefetch = 0 : i64, scratch_operands = 4 : i64, tpu.core_type = #tpu.core_type<sc_vector_subcore>, window_params = [{transform_indices = #map}, {transform_indices = #map}, {transform_indices = #map}, {transform_indices = #map}]} {
    %mul3A = arith.constant 2 : i32
    %mul3A_0 = arith.muli %arg1, %mul3A : i32
    %add3A = arith.addi %mul3A_0, %arg0 : i32
    %mul3A_1 = arith.constant 128 : i32
    %mul3A_2 = arith.muli %add3A, %mul3A_1 : i32
    %mul3A_3 = arith.constant 2 : i32
    %mul3A_4 = arith.muli %mul3A_2, %mul3A_3 : i32
    %mul3A_5 = arith.constant 64 : i32
    %mul3A_6 = arith.muli %mul3A_4, %mul3A_5 : i32
    "tpu.region"() ({
      %run_scoped3A = tpu.sem_alloc : memref<!tpu.dma_semaphore, #tpu.memory_space<semaphore_mem>>
      %dma_start3A = tpu.memref_slice %arg2[%mul3A_6] : memref<524288xf32, #tpu.memory_space<hbm>> -> memref<16384xf32, #tpu.memory_space<hbm>>
      %dma_start3A_20 = tpu.memref_slice %arg2[%mul3A_6] : memref<524288xf32, #tpu.memory_space<hbm>> -> memref<16384xf32, #tpu.memory_space<hbm>>
      tpu.enqueue_dma source(%dma_start3A_20 : memref<16384xf32, #tpu.memory_space<hbm>>) target(%arg6 : memref<16384xf32, #tpu.memory_space<vmem>>) target_semaphore(%run_scoped3A : memref<!tpu.dma_semaphore, #tpu.memory_space<semaphore_mem>>)
      %dma_wait3A = tpu.memref_slice %arg2[%mul3A_6] : memref<524288xf32, #tpu.memory_space<hbm>> -> memref<16384xf32, #tpu.memory_space<hbm>>
      %dma_wait3A_21 = tpu.memref_slice %arg2[%mul3A_6] : memref<524288xf32, #tpu.memory_space<hbm>> -> memref<16384xf32, #tpu.memory_space<hbm>>
      tpu.wait_dma2 semaphore(%run_scoped3A : memref<!tpu.dma_semaphore, #tpu.memory_space<semaphore_mem>>) src(%dma_wait3A_21 : memref<16384xf32, #tpu.memory_space<hbm>>) dst(%arg6 : memref<16384xf32, #tpu.memory_space<vmem>>)
      tpu.yield
    }) : () -> ()
    "tpu.region"() ({
      %run_scoped3A = tpu.sem_alloc : memref<!tpu.dma_semaphore, #tpu.memory_space<semaphore_mem>>
      tpu.enqueue_dma source(%arg3 : memref<64xf32, #tpu.memory_space<hbm>>) target(%arg7 : memref<64xf32, #tpu.memory_space<vmem>>) target_semaphore(%run_scoped3A : memref<!tpu.dma_semaphore, #tpu.memory_space<semaphore_mem>>)
      tpu.wait_dma2 semaphore(%run_scoped3A : memref<!tpu.dma_semaphore, #tpu.memory_space<semaphore_mem>>) src(%arg3 : memref<64xf32, #tpu.memory_space<hbm>>) dst(%arg7 : memref<64xf32, #tpu.memory_space<vmem>>)
      tpu.yield
    }) : () -> ()
    %scan3A = arith.constant 0 : i32
    %scan3A_7 = arith.constant 0 : i32
    %scan3A_8 = arith.constant 8 : i32
    %scan3A_9 = arith.addi %scan3A_7, %scan3A_8 : i32
    %scan3A_10 = arith.constant 1 : i32
    scf.for %scan3A_20 = %scan3A_7 to %scan3A_9 step %scan3A_10  : i32 {
      %iota3A = tpu.iota {dimensions = array<i32: 0>} : vector<16xi32>
      %mul3A_21 = arith.constant 16 : i32
      %mul3A_22 = arith.muli %scan3A_20, %mul3A_21 : i32
      %add3A_23 = vector.broadcast %mul3A_22 : i32 to vector<16xi32>
      %add3A_24 = arith.addi %iota3A, %add3A_23 : vector<16xi32>
      %mul3A_25 = arith.constant 128 : i32
      %mul3A_26 = vector.broadcast %mul3A_25 : i32 to vector<16xi32>
      %mul3A_27 = arith.muli %add3A_24, %mul3A_26 : vector<16xi32>
      %broadcast_in_dim3A = arith.constant 0xFF800000 : f32
      %broadcast_in_dim3A_28 = vector.broadcast %broadcast_in_dim3A : f32 to vector<16xf32>
      %broadcast_in_dim3A_29 = arith.constant 0 : i32
      %broadcast_in_dim3A_30 = vector.broadcast %broadcast_in_dim3A_29 : i32 to vector<16xi32>
      %scan3A_31 = arith.constant 0 : i32
      %scan3A_32 = arith.constant 64 : i32
      %scan3A_33 = arith.addi %scan3A_31, %scan3A_32 : i32
      %scan3A_34 = arith.constant 1 : i32
      %scan3A_35:16 = scf.for %scan3A_163 = %scan3A_31 to %scan3A_33 step %scan3A_34 iter_args(%scan3A_164 = %broadcast_in_dim3A_28, %scan3A_165 = %broadcast_in_dim3A_28, %scan3A_166 = %broadcast_in_dim3A_28, %scan3A_167 = %broadcast_in_dim3A_28, %scan3A_168 = %broadcast_in_dim3A_28, %scan3A_169 = %broadcast_in_dim3A_28, %scan3A_170 = %broadcast_in_dim3A_28, %scan3A_171 = %broadcast_in_dim3A_28, %scan3A_172 = %broadcast_in_dim3A_30, %scan3A_173 = %broadcast_in_dim3A_30, %scan3A_174 = %broadcast_in_dim3A_30, %scan3A_175 = %broadcast_in_dim3A_30, %scan3A_176 = %broadcast_in_dim3A_30, %scan3A_177 = %broadcast_in_dim3A_30, %scan3A_178 = %broadcast_in_dim3A_30, %scan3A_179 = %broadcast_in_dim3A_30) -> (vector<16xf32>, vector<16xf32>, vector<16xf32>, vector<16xf32>, vector<16xf32>, vector<16xf32>, vector<16xf32>, vector<16xf32>, vector<16xi32>, vector<16xi32>, vector<16xi32>, vector<16xi32>, vector<16xi32>, vector<16xi32>, vector<16xi32>, vector<16xi32>)  : i32 {
        %broadcast_in_dim3A_180 = vector.broadcast %scan3A_163 : i32 to vector<16xi32>
        %add3A_181 = vector.broadcast %scan3A_163 : i32 to vector<16xi32>
        %add3A_182 = arith.addi %mul3A_27, %add3A_181 : vector<16xi32>
        %gather3A_183 = tpu.vector_load_idx %arg6[%add3A_182] : memref<16384xf32, #tpu.memory_space<vmem>>[vector<16xi32>], vector<16xf32>,
        %gt3A = arith.cmpf ogt, %gather3A_183, %scan3A_164 : vector<16xf32>
        %gt3A_184 = arith.cmpf ogt, %gather3A_183, %scan3A_165 : vector<16xf32>
        %gt3A_185 = arith.cmpf ogt, %gather3A_183, %scan3A_166 : vector<16xf32>
        %gt3A_186 = arith.cmpf ogt, %gather3A_183, %scan3A_167 : vector<16xf32>
        %gt3A_187 = arith.cmpf ogt, %gather3A_183, %scan3A_168 : vector<16xf32>
        %gt3A_188 = arith.cmpf ogt, %gather3A_183, %scan3A_169 : vector<16xf32>
        %gt3A_189 = arith.cmpf ogt, %gather3A_183, %scan3A_170 : vector<16xf32>
        %gt3A_190 = arith.cmpf ogt, %gather3A_183, %scan3A_171 : vector<16xf32>
        %select_n3A = arith.select %gt3A, %gather3A_183, %scan3A_164 : vector<16xi1>, vector<16xf32>
        %select_n3A_191 = arith.select %gt3A, %broadcast_in_dim3A_180, %scan3A_172 : vector<16xi1>, vector<16xi32>
        %select_n3A_192 = arith.select %gt3A, %scan3A_164, %gather3A_183 : vector<16xi1>, vector<16xf32>
        %select_n3A_193 = arith.select %gt3A_184, %select_n3A_192, %scan3A_165 : vector<16xi1>, vector<16xf32>
        %select_n3A_194 = arith.select %gt3A, %scan3A_172, %broadcast_in_dim3A_180 : vector<16xi1>, vector<16xi32>
        %select_n3A_195 = arith.select %gt3A_184, %select_n3A_194, %scan3A_173 : vector<16xi1>, vector<16xi32>
        %select_n3A_196 = arith.select %gt3A_184, %scan3A_165, %gather3A_183 : vector<16xi1>, vector<16xf32>
        %select_n3A_197 = arith.select %gt3A_185, %select_n3A_196, %scan3A_166 : vector<16xi1>, vector<16xf32>
        %select_n3A_198 = arith.select %gt3A_184, %scan3A_173, %broadcast_in_dim3A_180 : vector<16xi1>, vector<16xi32>
        %select_n3A_199 = arith.select %gt3A_185, %select_n3A_198, %scan3A_174 : vector<16xi1>, vector<16xi32>
        %select_n3A_200 = arith.select %gt3A_185, %scan3A_166, %gather3A_183 : vector<16xi1>, vector<16xf32>
        %select_n3A_201 = arith.select %gt3A_186, %select_n3A_200, %scan3A_167 : vector<16xi1>, vector<16xf32>
        %select_n3A_202 = arith.select %gt3A_185, %scan3A_174, %broadcast_in_dim3A_180 : vector<16xi1>, vector<16xi32>
        %select_n3A_203 = arith.select %gt3A_186, %select_n3A_202, %scan3A_175 : vector<16xi1>, vector<16xi32>
        %select_n3A_204 = arith.select %gt3A_186, %scan3A_167, %gather3A_183 : vector<16xi1>, vector<16xf32>
        %select_n3A_205 = arith.select %gt3A_187, %select_n3A_204, %scan3A_168 : vector<16xi1>, vector<16xf32>
        %select_n3A_206 = arith.select %gt3A_186, %scan3A_175, %broadcast_in_dim3A_180 : vector<16xi1>, vector<16xi32>
        %select_n3A_207 = arith.select %gt3A_187, %select_n3A_206, %scan3A_176 : vector<16xi1>, vector<16xi32>
        %select_n3A_208 = arith.select %gt3A_187, %scan3A_168, %gather3A_183 : vector<16xi1>, vector<16xf32>
        %select_n3A_209 = arith.select %gt3A_188, %select_n3A_208, %scan3A_169 : vector<16xi1>, vector<16xf32>
        %select_n3A_210 = arith.select %gt3A_187, %scan3A_176, %broadcast_in_dim3A_180 : vector<16xi1>, vector<16xi32>
        %select_n3A_211 = arith.select %gt3A_188, %select_n3A_210, %scan3A_177 : vector<16xi1>, vector<16xi32>
        %select_n3A_212 = arith.select %gt3A_188, %scan3A_169, %gather3A_183 : vector<16xi1>, vector<16xf32>
        %select_n3A_213 = arith.select %gt3A_189, %select_n3A_212, %scan3A_170 : vector<16xi1>, vector<16xf32>
        %select_n3A_214 = arith.select %gt3A_188, %scan3A_177, %broadcast_in_dim3A_180 : vector<16xi1>, vector<16xi32>
        %select_n3A_215 = arith.select %gt3A_189, %select_n3A_214, %scan3A_178 : vector<16xi1>, vector<16xi32>
        %select_n3A_216 = arith.select %gt3A_189, %scan3A_170, %gather3A_183 : vector<16xi1>, vector<16xf32>
        %select_n3A_217 = arith.select %gt3A_190, %select_n3A_216, %scan3A_171 : vector<16xi1>, vector<16xf32>
        %select_n3A_218 = arith.select %gt3A_189, %scan3A_178, %broadcast_in_dim3A_180 : vector<16xi1>, vector<16xi32>
        %select_n3A_219 = arith.select %gt3A_190, %select_n3A_218, %scan3A_179 : vector<16xi1>, vector<16xi32>
        scf.yield %select_n3A, %select_n3A_193, %select_n3A_197, %select_n3A_201, %select_n3A_205, %select_n3A_209, %select_n3A_213, %select_n3A_217, %select_n3A_191, %select_n3A_195, %select_n3A_199, %select_n3A_203, %select_n3A_207, %select_n3A_211, %select_n3A_215, %select_n3A_219 : vector<16xf32>, vector<16xf32>, vector<16xf32>, vector<16xf32>, vector<16xf32>, vector<16xf32>, vector<16xf32>, vector<16xf32>, vector<16xi32>, vector<16xi32>, vector<16xi32>, vector<16xi32>, vector<16xi32>, vector<16xi32>, vector<16xi32>, vector<16xi32>
      }
      %scan3A_36 = arith.constant 64 : i32
      %mul3A_37 = arith.constant 8 : i32
      %mul3A_38 = vector.broadcast %mul3A_37 : i32 to vector<16xi32>
      %mul3A_39 = arith.muli %add3A_24, %mul3A_38 : vector<16xi32>
      %mul3A_40 = arith.constant 10 : i32
      %mul3A_41 = vector.broadcast %mul3A_40 : i32 to vector<16xi32>
      %mul3A_42 = arith.muli %add3A_24, %mul3A_41 : vector<16xi32>
      %gather3A = tpu.vector_load_idx %arg7[%scan3A_35#8] : memref<64xf32, #tpu.memory_space<vmem>>[vector<16xi32>], vector<16xf32>,
      %sub3A = arith.subf %scan3A_35#0, %gather3A : vector<16xf32>
      %mul3A_43 = arith.constant 2.500000e+00 : f32
      %mul3A_44 = vector.broadcast %mul3A_43 : f32 to vector<16xf32>
      %mul3A_45 = arith.mulf %sub3A, %mul3A_44 : vector<16xf32>
      %add3A_46 = arith.constant 0 : i32
      %add3A_47 = vector.broadcast %add3A_46 : i32 to vector<16xi32>
      %add3A_48 = arith.addi %mul3A_39, %add3A_47 : vector<16xi32>
      tpu.vector_store_idx %arg8[%add3A_48], %mul3A_45 : memref<1024xf32, #tpu.memory_space<vmem>>[vector<16xi32>], vector<16xf32>,
      %add3A_49 = arith.constant 2 : i32
      %add3A_50 = vector.broadcast %add3A_49 : i32 to vector<16xi32>
      %add3A_51 = arith.addi %mul3A_42, %add3A_50 : vector<16xi32>
      %add3A_52 = arith.constant 2 : i32
      %add3A_53 = vector.broadcast %add3A_52 : i32 to vector<16xi32>
      %add3A_54 = arith.addi %scan3A_35#8, %add3A_53 : vector<16xi32>
      tpu.vector_store_idx %arg9[%add3A_51], %add3A_54 : memref<1280xi32, #tpu.memory_space<vmem>>[vector<16xi32>], vector<16xi32>,
      %gather3A_55 = tpu.vector_load_idx %arg7[%scan3A_35#9] : memref<64xf32, #tpu.memory_space<vmem>>[vector<16xi32>], vector<16xf32>,
      %sub3A_56 = arith.subf %scan3A_35#1, %gather3A_55 : vector<16xf32>
      %mul3A_57 = arith.constant 2.500000e+00 : f32
      %mul3A_58 = vector.broadcast %mul3A_57 : f32 to vector<16xf32>
      %mul3A_59 = arith.mulf %sub3A_56, %mul3A_58 : vector<16xf32>
      %add3A_60 = arith.constant 1 : i32
      %add3A_61 = vector.broadcast %add3A_60 : i32 to vector<16xi32>
      %add3A_62 = arith.addi %mul3A_39, %add3A_61 : vector<16xi32>
      tpu.vector_store_idx %arg8[%add3A_62], %mul3A_59 : memref<1024xf32, #tpu.memory_space<vmem>>[vector<16xi32>], vector<16xf32>,
      %add3A_63 = arith.constant 3 : i32
      %add3A_64 = vector.broadcast %add3A_63 : i32 to vector<16xi32>
      %add3A_65 = arith.addi %mul3A_42, %add3A_64 : vector<16xi32>
      %add3A_66 = arith.constant 2 : i32
      %add3A_67 = vector.broadcast %add3A_66 : i32 to vector<16xi32>
      %add3A_68 = arith.addi %scan3A_35#9, %add3A_67 : vector<16xi32>
      tpu.vector_store_idx %arg9[%add3A_65], %add3A_68 : memref<1280xi32, #tpu.memory_space<vmem>>[vector<16xi32>], vector<16xi32>,
      %gather3A_69 = tpu.vector_load_idx %arg7[%scan3A_35#10] : memref<64xf32, #tpu.memory_space<vmem>>[vector<16xi32>], vector<16xf32>,
      %sub3A_70 = arith.subf %scan3A_35#2, %gather3A_69 : vector<16xf32>
      %mul3A_71 = arith.constant 2.500000e+00 : f32
      %mul3A_72 = vector.broadcast %mul3A_71 : f32 to vector<16xf32>
      %mul3A_73 = arith.mulf %sub3A_70, %mul3A_72 : vector<16xf32>
      %add3A_74 = arith.constant 2 : i32
      %add3A_75 = vector.broadcast %add3A_74 : i32 to vector<16xi32>
      %add3A_76 = arith.addi %mul3A_39, %add3A_75 : vector<16xi32>
      tpu.vector_store_idx %arg8[%add3A_76], %mul3A_73 : memref<1024xf32, #tpu.memory_space<vmem>>[vector<16xi32>], vector<16xf32>,
      %add3A_77 = arith.constant 4 : i32
      %add3A_78 = vector.broadcast %add3A_77 : i32 to vector<16xi32>
      %add3A_79 = arith.addi %mul3A_42, %add3A_78 : vector<16xi32>
      %add3A_80 = arith.constant 2 : i32
      %add3A_81 = vector.broadcast %add3A_80 : i32 to vector<16xi32>
      %add3A_82 = arith.addi %scan3A_35#10, %add3A_81 : vector<16xi32>
      tpu.vector_store_idx %arg9[%add3A_79], %add3A_82 : memref<1280xi32, #tpu.memory_space<vmem>>[vector<16xi32>], vector<16xi32>,
      %gather3A_83 = tpu.vector_load_idx %arg7[%scan3A_35#11] : memref<64xf32, #tpu.memory_space<vmem>>[vector<16xi32>], vector<16xf32>,
      %sub3A_84 = arith.subf %scan3A_35#3, %gather3A_83 : vector<16xf32>
      %mul3A_85 = arith.constant 2.500000e+00 : f32
      %mul3A_86 = vector.broadcast %mul3A_85 : f32 to vector<16xf32>
      %mul3A_87 = arith.mulf %sub3A_84, %mul3A_86 : vector<16xf32>
      %add3A_88 = arith.constant 3 : i32
      %add3A_89 = vector.broadcast %add3A_88 : i32 to vector<16xi32>
      %add3A_90 = arith.addi %mul3A_39, %add3A_89 : vector<16xi32>
      tpu.vector_store_idx %arg8[%add3A_90], %mul3A_87 : memref<1024xf32, #tpu.memory_space<vmem>>[vector<16xi32>], vector<16xf32>,
      %add3A_91 = arith.constant 5 : i32
      %add3A_92 = vector.broadcast %add3A_91 : i32 to vector<16xi32>
      %add3A_93 = arith.addi %mul3A_42, %add3A_92 : vector<16xi32>
      %add3A_94 = arith.constant 2 : i32
      %add3A_95 = vector.broadcast %add3A_94 : i32 to vector<16xi32>
      %add3A_96 = arith.addi %scan3A_35#11, %add3A_95 : vector<16xi32>
      tpu.vector_store_idx %arg9[%add3A_93], %add3A_96 : memref<1280xi32, #tpu.memory_space<vmem>>[vector<16xi32>], vector<16xi32>,
      %gather3A_97 = tpu.vector_load_idx %arg7[%scan3A_35#12] : memref<64xf32, #tpu.memory_space<vmem>>[vector<16xi32>], vector<16xf32>,
      %sub3A_98 = arith.subf %scan3A_35#4, %gather3A_97 : vector<16xf32>
      %mul3A_99 = arith.constant 2.500000e+00 : f32
      %mul3A_100 = vector.broadcast %mul3A_99 : f32 to vector<16xf32>
      %mul3A_101 = arith.mulf %sub3A_98, %mul3A_100 : vector<16xf32>
      %add3A_102 = arith.constant 4 : i32
      %add3A_103 = vector.broadcast %add3A_102 : i32 to vector<16xi32>
      %add3A_104 = arith.addi %mul3A_39, %add3A_103 : vector<16xi32>
      tpu.vector_store_idx %arg8[%add3A_104], %mul3A_101 : memref<1024xf32, #tpu.memory_space<vmem>>[vector<16xi32>], vector<16xf32>,
      %add3A_105 = arith.constant 6 : i32
      %add3A_106 = vector.broadcast %add3A_105 : i32 to vector<16xi32>
      %add3A_107 = arith.addi %mul3A_42, %add3A_106 : vector<16xi32>
      %add3A_108 = arith.constant 2 : i32
      %add3A_109 = vector.broadcast %add3A_108 : i32 to vector<16xi32>
      %add3A_110 = arith.addi %scan3A_35#12, %add3A_109 : vector<16xi32>
      tpu.vector_store_idx %arg9[%add3A_107], %add3A_110 : memref<1280xi32, #tpu.memory_space<vmem>>[vector<16xi32>], vector<16xi32>,
      %gather3A_111 = tpu.vector_load_idx %arg7[%scan3A_35#13] : memref<64xf32, #tpu.memory_space<vmem>>[vector<16xi32>], vector<16xf32>,
      %sub3A_112 = arith.subf %scan3A_35#5, %gather3A_111 : vector<16xf32>
      %mul3A_113 = arith.constant 2.500000e+00 : f32
      %mul3A_114 = vector.broadcast %mul3A_113 : f32 to vector<16xf32>
      %mul3A_115 = arith.mulf %sub3A_112, %mul3A_114 : vector<16xf32>
      %add3A_116 = arith.constant 5 : i32
      %add3A_117 = vector.broadcast %add3A_116 : i32 to vector<16xi32>
      %add3A_118 = arith.addi %mul3A_39, %add3A_117 : vector<16xi32>
      tpu.vector_store_idx %arg8[%add3A_118], %mul3A_115 : memref<1024xf32, #tpu.memory_space<vmem>>[vector<16xi32>], vector<16xf32>,
      %add3A_119 = arith.constant 7 : i32
      %add3A_120 = vector.broadcast %add3A_119 : i32 to vector<16xi32>
      %add3A_121 = arith.addi %mul3A_42, %add3A_120 : vector<16xi32>
      %add3A_122 = arith.constant 2 : i32
      %add3A_123 = vector.broadcast %add3A_122 : i32 to vector<16xi32>
      %add3A_124 = arith.addi %scan3A_35#13, %add3A_123 : vector<16xi32>
      tpu.vector_store_idx %arg9[%add3A_121], %add3A_124 : memref<1280xi32, #tpu.memory_space<vmem>>[vector<16xi32>], vector<16xi32>,
      %gather3A_125 = tpu.vector_load_idx %arg7[%scan3A_35#14] : memref<64xf32, #tpu.memory_space<vmem>>[vector<16xi32>], vector<16xf32>,
      %sub3A_126 = arith.subf %scan3A_35#6, %gather3A_125 : vector<16xf32>
      %mul3A_127 = arith.constant 2.500000e+00 : f32
      %mul3A_128 = vector.broadcast %mul3A_127 : f32 to vector<16xf32>
      %mul3A_129 = arith.mulf %sub3A_126, %mul3A_128 : vector<16xf32>
      %add3A_130 = arith.constant 6 : i32
      %add3A_131 = vector.broadcast %add3A_130 : i32 to vector<16xi32>
      %add3A_132 = arith.addi %mul3A_39, %add3A_131 : vector<16xi32>
      tpu.vector_store_idx %arg8[%add3A_132], %mul3A_129 : memref<1024xf32, #tpu.memory_space<vmem>>[vector<16xi32>], vector<16xf32>,
      %add3A_133 = arith.constant 8 : i32
      %add3A_134 = vector.broadcast %add3A_133 : i32 to vector<16xi32>
      %add3A_135 = arith.addi %mul3A_42, %add3A_134 : vector<16xi32>
      %add3A_136 = arith.constant 2 : i32
      %add3A_137 = vector.broadcast %add3A_136 : i32 to vector<16xi32>
      %add3A_138 = arith.addi %scan3A_35#14, %add3A_137 : vector<16xi32>
      tpu.vector_store_idx %arg9[%add3A_135], %add3A_138 : memref<1280xi32, #tpu.memory_space<vmem>>[vector<16xi32>], vector<16xi32>,
      %gather3A_139 = tpu.vector_load_idx %arg7[%scan3A_35#15] : memref<64xf32, #tpu.memory_space<vmem>>[vector<16xi32>], vector<16xf32>,
      %sub3A_140 = arith.subf %scan3A_35#7, %gather3A_139 : vector<16xf32>
      %mul3A_141 = arith.constant 2.500000e+00 : f32
      %mul3A_142 = vector.broadcast %mul3A_141 : f32 to vector<16xf32>
      %mul3A_143 = arith.mulf %sub3A_140, %mul3A_142 : vector<16xf32>
      %add3A_144 = arith.constant 7 : i32
      %add3A_145 = vector.broadcast %add3A_144 : i32 to vector<16xi32>
      %add3A_146 = arith.addi %mul3A_39, %add3A_145 : vector<16xi32>
      tpu.vector_store_idx %arg8[%add3A_146], %mul3A_143 : memref<1024xf32, #tpu.memory_space<vmem>>[vector<16xi32>], vector<16xf32>,
      %add3A_147 = arith.constant 9 : i32
      %add3A_148 = vector.broadcast %add3A_147 : i32 to vector<16xi32>
      %add3A_149 = arith.addi %mul3A_42, %add3A_148 : vector<16xi32>
      %add3A_150 = arith.constant 2 : i32
      %add3A_151 = vector.broadcast %add3A_150 : i32 to vector<16xi32>
      %add3A_152 = arith.addi %scan3A_35#15, %add3A_151 : vector<16xi32>
      tpu.vector_store_idx %arg9[%add3A_149], %add3A_152 : memref<1280xi32, #tpu.memory_space<vmem>>[vector<16xi32>], vector<16xi32>,
      %add3A_153 = arith.constant 0 : i32
      %add3A_154 = vector.broadcast %add3A_153 : i32 to vector<16xi32>
      %add3A_155 = arith.addi %mul3A_42, %add3A_154 : vector<16xi32>
      %broadcast_in_dim3A_156 = arith.constant 0 : i32
      %broadcast_in_dim3A_157 = vector.broadcast %broadcast_in_dim3A_156 : i32 to vector<16xi32>
      tpu.vector_store_idx %arg9[%add3A_155], %broadcast_in_dim3A_157 : memref<1280xi32, #tpu.memory_space<vmem>>[vector<16xi32>], vector<16xi32>,
      %add3A_158 = arith.constant 1 : i32
      %add3A_159 = vector.broadcast %add3A_158 : i32 to vector<16xi32>
      %add3A_160 = arith.addi %mul3A_42, %add3A_159 : vector<16xi32>
      %broadcast_in_dim3A_161 = arith.constant 1 : i32
      %broadcast_in_dim3A_162 = vector.broadcast %broadcast_in_dim3A_161 : i32 to vector<16xi32>
      tpu.vector_store_idx %arg9[%add3A_160], %broadcast_in_dim3A_162 : memref<1280xi32, #tpu.memory_space<vmem>>[vector<16xi32>], vector<16xi32>,
    }
    %scan3A_11 = arith.constant 8 : i32
    %mul3A_12 = arith.constant 128 : i32
    %mul3A_13 = arith.muli %add3A, %mul3A_12 : i32
    %mul3A_14 = arith.constant 8 : i32
    %mul3A_15 = arith.muli %mul3A_13, %mul3A_14 : i32
    "tpu.region"() ({
      %run_scoped3A = tpu.sem_alloc : memref<!tpu.dma_semaphore, #tpu.memory_space<semaphore_mem>>
      %dma_start3A = tpu.memref_slice %arg4[%mul3A_15] : memref<32768xf32, #tpu.memory_space<hbm>> -> memref<1024xf32, #tpu.memory_space<hbm>>
      %dma_start3A_20 = tpu.memref_slice %arg4[%mul3A_15] : memref<32768xf32, #tpu.memory_space<hbm>> -> memref<1024xf32, #tpu.memory_space<hbm>>
      tpu.enqueue_dma source(%arg8 : memref<1024xf32, #tpu.memory_space<vmem>>) target(%dma_start3A_20 : memref<1024xf32, #tpu.memory_space<hbm>>) target_semaphore(%run_scoped3A : memref<!tpu.dma_semaphore, #tpu.memory_space<semaphore_mem>>)
      %dma_wait3A = tpu.memref_slice %arg4[%mul3A_15] : memref<32768xf32, #tpu.memory_space<hbm>> -> memref<1024xf32, #tpu.memory_space<hbm>>
      %dma_wait3A_21 = tpu.memref_slice %arg4[%mul3A_15] : memref<32768xf32, #tpu.memory_space<hbm>> -> memref<1024xf32, #tpu.memory_space<hbm>>
      tpu.wait_dma2 semaphore(%run_scoped3A : memref<!tpu.dma_semaphore, #tpu.memory_space<semaphore_mem>>) src(%arg8 : memref<1024xf32, #tpu.memory_space<vmem>>) dst(%dma_wait3A_21 : memref<1024xf32, #tpu.memory_space<hbm>>)
      tpu.yield
    }) : () -> ()
    %mul3A_16 = arith.constant 128 : i32
    %mul3A_17 = arith.muli %add3A, %mul3A_16 : i32
    %mul3A_18 = arith.constant 10 : i32
    %mul3A_19 = arith.muli %mul3A_17, %mul3A_18 : i32
    "tpu.region"() ({
      %run_scoped3A = tpu.sem_alloc : memref<!tpu.dma_semaphore, #tpu.memory_space<semaphore_mem>>
      %dma_start3A = tpu.memref_slice %arg5[%mul3A_19] : memref<40960xi32, #tpu.memory_space<hbm>> -> memref<1280xi32, #tpu.memory_space<hbm>>
      %dma_start3A_20 = tpu.memref_slice %arg5[%mul3A_19] : memref<40960xi32, #tpu.memory_space<hbm>> -> memref<1280xi32, #tpu.memory_space<hbm>>
      tpu.enqueue_dma source(%arg9 : memref<1280xi32, #tpu.memory_space<vmem>>) target(%dma_start3A_20 : memref<1280xi32, #tpu.memory_space<hbm>>) target_semaphore(%run_scoped3A : memref<!tpu.dma_semaphore, #tpu.memory_space<semaphore_mem>>)
      %dma_wait3A = tpu.memref_slice %arg5[%mul3A_19] : memref<40960xi32, #tpu.memory_space<hbm>> -> memref<1280xi32, #tpu.memory_space<hbm>>
      %dma_wait3A_21 = tpu.memref_slice %arg5[%mul3A_19] : memref<40960xi32, #tpu.memory_space<hbm>> -> memref<1280xi32, #tpu.memory_space<hbm>>
      tpu.wait_dma2 semaphore(%run_scoped3A : memref<!tpu.dma_semaphore, #tpu.memory_space<semaphore_mem>>) src(%arg9 : memref<1280xi32, #tpu.memory_space<vmem>>) dst(%dma_wait3A_21 : memref<1280xi32, #tpu.memory_space<hbm>>)
      tpu.yield
    }) : () -> ()
    return
  }
}

#map = affine_map<(d0, d1) -> (0)>
module attributes {stable_mosaic.version = 14 : i64} {
  func.func @_topk_body(%arg0: i32, %arg1: i32, %arg2: memref<524288xf32, #tpu.memory_space<hbm>>, %arg3: memref<64xf32, #tpu.memory_space<hbm>>, %arg4: memref<32768xf32, #tpu.memory_space<hbm>>, %arg5: memref<40960xi32, #tpu.memory_space<hbm>>, %arg6: memref<16384xf32, #tpu.memory_space<vmem>>, %arg7: memref<64xf32, #tpu.memory_space<vmem>>, %arg8: memref<1024xf32, #tpu.memory_space<vmem>>, %arg9: memref<1280xi32, #tpu.memory_space<vmem>>) attributes {dimension_semantics = [#tpu.dimension_semantics<core_parallel>, #tpu.dimension_semantics<subcore_parallel>], iteration_bounds = array<i64: 2, 16>, scalar_prefetch = 0 : i64, scratch_operands = 4 : i64, tpu.core_type = #tpu.core_type<sc_vector_subcore>, window_params = [{transform_indices = #map}, {transform_indices = #map}, {transform_indices = #map}, {transform_indices = #map}]} {
    %mul3A = arith.constant 2 : i32
    %mul3A_0 = arith.muli %arg1, %mul3A : i32
    %add3A = arith.addi %mul3A_0, %arg0 : i32
    %mul3A_1 = arith.constant 128 : i32
    %mul3A_2 = arith.muli %add3A, %mul3A_1 : i32
    %mul3A_3 = arith.constant 2 : i32
    %mul3A_4 = arith.muli %mul3A_2, %mul3A_3 : i32
    %mul3A_5 = arith.constant 64 : i32
    %mul3A_6 = arith.muli %mul3A_4, %mul3A_5 : i32
    "tpu.region"() ({
      %run_scoped3A = tpu.sem_alloc : memref<!tpu.dma_semaphore, #tpu.memory_space<semaphore_mem>>
      %dma_start3A = tpu.memref_slice %arg2[%mul3A_6] : memref<524288xf32, #tpu.memory_space<hbm>> -> memref<16384xf32, #tpu.memory_space<hbm>>
      %dma_start3A_20 = tpu.memref_slice %arg2[%mul3A_6] : memref<524288xf32, #tpu.memory_space<hbm>> -> memref<16384xf32, #tpu.memory_space<hbm>>
      tpu.enqueue_dma source(%dma_start3A_20 : memref<16384xf32, #tpu.memory_space<hbm>>) target(%arg6 : memref<16384xf32, #tpu.memory_space<vmem>>) target_semaphore(%run_scoped3A : memref<!tpu.dma_semaphore, #tpu.memory_space<semaphore_mem>>)
      %dma_wait3A = tpu.memref_slice %arg2[%mul3A_6] : memref<524288xf32, #tpu.memory_space<hbm>> -> memref<16384xf32, #tpu.memory_space<hbm>>
      %dma_wait3A_21 = tpu.memref_slice %arg2[%mul3A_6] : memref<524288xf32, #tpu.memory_space<hbm>> -> memref<16384xf32, #tpu.memory_space<hbm>>
      tpu.wait_dma2 semaphore(%run_scoped3A : memref<!tpu.dma_semaphore, #tpu.memory_space<semaphore_mem>>) src(%dma_wait3A_21 : memref<16384xf32, #tpu.memory_space<hbm>>) dst(%arg6 : memref<16384xf32, #tpu.memory_space<vmem>>)
      tpu.yield
    }) : () -> ()
    "tpu.region"() ({
      %run_scoped3A = tpu.sem_alloc : memref<!tpu.dma_semaphore, #tpu.memory_space<semaphore_mem>>
      tpu.enqueue_dma source(%arg3 : memref<64xf32, #tpu.memory_space<hbm>>) target(%arg7 : memref<64xf32, #tpu.memory_space<vmem>>) target_semaphore(%run_scoped3A : memref<!tpu.dma_semaphore, #tpu.memory_space<semaphore_mem>>)
      tpu.wait_dma2 semaphore(%run_scoped3A : memref<!tpu.dma_semaphore, #tpu.memory_space<semaphore_mem>>) src(%arg3 : memref<64xf32, #tpu.memory_space<hbm>>) dst(%arg7 : memref<64xf32, #tpu.memory_space<vmem>>)
      tpu.yield
    }) : () -> ()
    %scan3A = arith.constant 0 : i32
    %scan3A_7 = arith.constant 0 : i32
    %scan3A_8 = arith.constant 8 : i32
    %scan3A_9 = arith.addi %scan3A_7, %scan3A_8 : i32
    %scan3A_10 = arith.constant 1 : i32
    scf.for %scan3A_20 = %scan3A_7 to %scan3A_9 step %scan3A_10  : i32 {
      %iota3A = tpu.iota {dimensions = array<i32: 0>} : vector<16xi32>
      %mul3A_21 = arith.constant 16 : i32
      %mul3A_22 = arith.muli %scan3A_20, %mul3A_21 : i32
      %add3A_23 = vector.broadcast %mul3A_22 : i32 to vector<16xi32>
      %add3A_24 = arith.addi %iota3A, %add3A_23 : vector<16xi32>
      %mul3A_25 = arith.constant 128 : i32
      %mul3A_26 = vector.broadcast %mul3A_25 : i32 to vector<16xi32>
      %mul3A_27 = arith.muli %add3A_24, %mul3A_26 : vector<16xi32>
      %broadcast_in_dim3A = arith.constant 0xFF800000 : f32
      %broadcast_in_dim3A_28 = vector.broadcast %broadcast_in_dim3A : f32 to vector<16xf32>
      %broadcast_in_dim3A_29 = arith.constant 0 : i32
      %broadcast_in_dim3A_30 = vector.broadcast %broadcast_in_dim3A_29 : i32 to vector<16xi32>
      %scan3A_31 = arith.constant 0 : i32
      %scan3A_32 = arith.constant 64 : i32
      %scan3A_33 = arith.addi %scan3A_31, %scan3A_32 : i32
      %scan3A_34 = arith.constant 1 : i32
      %scan3A_35:16 = scf.for %scan3A_163 = %scan3A_31 to %scan3A_33 step %scan3A_34 iter_args(%scan3A_164 = %broadcast_in_dim3A_28, %scan3A_165 = %broadcast_in_dim3A_28, %scan3A_166 = %broadcast_in_dim3A_28, %scan3A_167 = %broadcast_in_dim3A_28, %scan3A_168 = %broadcast_in_dim3A_28, %scan3A_169 = %broadcast_in_dim3A_28, %scan3A_170 = %broadcast_in_dim3A_28, %scan3A_171 = %broadcast_in_dim3A_28, %scan3A_172 = %broadcast_in_dim3A_30, %scan3A_173 = %broadcast_in_dim3A_30, %scan3A_174 = %broadcast_in_dim3A_30, %scan3A_175 = %broadcast_in_dim3A_30, %scan3A_176 = %broadcast_in_dim3A_30, %scan3A_177 = %broadcast_in_dim3A_30, %scan3A_178 = %broadcast_in_dim3A_30, %scan3A_179 = %broadcast_in_dim3A_30) -> (vector<16xf32>, vector<16xf32>, vector<16xf32>, vector<16xf32>, vector<16xf32>, vector<16xf32>, vector<16xf32>, vector<16xf32>, vector<16xi32>, vector<16xi32>, vector<16xi32>, vector<16xi32>, vector<16xi32>, vector<16xi32>, vector<16xi32>, vector<16xi32>)  : i32 {
        %broadcast_in_dim3A_180 = vector.broadcast %scan3A_163 : i32 to vector<16xi32>
        %add3A_181 = vector.broadcast %scan3A_163 : i32 to vector<16xi32>
        %add3A_182 = arith.addi %mul3A_27, %add3A_181 : vector<16xi32>
        %gather3A_183 = tpu.vector_load_idx %arg6[%add3A_182] : memref<16384xf32, #tpu.memory_space<vmem>>[vector<16xi32>], vector<16xf32>,
        %gt3A = arith.cmpf ogt, %gather3A_183, %scan3A_164 : vector<16xf32>
        %gt3A_184 = arith.cmpf ogt, %gather3A_183, %scan3A_165 : vector<16xf32>
        %gt3A_185 = arith.cmpf ogt, %gather3A_183, %scan3A_166 : vector<16xf32>
        %gt3A_186 = arith.cmpf ogt, %gather3A_183, %scan3A_167 : vector<16xf32>
        %gt3A_187 = arith.cmpf ogt, %gather3A_183, %scan3A_168 : vector<16xf32>
        %gt3A_188 = arith.cmpf ogt, %gather3A_183, %scan3A_169 : vector<16xf32>
        %gt3A_189 = arith.cmpf ogt, %gather3A_183, %scan3A_170 : vector<16xf32>
        %gt3A_190 = arith.cmpf ogt, %gather3A_183, %scan3A_171 : vector<16xf32>
        %select_n3A = arith.select %gt3A, %gather3A_183, %scan3A_164 : vector<16xi1>, vector<16xf32>
        %select_n3A_191 = arith.select %gt3A, %broadcast_in_dim3A_180, %scan3A_172 : vector<16xi1>, vector<16xi32>
        %select_n3A_192 = arith.select %gt3A, %scan3A_164, %gather3A_183 : vector<16xi1>, vector<16xf32>
        %select_n3A_193 = arith.select %gt3A_184, %select_n3A_192, %scan3A_165 : vector<16xi1>, vector<16xf32>
        %select_n3A_194 = arith.select %gt3A, %scan3A_172, %broadcast_in_dim3A_180 : vector<16xi1>, vector<16xi32>
        %select_n3A_195 = arith.select %gt3A_184, %select_n3A_194, %scan3A_173 : vector<16xi1>, vector<16xi32>
        %select_n3A_196 = arith.select %gt3A_184, %scan3A_165, %gather3A_183 : vector<16xi1>, vector<16xf32>
        %select_n3A_197 = arith.select %gt3A_185, %select_n3A_196, %scan3A_166 : vector<16xi1>, vector<16xf32>
        %select_n3A_198 = arith.select %gt3A_184, %scan3A_173, %broadcast_in_dim3A_180 : vector<16xi1>, vector<16xi32>
        %select_n3A_199 = arith.select %gt3A_185, %select_n3A_198, %scan3A_174 : vector<16xi1>, vector<16xi32>
        %select_n3A_200 = arith.select %gt3A_185, %scan3A_166, %gather3A_183 : vector<16xi1>, vector<16xf32>
        %select_n3A_201 = arith.select %gt3A_186, %select_n3A_200, %scan3A_167 : vector<16xi1>, vector<16xf32>
        %select_n3A_202 = arith.select %gt3A_185, %scan3A_174, %broadcast_in_dim3A_180 : vector<16xi1>, vector<16xi32>
        %select_n3A_203 = arith.select %gt3A_186, %select_n3A_202, %scan3A_175 : vector<16xi1>, vector<16xi32>
        %select_n3A_204 = arith.select %gt3A_186, %scan3A_167, %gather3A_183 : vector<16xi1>, vector<16xf32>
        %select_n3A_205 = arith.select %gt3A_187, %select_n3A_204, %scan3A_168 : vector<16xi1>, vector<16xf32>
        %select_n3A_206 = arith.select %gt3A_186, %scan3A_175, %broadcast_in_dim3A_180 : vector<16xi1>, vector<16xi32>
        %select_n3A_207 = arith.select %gt3A_187, %select_n3A_206, %scan3A_176 : vector<16xi1>, vector<16xi32>
        %select_n3A_208 = arith.select %gt3A_187, %scan3A_168, %gather3A_183 : vector<16xi1>, vector<16xf32>
        %select_n3A_209 = arith.select %gt3A_188, %select_n3A_208, %scan3A_169 : vector<16xi1>, vector<16xf32>
        %select_n3A_210 = arith.select %gt3A_187, %scan3A_176, %broadcast_in_dim3A_180 : vector<16xi1>, vector<16xi32>
        %select_n3A_211 = arith.select %gt3A_188, %select_n3A_210, %scan3A_177 : vector<16xi1>, vector<16xi32>
        %select_n3A_212 = arith.select %gt3A_188, %scan3A_169, %gather3A_183 : vector<16xi1>, vector<16xf32>
        %select_n3A_213 = arith.select %gt3A_189, %select_n3A_212, %scan3A_170 : vector<16xi1>, vector<16xf32>
        %select_n3A_214 = arith.select %gt3A_188, %scan3A_177, %broadcast_in_dim3A_180 : vector<16xi1>, vector<16xi32>
        %select_n3A_215 = arith.select %gt3A_189, %select_n3A_214, %scan3A_178 : vector<16xi1>, vector<16xi32>
        %select_n3A_216 = arith.select %gt3A_189, %scan3A_170, %gather3A_183 : vector<16xi1>, vector<16xf32>
        %select_n3A_217 = arith.select %gt3A_190, %select_n3A_216, %scan3A_171 : vector<16xi1>, vector<16xf32>
        %select_n3A_218 = arith.select %gt3A_189, %scan3A_178, %broadcast_in_dim3A_180 : vector<16xi1>, vector<16xi32>
        %select_n3A_219 = arith.select %gt3A_190, %select_n3A_218, %scan3A_179 : vector<16xi1>, vector<16xi32>
        scf.yield %select_n3A, %select_n3A_193, %select_n3A_197, %select_n3A_201, %select_n3A_205, %select_n3A_209, %select_n3A_213, %select_n3A_217, %select_n3A_191, %select_n3A_195, %select_n3A_199, %select_n3A_203, %select_n3A_207, %select_n3A_211, %select_n3A_215, %select_n3A_219 : vector<16xf32>, vector<16xf32>, vector<16xf32>, vector<16xf32>, vector<16xf32>, vector<16xf32>, vector<16xf32>, vector<16xf32>, vector<16xi32>, vector<16xi32>, vector<16xi32>, vector<16xi32>, vector<16xi32>, vector<16xi32>, vector<16xi32>, vector<16xi32>
      }
      %scan3A_36 = arith.constant 64 : i32
      %mul3A_37 = arith.constant 8 : i32
      %mul3A_38 = vector.broadcast %mul3A_37 : i32 to vector<16xi32>
      %mul3A_39 = arith.muli %add3A_24, %mul3A_38 : vector<16xi32>
      %mul3A_40 = arith.constant 10 : i32
      %mul3A_41 = vector.broadcast %mul3A_40 : i32 to vector<16xi32>
      %mul3A_42 = arith.muli %add3A_24, %mul3A_41 : vector<16xi32>
      %gather3A = tpu.vector_load_idx %arg7[%scan3A_35#8] : memref<64xf32, #tpu.memory_space<vmem>>[vector<16xi32>], vector<16xf32>,
      %sub3A = arith.subf %scan3A_35#0, %gather3A : vector<16xf32>
      %mul3A_43 = arith.constant 2.500000e+00 : f32
      %mul3A_44 = vector.broadcast %mul3A_43 : f32 to vector<16xf32>
      %mul3A_45 = arith.mulf %sub3A, %mul3A_44 : vector<16xf32>
      %add3A_46 = arith.constant 0 : i32
      %add3A_47 = vector.broadcast %add3A_46 : i32 to vector<16xi32>
      %add3A_48 = arith.addi %mul3A_39, %add3A_47 : vector<16xi32>
      tpu.vector_store_idx %arg8[%add3A_48], %mul3A_45 : memref<1024xf32, #tpu.memory_space<vmem>>[vector<16xi32>], vector<16xf32>,
      %add3A_49 = arith.constant 2 : i32
      %add3A_50 = vector.broadcast %add3A_49 : i32 to vector<16xi32>
      %add3A_51 = arith.addi %mul3A_42, %add3A_50 : vector<16xi32>
      %add3A_52 = arith.constant 2 : i32
      %add3A_53 = vector.broadcast %add3A_52 : i32 to vector<16xi32>
      %add3A_54 = arith.addi %scan3A_35#8, %add3A_53 : vector<16xi32>
      tpu.vector_store_idx %arg9[%add3A_51], %add3A_54 : memref<1280xi32, #tpu.memory_space<vmem>>[vector<16xi32>], vector<16xi32>,
      %gather3A_55 = tpu.vector_load_idx %arg7[%scan3A_35#9] : memref<64xf32, #tpu.memory_space<vmem>>[vector<16xi32>], vector<16xf32>,
      %sub3A_56 = arith.subf %scan3A_35#1, %gather3A_55 : vector<16xf32>
      %mul3A_57 = arith.constant 2.500000e+00 : f32
      %mul3A_58 = vector.broadcast %mul3A_57 : f32 to vector<16xf32>
      %mul3A_59 = arith.mulf %sub3A_56, %mul3A_58 : vector<16xf32>
      %add3A_60 = arith.constant 1 : i32
      %add3A_61 = vector.broadcast %add3A_60 : i32 to vector<16xi32>
      %add3A_62 = arith.addi %mul3A_39, %add3A_61 : vector<16xi32>
      tpu.vector_store_idx %arg8[%add3A_62], %mul3A_59 : memref<1024xf32, #tpu.memory_space<vmem>>[vector<16xi32>], vector<16xf32>,
      %add3A_63 = arith.constant 3 : i32
      %add3A_64 = vector.broadcast %add3A_63 : i32 to vector<16xi32>
      %add3A_65 = arith.addi %mul3A_42, %add3A_64 : vector<16xi32>
      %add3A_66 = arith.constant 2 : i32
      %add3A_67 = vector.broadcast %add3A_66 : i32 to vector<16xi32>
      %add3A_68 = arith.addi %scan3A_35#9, %add3A_67 : vector<16xi32>
      tpu.vector_store_idx %arg9[%add3A_65], %add3A_68 : memref<1280xi32, #tpu.memory_space<vmem>>[vector<16xi32>], vector<16xi32>,
      %gather3A_69 = tpu.vector_load_idx %arg7[%scan3A_35#10] : memref<64xf32, #tpu.memory_space<vmem>>[vector<16xi32>], vector<16xf32>,
      %sub3A_70 = arith.subf %scan3A_35#2, %gather3A_69 : vector<16xf32>
      %mul3A_71 = arith.constant 2.500000e+00 : f32
      %mul3A_72 = vector.broadcast %mul3A_71 : f32 to vector<16xf32>
      %mul3A_73 = arith.mulf %sub3A_70, %mul3A_72 : vector<16xf32>
      %add3A_74 = arith.constant 2 : i32
      %add3A_75 = vector.broadcast %add3A_74 : i32 to vector<16xi32>
      %add3A_76 = arith.addi %mul3A_39, %add3A_75 : vector<16xi32>
      tpu.vector_store_idx %arg8[%add3A_76], %mul3A_73 : memref<1024xf32, #tpu.memory_space<vmem>>[vector<16xi32>], vector<16xf32>,
      %add3A_77 = arith.constant 4 : i32
      %add3A_78 = vector.broadcast %add3A_77 : i32 to vector<16xi32>
      %add3A_79 = arith.addi %mul3A_42, %add3A_78 : vector<16xi32>
      %add3A_80 = arith.constant 2 : i32
      %add3A_81 = vector.broadcast %add3A_80 : i32 to vector<16xi32>
      %add3A_82 = arith.addi %scan3A_35#10, %add3A_81 : vector<16xi32>
      tpu.vector_store_idx %arg9[%add3A_79], %add3A_82 : memref<1280xi32, #tpu.memory_space<vmem>>[vector<16xi32>], vector<16xi32>,
      %gather3A_83 = tpu.vector_load_idx %arg7[%scan3A_35#11] : memref<64xf32, #tpu.memory_space<vmem>>[vector<16xi32>], vector<16xf32>,
      %sub3A_84 = arith.subf %scan3A_35#3, %gather3A_83 : vector<16xf32>
      %mul3A_85 = arith.constant 2.500000e+00 : f32
      %mul3A_86 = vector.broadcast %mul3A_85 : f32 to vector<16xf32>
      %mul3A_87 = arith.mulf %sub3A_84, %mul3A_86 : vector<16xf32>
      %add3A_88 = arith.constant 3 : i32
      %add3A_89 = vector.broadcast %add3A_88 : i32 to vector<16xi32>
      %add3A_90 = arith.addi %mul3A_39, %add3A_89 : vector<16xi32>
      tpu.vector_store_idx %arg8[%add3A_90], %mul3A_87 : memref<1024xf32, #tpu.memory_space<vmem>>[vector<16xi32>], vector<16xf32>,
      %add3A_91 = arith.constant 5 : i32
      %add3A_92 = vector.broadcast %add3A_91 : i32 to vector<16xi32>
      %add3A_93 = arith.addi %mul3A_42, %add3A_92 : vector<16xi32>
      %add3A_94 = arith.constant 2 : i32
      %add3A_95 = vector.broadcast %add3A_94 : i32 to vector<16xi32>
      %add3A_96 = arith.addi %scan3A_35#11, %add3A_95 : vector<16xi32>
      tpu.vector_store_idx %arg9[%add3A_93], %add3A_96 : memref<1280xi32, #tpu.memory_space<vmem>>[vector<16xi32>], vector<16xi32>,
      %gather3A_97 = tpu.vector_load_idx %arg7[%scan3A_35#12] : memref<64xf32, #tpu.memory_space<vmem>>[vector<16xi32>], vector<16xf32>,
      %sub3A_98 = arith.subf %scan3A_35#4, %gather3A_97 : vector<16xf32>
      %mul3A_99 = arith.constant 2.500000e+00 : f32
      %mul3A_100 = vector.broadcast %mul3A_99 : f32 to vector<16xf32>
      %mul3A_101 = arith.mulf %sub3A_98, %mul3A_100 : vector<16xf32>
      %add3A_102 = arith.constant 4 : i32
      %add3A_103 = vector.broadcast %add3A_102 : i32 to vector<16xi32>
      %add3A_104 = arith.addi %mul3A_39, %add3A_103 : vector<16xi32>
      tpu.vector_store_idx %arg8[%add3A_104], %mul3A_101 : memref<1024xf32, #tpu.memory_space<vmem>>[vector<16xi32>], vector<16xf32>,
      %add3A_105 = arith.constant 6 : i32
      %add3A_106 = vector.broadcast %add3A_105 : i32 to vector<16xi32>
      %add3A_107 = arith.addi %mul3A_42, %add3A_106 : vector<16xi32>
      %add3A_108 = arith.constant 2 : i32
      %add3A_109 = vector.broadcast %add3A_108 : i32 to vector<16xi32>
      %add3A_110 = arith.addi %scan3A_35#12, %add3A_109 : vector<16xi32>
      tpu.vector_store_idx %arg9[%add3A_107], %add3A_110 : memref<1280xi32, #tpu.memory_space<vmem>>[vector<16xi32>], vector<16xi32>,
      %gather3A_111 = tpu.vector_load_idx %arg7[%scan3A_35#13] : memref<64xf32, #tpu.memory_space<vmem>>[vector<16xi32>], vector<16xf32>,
      %sub3A_112 = arith.subf %scan3A_35#5, %gather3A_111 : vector<16xf32>
      %mul3A_113 = arith.constant 2.500000e+00 : f32
      %mul3A_114 = vector.broadcast %mul3A_113 : f32 to vector<16xf32>
      %mul3A_115 = arith.mulf %sub3A_112, %mul3A_114 : vector<16xf32>
      %add3A_116 = arith.constant 5 : i32
      %add3A_117 = vector.broadcast %add3A_116 : i32 to vector<16xi32>
      %add3A_118 = arith.addi %mul3A_39, %add3A_117 : vector<16xi32>
      tpu.vector_store_idx %arg8[%add3A_118], %mul3A_115 : memref<1024xf32, #tpu.memory_space<vmem>>[vector<16xi32>], vector<16xf32>,
      %add3A_119 = arith.constant 7 : i32
      %add3A_120 = vector.broadcast %add3A_119 : i32 to vector<16xi32>
      %add3A_121 = arith.addi %mul3A_42, %add3A_120 : vector<16xi32>
      %add3A_122 = arith.constant 2 : i32
      %add3A_123 = vector.broadcast %add3A_122 : i32 to vector<16xi32>
      %add3A_124 = arith.addi %scan3A_35#13, %add3A_123 : vector<16xi32>
      tpu.vector_store_idx %arg9[%add3A_121], %add3A_124 : memref<1280xi32, #tpu.memory_space<vmem>>[vector<16xi32>], vector<16xi32>,
      %gather3A_125 = tpu.vector_load_idx %arg7[%scan3A_35#14] : memref<64xf32, #tpu.memory_space<vmem>>[vector<16xi32>], vector<16xf32>,
      %sub3A_126 = arith.subf %scan3A_35#6, %gather3A_125 : vector<16xf32>
      %mul3A_127 = arith.constant 2.500000e+00 : f32
      %mul3A_128 = vector.broadcast %mul3A_127 : f32 to vector<16xf32>
      %mul3A_129 = arith.mulf %sub3A_126, %mul3A_128 : vector<16xf32>
      %add3A_130 = arith.constant 6 : i32
      %add3A_131 = vector.broadcast %add3A_130 : i32 to vector<16xi32>
      %add3A_132 = arith.addi %mul3A_39, %add3A_131 : vector<16xi32>
      tpu.vector_store_idx %arg8[%add3A_132], %mul3A_129 : memref<1024xf32, #tpu.memory_space<vmem>>[vector<16xi32>], vector<16xf32>,
      %add3A_133 = arith.constant 8 : i32
      %add3A_134 = vector.broadcast %add3A_133 : i32 to vector<16xi32>
      %add3A_135 = arith.addi %mul3A_42, %add3A_134 : vector<16xi32>
      %add3A_136 = arith.constant 2 : i32
      %add3A_137 = vector.broadcast %add3A_136 : i32 to vector<16xi32>
      %add3A_138 = arith.addi %scan3A_35#14, %add3A_137 : vector<16xi32>
      tpu.vector_store_idx %arg9[%add3A_135], %add3A_138 : memref<1280xi32, #tpu.memory_space<vmem>>[vector<16xi32>], vector<16xi32>,
      %gather3A_139 = tpu.vector_load_idx %arg7[%scan3A_35#15] : memref<64xf32, #tpu.memory_space<vmem>>[vector<16xi32>], vector<16xf32>,
      %sub3A_140 = arith.subf %scan3A_35#7, %gather3A_139 : vector<16xf32>
      %mul3A_141 = arith.constant 2.500000e+00 : f32
      %mul3A_142 = vector.broadcast %mul3A_141 : f32 to vector<16xf32>
      %mul3A_143 = arith.mulf %sub3A_140, %mul3A_142 : vector<16xf32>
      %add3A_144 = arith.constant 7 : i32
      %add3A_145 = vector.broadcast %add3A_144 : i32 to vector<16xi32>
      %add3A_146 = arith.addi %mul3A_39, %add3A_145 : vector<16xi32>
      tpu.vector_store_idx %arg8[%add3A_146], %mul3A_143 : memref<1024xf32, #tpu.memory_space<vmem>>[vector<16xi32>], vector<16xf32>,
      %add3A_147 = arith.constant 9 : i32
      %add3A_148 = vector.broadcast %add3A_147 : i32 to vector<16xi32>
      %add3A_149 = arith.addi %mul3A_42, %add3A_148 : vector<16xi32>
      %add3A_150 = arith.constant 2 : i32
      %add3A_151 = vector.broadcast %add3A_150 : i32 to vector<16xi32>
      %add3A_152 = arith.addi %scan3A_35#15, %add3A_151 : vector<16xi32>
      tpu.vector_store_idx %arg9[%add3A_149], %add3A_152 : memref<1280xi32, #tpu.memory_space<vmem>>[vector<16xi32>], vector<16xi32>,
      %add3A_153 = arith.constant 0 : i32
      %add3A_154 = vector.broadcast %add3A_153 : i32 to vector<16xi32>
      %add3A_155 = arith.addi %mul3A_42, %add3A_154 : vector<16xi32>
      %broadcast_in_dim3A_156 = arith.constant 0 : i32
      %broadcast_in_dim3A_157 = vector.broadcast %broadcast_in_dim3A_156 : i32 to vector<16xi32>
      tpu.vector_store_idx %arg9[%add3A_155], %broadcast_in_dim3A_157 : memref<1280xi32, #tpu.memory_space<vmem>>[vector<16xi32>], vector<16xi32>,
      %add3A_158 = arith.constant 1 : i32
      %add3A_159 = vector.broadcast %add3A_158 : i32 to vector<16xi32>
      %add3A_160 = arith.addi %mul3A_42, %add3A_159 : vector<16xi32>
      %broadcast_in_dim3A_161 = arith.constant 1 : i32
      %broadcast_in_dim3A_162 = vector.broadcast %broadcast_in_dim3A_161 : i32 to vector<16xi32>
      tpu.vector_store_idx %arg9[%add3A_160], %broadcast_in_dim3A_162 : memref<1280xi32, #tpu.memory_space<vmem>>[vector<16xi32>], vector<16xi32>,
    }
    %scan3A_11 = arith.constant 8 : i32
    %mul3A_12 = arith.constant 128 : i32
    %mul3A_13 = arith.muli %add3A, %mul3A_12 : i32
    %mul3A_14 = arith.constant 8 : i32
    %mul3A_15 = arith.muli %mul3A_13, %mul3A_14 : i32
    "tpu.region"() ({
      %run_scoped3A = tpu.sem_alloc : memref<!tpu.dma_semaphore, #tpu.memory_space<semaphore_mem>>
      %dma_start3A = tpu.memref_slice %arg4[%mul3A_15] : memref<32768xf32, #tpu.memory_space<hbm>> -> memref<1024xf32, #tpu.memory_space<hbm>>
      %dma_start3A_20 = tpu.memref_slice %arg4[%mul3A_15] : memref<32768xf32, #tpu.memory_space<hbm>> -> memref<1024xf32, #tpu.memory_space<hbm>>
      tpu.enqueue_dma source(%arg8 : memref<1024xf32, #tpu.memory_space<vmem>>) target(%dma_start3A_20 : memref<1024xf32, #tpu.memory_space<hbm>>) target_semaphore(%run_scoped3A : memref<!tpu.dma_semaphore, #tpu.memory_space<semaphore_mem>>)
      %dma_wait3A = tpu.memref_slice %arg4[%mul3A_15] : memref<32768xf32, #tpu.memory_space<hbm>> -> memref<1024xf32, #tpu.memory_space<hbm>>
      %dma_wait3A_21 = tpu.memref_slice %arg4[%mul3A_15] : memref<32768xf32, #tpu.memory_space<hbm>> -> memref<1024xf32, #tpu.memory_space<hbm>>
      tpu.wait_dma2 semaphore(%run_scoped3A : memref<!tpu.dma_semaphore, #tpu.memory_space<semaphore_mem>>) src(%arg8 : memref<1024xf32, #tpu.memory_space<vmem>>) dst(%dma_wait3A_21 : memref<1024xf32, #tpu.memory_space<hbm>>)
      tpu.yield
    }) : () -> ()
    %mul3A_16 = arith.constant 128 : i32
    %mul3A_17 = arith.muli %add3A, %mul3A_16 : i32
    %mul3A_18 = arith.constant 10 : i32
    %mul3A_19 = arith.muli %mul3A_17, %mul3A_18 : i32
    "tpu.region"() ({
      %run_scoped3A = tpu.sem_alloc : memref<!tpu.dma_semaphore, #tpu.memory_space<semaphore_mem>>
      %dma_start3A = tpu.memref_slice %arg5[%mul3A_19] : memref<40960xi32, #tpu.memory_space<hbm>> -> memref<1280xi32, #tpu.memory_space<hbm>>
      %dma_start3A_20 = tpu.memref_slice %arg5[%mul3A_19] : memref<40960xi32, #tpu.memory_space<hbm>> -> memref<1280xi32, #tpu.memory_space<hbm>>
      tpu.enqueue_dma source(%arg9 : memref<1280xi32, #tpu.memory_space<vmem>>) target(%dma_start3A_20 : memref<1280xi32, #tpu.memory_space<hbm>>) target_semaphore(%run_scoped3A : memref<!tpu.dma_semaphore, #tpu.memory_space<semaphore_mem>>)
      %dma_wait3A = tpu.memref_slice %arg5[%mul3A_19] : memref<40960xi32, #tpu.memory_space<hbm>> -> memref<1280xi32, #tpu.memory_space<hbm>>
      %dma_wait3A_21 = tpu.memref_slice %arg5[%mul3A_19] : memref<40960xi32, #tpu.memory_space<hbm>> -> memref<1280xi32, #tpu.memory_space<hbm>>
      tpu.wait_dma2 semaphore(%run_scoped3A : memref<!tpu.dma_semaphore, #tpu.memory_space<semaphore_mem>>) src(%arg9 : memref<1280xi32, #tpu.memory_space<vmem>>) dst(%dma_wait3A_21 : memref<1280xi32, #tpu.memory_space<hbm>>)
      tpu.yield
    }) : () -> ()
    return
  }
}

module attributes {stable_mosaic.version = 14 : i64} {
  func.func @_keys_block(%arg0: i32, %arg1: memref<512x4096xf32, #tpu.memory_space<vmem>>, %arg2: memref<64x4096xf32, #tpu.memory_space<vmem>>, %arg3: memref<1x64xf32, #tpu.memory_space<vmem>>, %arg4: memref<512x128xf32, #tpu.memory_space<vmem>>) attributes {dimension_semantics = [#tpu.dimension_semantics<arbitrary>], iteration_bounds = array<i64: 8>, scalar_prefetch = 0 : i64, scratch_operands = 0 : i64, tpu.core_type = #tpu.core_type<tc>, window_params = [{transform_indices = @transform_0, window_bounds = array<i64: 512, 4096>}, {pipeline_mode = #tpu.pipeline_mode<synchronous>, transform_indices = @transform_1, window_bounds = array<i64: 64, 4096>}, {pipeline_mode = #tpu.pipeline_mode<synchronous>, transform_indices = @transform_2, window_bounds = array<i64: 1, 64>}, {transform_indices = @transform_3, window_bounds = array<i64: 512, 128>}]} {
    %get3A = arith.constant 0 : index
    %get3A_0 = arith.constant 0 : index
    %get3A_1 = vector.load %arg1[%get3A, %get3A_0] : memref<512x4096xf32, #tpu.memory_space<vmem>>, vector<512x4096xf32>
    %get3A_2 = arith.constant 0 : index
    %get3A_3 = arith.constant 0 : index
    %get3A_4 = vector.load %arg2[%get3A_2, %get3A_3] : memref<64x4096xf32, #tpu.memory_space<vmem>>, vector<64x4096xf32>
    %dot_general3A = arith.constant dense<0.000000e+00> : vector<512x64xf32>
    %dot_general3A_5 = tpu.matmul %get3A_1, %get3A_4, %dot_general3A {dimension_numbers = #tpu.dot_dimension_numbers<[1], [1], [0], [0], [0, 0, 1, 0], [], []>, transpose_lhs_hint = false} : vector<512x4096xf32>, vector<64x4096xf32>, vector<512x64xf32> -> vector<512x64xf32>
    %reduce_max3A = arith.constant dense<0xFF800000> : vector<512xf32>
    %reduce_max3A_6 = vector.multi_reduction <maximumf>, %dot_general3A_5, %reduce_max3A [1] : vector<512x64xf32> to vector<512xf32>
    %broadcast_in_dim3A = vector.shape_cast %reduce_max3A_6 : vector<512xf32> to vector<512x1xf32>
    %sub3A = vector.broadcast %broadcast_in_dim3A : vector<512x1xf32> to vector<512x64xf32>
    %sub3A_7 = arith.subf %dot_general3A_5, %sub3A : vector<512x64xf32>
    %exp3A = math.exp %sub3A_7 : vector<512x64xf32>
    %reduce_sum3A = arith.constant dense<0.000000e+00> : vector<512xf32>
    %reduce_sum3A_8 = vector.multi_reduction <add>, %exp3A, %reduce_sum3A [1] : vector<512x64xf32> to vector<512xf32>
    %broadcast_in_dim3A_9 = vector.shape_cast %reduce_sum3A_8 : vector<512xf32> to vector<512x1xf32>
    %div3A = vector.broadcast %broadcast_in_dim3A_9 : vector<512x1xf32> to vector<512x64xf32>
    %div3A_10 = arith.divf %exp3A, %div3A : vector<512x64xf32>
    %get3A_11 = arith.constant 0 : index
    %get3A_12 = arith.constant 0 : index
    %get3A_13 = vector.load %arg3[%get3A_11, %get3A_12] : memref<1x64xf32, #tpu.memory_space<vmem>>, vector<1x64xf32>
    %add3A = vector.broadcast %get3A_13 : vector<1x64xf32> to vector<512x64xf32>
    %add3A_14 = arith.addf %div3A_10, %add3A : vector<512x64xf32>
    %concatenate3A = tpu.concatenate %add3A_14, %add3A_14 in 1 : vector<512x64xf32>, vector<512x64xf32> -> vector<512x128xf32>
    %swap3A = arith.constant 0 : index
    %swap3A_15 = arith.constant 0 : index
    %swap3A_16 = vector.load %arg4[%swap3A, %swap3A_15] : memref<512x128xf32, #tpu.memory_space<vmem>>, vector<512x128xf32>
    tpu.vector_store %arg4[%swap3A, %swap3A_15], %concatenate3A {strides = array<i32>} : memref<512x128xf32, #tpu.memory_space<vmem>>, vector<512x128xf32>,
    return
  }
  func.func @transform_0(%arg0: i32) -> (i32, i32) {
    %add3A = arith.constant 24 : i32
    %add3A_0 = arith.addi %arg0, %add3A : i32
    %c0_i32 = arith.constant 0 : i32
    %c0_i32_1 = arith.constant 0 : i32
    return %add3A_0, %c0_i32 : i32, i32
  }
  func.func @transform_1(%arg0: i32) -> (i32, i32) {
    %c0_i32 = arith.constant 0 : i32
    %c0_i32_0 = arith.constant 0 : i32
    %c0_i32_1 = arith.constant 0 : i32
    return %c0_i32, %c0_i32_0 : i32, i32
  }
  func.func @transform_2(%arg0: i32) -> (i32, i32) {
    %c0_i32 = arith.constant 0 : i32
    %c0_i32_0 = arith.constant 0 : i32
    %c0_i32_1 = arith.constant 0 : i32
    return %c0_i32, %c0_i32_0 : i32, i32
  }
  func.func @transform_3(%arg0: i32) -> (i32, i32) {
    %c0_i32 = arith.constant 0 : i32
    %c0_i32_0 = arith.constant 0 : i32
    return %arg0, %c0_i32 : i32, i32
  }
}

module attributes {stable_mosaic.version = 14 : i64} {
  func.func @_keys_block(%arg0: i32, %arg1: memref<512x4096xf32, #tpu.memory_space<vmem>>, %arg2: memref<64x4096xf32, #tpu.memory_space<vmem>>, %arg3: memref<1x64xf32, #tpu.memory_space<vmem>>, %arg4: memref<512x128xf32, #tpu.memory_space<vmem>>) attributes {dimension_semantics = [#tpu.dimension_semantics<arbitrary>], iteration_bounds = array<i64: 8>, scalar_prefetch = 0 : i64, scratch_operands = 0 : i64, tpu.core_type = #tpu.core_type<tc>, window_params = [{transform_indices = @transform_0, window_bounds = array<i64: 512, 4096>}, {pipeline_mode = #tpu.pipeline_mode<synchronous>, transform_indices = @transform_1, window_bounds = array<i64: 64, 4096>}, {pipeline_mode = #tpu.pipeline_mode<synchronous>, transform_indices = @transform_2, window_bounds = array<i64: 1, 64>}, {transform_indices = @transform_3, window_bounds = array<i64: 512, 128>}]} {
    %get3A = arith.constant 0 : index
    %get3A_0 = arith.constant 0 : index
    %get3A_1 = vector.load %arg1[%get3A, %get3A_0] : memref<512x4096xf32, #tpu.memory_space<vmem>>, vector<512x4096xf32>
    %get3A_2 = arith.constant 0 : index
    %get3A_3 = arith.constant 0 : index
    %get3A_4 = vector.load %arg2[%get3A_2, %get3A_3] : memref<64x4096xf32, #tpu.memory_space<vmem>>, vector<64x4096xf32>
    %dot_general3A = arith.constant dense<0.000000e+00> : vector<512x64xf32>
    %dot_general3A_5 = tpu.matmul %get3A_1, %get3A_4, %dot_general3A {dimension_numbers = #tpu.dot_dimension_numbers<[1], [1], [0], [0], [0, 0, 1, 0], [], []>, transpose_lhs_hint = false} : vector<512x4096xf32>, vector<64x4096xf32>, vector<512x64xf32> -> vector<512x64xf32>
    %reduce_max3A = arith.constant dense<0xFF800000> : vector<512xf32>
    %reduce_max3A_6 = vector.multi_reduction <maximumf>, %dot_general3A_5, %reduce_max3A [1] : vector<512x64xf32> to vector<512xf32>
    %broadcast_in_dim3A = vector.shape_cast %reduce_max3A_6 : vector<512xf32> to vector<512x1xf32>
    %sub3A = vector.broadcast %broadcast_in_dim3A : vector<512x1xf32> to vector<512x64xf32>
    %sub3A_7 = arith.subf %dot_general3A_5, %sub3A : vector<512x64xf32>
    %exp3A = math.exp %sub3A_7 : vector<512x64xf32>
    %reduce_sum3A = arith.constant dense<0.000000e+00> : vector<512xf32>
    %reduce_sum3A_8 = vector.multi_reduction <add>, %exp3A, %reduce_sum3A [1] : vector<512x64xf32> to vector<512xf32>
    %broadcast_in_dim3A_9 = vector.shape_cast %reduce_sum3A_8 : vector<512xf32> to vector<512x1xf32>
    %div3A = vector.broadcast %broadcast_in_dim3A_9 : vector<512x1xf32> to vector<512x64xf32>
    %div3A_10 = arith.divf %exp3A, %div3A : vector<512x64xf32>
    %get3A_11 = arith.constant 0 : index
    %get3A_12 = arith.constant 0 : index
    %get3A_13 = vector.load %arg3[%get3A_11, %get3A_12] : memref<1x64xf32, #tpu.memory_space<vmem>>, vector<1x64xf32>
    %add3A = vector.broadcast %get3A_13 : vector<1x64xf32> to vector<512x64xf32>
    %add3A_14 = arith.addf %div3A_10, %add3A : vector<512x64xf32>
    %concatenate3A = tpu.concatenate %add3A_14, %add3A_14 in 1 : vector<512x64xf32>, vector<512x64xf32> -> vector<512x128xf32>
    %swap3A = arith.constant 0 : index
    %swap3A_15 = arith.constant 0 : index
    %swap3A_16 = vector.load %arg4[%swap3A, %swap3A_15] : memref<512x128xf32, #tpu.memory_space<vmem>>, vector<512x128xf32>
    tpu.vector_store %arg4[%swap3A, %swap3A_15], %concatenate3A {strides = array<i32>} : memref<512x128xf32, #tpu.memory_space<vmem>>, vector<512x128xf32>,
    return
  }
  func.func @transform_0(%arg0: i32) -> (i32, i32) {
    %add3A = arith.constant 16 : i32
    %add3A_0 = arith.addi %arg0, %add3A : i32
    %c0_i32 = arith.constant 0 : i32
    %c0_i32_1 = arith.constant 0 : i32
    return %add3A_0, %c0_i32 : i32, i32
  }
  func.func @transform_1(%arg0: i32) -> (i32, i32) {
    %c0_i32 = arith.constant 0 : i32
    %c0_i32_0 = arith.constant 0 : i32
    %c0_i32_1 = arith.constant 0 : i32
    return %c0_i32, %c0_i32_0 : i32, i32
  }
  func.func @transform_2(%arg0: i32) -> (i32, i32) {
    %c0_i32 = arith.constant 0 : i32
    %c0_i32_0 = arith.constant 0 : i32
    %c0_i32_1 = arith.constant 0 : i32
    return %c0_i32, %c0_i32_0 : i32, i32
  }
  func.func @transform_3(%arg0: i32) -> (i32, i32) {
    %c0_i32 = arith.constant 0 : i32
    %c0_i32_0 = arith.constant 0 : i32
    return %arg0, %c0_i32 : i32, i32
  }
}

module attributes {stable_mosaic.version = 14 : i64} {
  func.func @_keys_block(%arg0: i32, %arg1: memref<512x4096xf32, #tpu.memory_space<vmem>>, %arg2: memref<64x4096xf32, #tpu.memory_space<vmem>>, %arg3: memref<1x64xf32, #tpu.memory_space<vmem>>, %arg4: memref<512x128xf32, #tpu.memory_space<vmem>>) attributes {dimension_semantics = [#tpu.dimension_semantics<arbitrary>], iteration_bounds = array<i64: 8>, scalar_prefetch = 0 : i64, scratch_operands = 0 : i64, tpu.core_type = #tpu.core_type<tc>, window_params = [{transform_indices = @transform_0, window_bounds = array<i64: 512, 4096>}, {pipeline_mode = #tpu.pipeline_mode<synchronous>, transform_indices = @transform_1, window_bounds = array<i64: 64, 4096>}, {pipeline_mode = #tpu.pipeline_mode<synchronous>, transform_indices = @transform_2, window_bounds = array<i64: 1, 64>}, {transform_indices = @transform_3, window_bounds = array<i64: 512, 128>}]} {
    %get3A = arith.constant 0 : index
    %get3A_0 = arith.constant 0 : index
    %get3A_1 = vector.load %arg1[%get3A, %get3A_0] : memref<512x4096xf32, #tpu.memory_space<vmem>>, vector<512x4096xf32>
    %get3A_2 = arith.constant 0 : index
    %get3A_3 = arith.constant 0 : index
    %get3A_4 = vector.load %arg2[%get3A_2, %get3A_3] : memref<64x4096xf32, #tpu.memory_space<vmem>>, vector<64x4096xf32>
    %dot_general3A = arith.constant dense<0.000000e+00> : vector<512x64xf32>
    %dot_general3A_5 = tpu.matmul %get3A_1, %get3A_4, %dot_general3A {dimension_numbers = #tpu.dot_dimension_numbers<[1], [1], [0], [0], [0, 0, 1, 0], [], []>, transpose_lhs_hint = false} : vector<512x4096xf32>, vector<64x4096xf32>, vector<512x64xf32> -> vector<512x64xf32>
    %reduce_max3A = arith.constant dense<0xFF800000> : vector<512xf32>
    %reduce_max3A_6 = vector.multi_reduction <maximumf>, %dot_general3A_5, %reduce_max3A [1] : vector<512x64xf32> to vector<512xf32>
    %broadcast_in_dim3A = vector.shape_cast %reduce_max3A_6 : vector<512xf32> to vector<512x1xf32>
    %sub3A = vector.broadcast %broadcast_in_dim3A : vector<512x1xf32> to vector<512x64xf32>
    %sub3A_7 = arith.subf %dot_general3A_5, %sub3A : vector<512x64xf32>
    %exp3A = math.exp %sub3A_7 : vector<512x64xf32>
    %reduce_sum3A = arith.constant dense<0.000000e+00> : vector<512xf32>
    %reduce_sum3A_8 = vector.multi_reduction <add>, %exp3A, %reduce_sum3A [1] : vector<512x64xf32> to vector<512xf32>
    %broadcast_in_dim3A_9 = vector.shape_cast %reduce_sum3A_8 : vector<512xf32> to vector<512x1xf32>
    %div3A = vector.broadcast %broadcast_in_dim3A_9 : vector<512x1xf32> to vector<512x64xf32>
    %div3A_10 = arith.divf %exp3A, %div3A : vector<512x64xf32>
    %get3A_11 = arith.constant 0 : index
    %get3A_12 = arith.constant 0 : index
    %get3A_13 = vector.load %arg3[%get3A_11, %get3A_12] : memref<1x64xf32, #tpu.memory_space<vmem>>, vector<1x64xf32>
    %add3A = vector.broadcast %get3A_13 : vector<1x64xf32> to vector<512x64xf32>
    %add3A_14 = arith.addf %div3A_10, %add3A : vector<512x64xf32>
    %concatenate3A = tpu.concatenate %add3A_14, %add3A_14 in 1 : vector<512x64xf32>, vector<512x64xf32> -> vector<512x128xf32>
    %swap3A = arith.constant 0 : index
    %swap3A_15 = arith.constant 0 : index
    %swap3A_16 = vector.load %arg4[%swap3A, %swap3A_15] : memref<512x128xf32, #tpu.memory_space<vmem>>, vector<512x128xf32>
    tpu.vector_store %arg4[%swap3A, %swap3A_15], %concatenate3A {strides = array<i32>} : memref<512x128xf32, #tpu.memory_space<vmem>>, vector<512x128xf32>,
    return
  }
  func.func @transform_0(%arg0: i32) -> (i32, i32) {
    %add3A = arith.constant 8 : i32
    %add3A_0 = arith.addi %arg0, %add3A : i32
    %c0_i32 = arith.constant 0 : i32
    %c0_i32_1 = arith.constant 0 : i32
    return %add3A_0, %c0_i32 : i32, i32
  }
  func.func @transform_1(%arg0: i32) -> (i32, i32) {
    %c0_i32 = arith.constant 0 : i32
    %c0_i32_0 = arith.constant 0 : i32
    %c0_i32_1 = arith.constant 0 : i32
    return %c0_i32, %c0_i32_0 : i32, i32
  }
  func.func @transform_2(%arg0: i32) -> (i32, i32) {
    %c0_i32 = arith.constant 0 : i32
    %c0_i32_0 = arith.constant 0 : i32
    %c0_i32_1 = arith.constant 0 : i32
    return %c0_i32, %c0_i32_0 : i32, i32
  }
  func.func @transform_3(%arg0: i32) -> (i32, i32) {
    %c0_i32 = arith.constant 0 : i32
    %c0_i32_0 = arith.constant 0 : i32
    return %arg0, %c0_i32 : i32, i32
  }
}

module attributes {stable_mosaic.version = 14 : i64} {
  func.func @_keys_block(%arg0: i32, %arg1: memref<512x4096xf32, #tpu.memory_space<vmem>>, %arg2: memref<64x4096xf32, #tpu.memory_space<vmem>>, %arg3: memref<1x64xf32, #tpu.memory_space<vmem>>, %arg4: memref<512x128xf32, #tpu.memory_space<vmem>>) attributes {dimension_semantics = [#tpu.dimension_semantics<arbitrary>], iteration_bounds = array<i64: 8>, scalar_prefetch = 0 : i64, scratch_operands = 0 : i64, tpu.core_type = #tpu.core_type<tc>, window_params = [{transform_indices = @transform_0, window_bounds = array<i64: 512, 4096>}, {pipeline_mode = #tpu.pipeline_mode<synchronous>, transform_indices = @transform_1, window_bounds = array<i64: 64, 4096>}, {pipeline_mode = #tpu.pipeline_mode<synchronous>, transform_indices = @transform_2, window_bounds = array<i64: 1, 64>}, {transform_indices = @transform_3, window_bounds = array<i64: 512, 128>}]} {
    %get3A = arith.constant 0 : index
    %get3A_0 = arith.constant 0 : index
    %get3A_1 = vector.load %arg1[%get3A, %get3A_0] : memref<512x4096xf32, #tpu.memory_space<vmem>>, vector<512x4096xf32>
    %get3A_2 = arith.constant 0 : index
    %get3A_3 = arith.constant 0 : index
    %get3A_4 = vector.load %arg2[%get3A_2, %get3A_3] : memref<64x4096xf32, #tpu.memory_space<vmem>>, vector<64x4096xf32>
    %dot_general3A = arith.constant dense<0.000000e+00> : vector<512x64xf32>
    %dot_general3A_5 = tpu.matmul %get3A_1, %get3A_4, %dot_general3A {dimension_numbers = #tpu.dot_dimension_numbers<[1], [1], [0], [0], [0, 0, 1, 0], [], []>, transpose_lhs_hint = false} : vector<512x4096xf32>, vector<64x4096xf32>, vector<512x64xf32> -> vector<512x64xf32>
    %reduce_max3A = arith.constant dense<0xFF800000> : vector<512xf32>
    %reduce_max3A_6 = vector.multi_reduction <maximumf>, %dot_general3A_5, %reduce_max3A [1] : vector<512x64xf32> to vector<512xf32>
    %broadcast_in_dim3A = vector.shape_cast %reduce_max3A_6 : vector<512xf32> to vector<512x1xf32>
    %sub3A = vector.broadcast %broadcast_in_dim3A : vector<512x1xf32> to vector<512x64xf32>
    %sub3A_7 = arith.subf %dot_general3A_5, %sub3A : vector<512x64xf32>
    %exp3A = math.exp %sub3A_7 : vector<512x64xf32>
    %reduce_sum3A = arith.constant dense<0.000000e+00> : vector<512xf32>
    %reduce_sum3A_8 = vector.multi_reduction <add>, %exp3A, %reduce_sum3A [1] : vector<512x64xf32> to vector<512xf32>
    %broadcast_in_dim3A_9 = vector.shape_cast %reduce_sum3A_8 : vector<512xf32> to vector<512x1xf32>
    %div3A = vector.broadcast %broadcast_in_dim3A_9 : vector<512x1xf32> to vector<512x64xf32>
    %div3A_10 = arith.divf %exp3A, %div3A : vector<512x64xf32>
    %get3A_11 = arith.constant 0 : index
    %get3A_12 = arith.constant 0 : index
    %get3A_13 = vector.load %arg3[%get3A_11, %get3A_12] : memref<1x64xf32, #tpu.memory_space<vmem>>, vector<1x64xf32>
    %add3A = vector.broadcast %get3A_13 : vector<1x64xf32> to vector<512x64xf32>
    %add3A_14 = arith.addf %div3A_10, %add3A : vector<512x64xf32>
    %concatenate3A = tpu.concatenate %add3A_14, %add3A_14 in 1 : vector<512x64xf32>, vector<512x64xf32> -> vector<512x128xf32>
    %swap3A = arith.constant 0 : index
    %swap3A_15 = arith.constant 0 : index
    %swap3A_16 = vector.load %arg4[%swap3A, %swap3A_15] : memref<512x128xf32, #tpu.memory_space<vmem>>, vector<512x128xf32>
    tpu.vector_store %arg4[%swap3A, %swap3A_15], %concatenate3A {strides = array<i32>} : memref<512x128xf32, #tpu.memory_space<vmem>>, vector<512x128xf32>,
    return
  }
  func.func @transform_0(%arg0: i32) -> (i32, i32) {
    %add3A = arith.constant 0 : i32
    %add3A_0 = arith.addi %arg0, %add3A : i32
    %c0_i32 = arith.constant 0 : i32
    %c0_i32_1 = arith.constant 0 : i32
    return %add3A_0, %c0_i32 : i32, i32
  }
  func.func @transform_1(%arg0: i32) -> (i32, i32) {
    %c0_i32 = arith.constant 0 : i32
    %c0_i32_0 = arith.constant 0 : i32
    %c0_i32_1 = arith.constant 0 : i32
    return %c0_i32, %c0_i32_0 : i32, i32
  }
  func.func @transform_2(%arg0: i32) -> (i32, i32) {
    %c0_i32 = arith.constant 0 : i32
    %c0_i32_0 = arith.constant 0 : i32
    %c0_i32_1 = arith.constant 0 : i32
    return %c0_i32, %c0_i32_0 : i32, i32
  }
  func.func @transform_3(%arg0: i32) -> (i32, i32) {
    %c0_i32 = arith.constant 0 : i32
    %c0_i32_0 = arith.constant 0 : i32
    return %arg0, %c0_i32 : i32, i32
  }
}

</mosaic_0001>

<sc_bundles>
// kernel: kernel.10.cloned.1.call-start
scs
__scs_entry_jumppad:
0x0: {  	(pc) =	sbr.rel $0x88, $3  }
0x1: {  	(tag) =	ssettag $0x0;
	lr =	simm.s32 $0x1  }
0x2: {  	[smem:$0x3F9E] =	sst lr;
	_ =	strace $0xD0000000  }
0x3: {  	_ = 	snop  }
0x4: {  	_ = 	snop  }
0x5: {  	_ = 	snop  }
0x6: {  	_ = 	snop  }
0x7: {  	_ = 	snop  }
__scs_overlays_trampoline_lowered:
0x8: {  	[smem:$0x3FAD] =	sst s0  }
0x9: {  	[smem:$0x3FAE] =	sst s1  }
0xa: {  	[smem:$0x3FAF] =	sst s2  }
0xb: {  	[smem:$0x3FB0] =	sst s3  }
0xc: {  	[smem:$0x3FB1] =	sst s4  }
0xd: {  	[smem:$0x3FB2] =	sst s5  }
0xe: {  	[smem:$0x3FB3] =	sst s6  }
0xf: {  	[smem:$0x3FB4] =	sst s7  }
0x10: {  	[smem:$0x3FB5] =	sst s8  }
0x11: {  	[smem:$0x3FB6] =	sst s9;
	s0 =	simm.s32 @!p0 $0x0  }
0x12: {  	s1 =	sld [smem:$0x3F9C];
	s0 =	simm.s32 @p0 $0x1  }
0x13: {  	[smem:$0x3FB7] =	sst s0;
	s0 =	simm.s32 @!p1 $0x0  }
0x14: {  	s2 =	sld [smem:$0x3F9B];
	s0 =	simm.s32 @p1 $0x1  }
0x15: {  	[smem:$0x3FB8] =	sst s0;
	s0 =	simm.s32 @!p2 $0x0  }
0x16: {  	s3 =	sld [smem:$0x3FDB];
	s0 =	simm.s32 @p2 $0x1  }
0x17: {  	s4 =	simm.s32 $0x1BF5;
	[smem:$0x3FBA] =	sst s0  }
0x18: {  	s0 =	sld [smem:$0x3F9D];
	_ =	swait.ge [sflag:s4], $0x0  }
0x19: {  	s7 =	sld [smem:$0x3F9E]  }
0x1a: {  	s8 =	sadd.s32 $0xFFFFE003, lr  }
0x1b: {  	s9 =	sadd.s32 $0xFFFFFEF7, lr;
	s5 =	simm.s32 $0xFFFFFFFF;
	p2 =	slt.u32 s8, $0xFFFFF086  }
0x1c: {  	p1 =	slt.u32 s9, $0xF7A;
	s5 =	simm.s32 @!p2 $0x0  }
0x1d: {  	s5 =	simm.s32 @p1 $0x1;
	p0 =	seq.s32 s7, s2  }
0x1e: {  	s7 =	smul.u32 @!p0 $0xF7A, s2;
	p2 =	seq.s32 @!p0 s5, $0x0  }
0x1f: {  	s9 =	smul.u32 $0xF7A, s1;
	s8 =	simm.s32 @!p0 $0x1BF5;
	p2 =	por !p2, p0  }
0x20: {  	[sflag:s8] =	ssyncset.s32 @!p0 $0xFFFFF086;
	s6 =	sadd.s32 @!p0 s3, s7;
	s7 =	simm.s32 @!p0 $0x108  }
0x21: {  	s3 =	sadd.s32 s3, s9;
	s6 =	sadd.s32 @!p0 $0x88, s6;
	s7 =	simm.s32 @p2 $0x1082  }
0x22: {  	[simem:s7], [sflag:s8] =	dma.local @!p0 [hbm:s6], $0xF7A  }
0x23: {  	s9 =	sor.u32 $0xD0000000, s2;
	s6 =	simm.s32 $0x108;
	_ =	swait.ge @!p0 [sflag:s8], $0x0  }
0x24: {  	s3 =	sadd.s32 $0x88, s3;
	s6 =	simm.s32 @!p1 $0x1082;
	[sflag:s4] =	ssyncset.s32 $0xFFFFF086  }
0x25: {  	[simem:s6], [sflag:s4] =	dma.local [hbm:s3], $0xF7A  }
0x26: {  	[smem:$0x3F9E] =	sst s1;
	(tag) =	ssettag s2;
	_ =	strace s9  }
0x27: {  	s1 =	sld [smem:$0x3FAE]  }
0x28: {  	s2 =	sld [smem:$0x3FAF]  }
0x29: {  	s4 =	sld [smem:$0x3FB1]  }
0x2a: {  	p0 =	seq.s32 s5, $0x0;
	s5 =	sld [smem:$0x3FB2]  }
0x2b: {  	s6 =	sld [smem:$0x3FB3]  }
0x2c: {  	s7 =	sld [smem:$0x3FB4]  }
0x2d: {  	s3 =	simm.s32 $0x108;
	s8 =	sld [smem:$0x3FB5]  }
0x2e: {  	s3 =	simm.s32 @!p0 $0x1082;
	s9 =	sld [smem:$0x3FB6]  }
0x2f: {  	lr =	sadd.s32 s0, s3;
	s0 =	sld [smem:$0x3FAD]  }
0x30: {  	s3 =	sld [smem:$0x3FB0]  }
0x31: {  	[smem:$0x3FB9] =	sst s10  }
0x32: {  	s10 =	sld [smem:$0x3FB7];
	_ =	sdelay $0x3  }
0x33: {  	p0 =	seq.s32 s10, $0x1;
	s10 =	sld [smem:$0x3FB9];
	_ =	sdelay $0x3  }
0x34: {  	[smem:$0x3FB9] =	sst s10  }
0x35: {  	s10 =	sld [smem:$0x3FB8];
	_ =	sdelay $0x3  }
0x36: {  	p1 =	seq.s32 s10, $0x1;
	s10 =	sld [smem:$0x3FB9];
	_ =	sdelay $0x3  }
0x37: {  	[smem:$0x3FB9] =	sst s10  }
0x38: {  	s10 =	sld [smem:$0x3FBA]  }
0x39: {  	_ = 	snop;
	(pc) =	sbr.ind lr, $3  }
0x3a: {  	_ = 	snop  }
0x3b: {  	_ = 	snop  }
0x3c: {  	p2 =	seq.s32 s10, $0x1;
	s10 =	sld [smem:$0x3FB9]  }
0x3d: {  	_ =	shalt  }
0x3e: {  	_ =	shalt  }
0x3f: {  	_ =	shalt  }
0x40: {  	_ =	shalt  }
0x41: {  	_ =	shalt  }
0x42: {  	_ =	shalt  }
0x43: {  	_ =	shalt  }
0x44: {  	_ =	shalt  }
0x45: {  	_ =	shalt  }
0x46: {  	_ =	shalt  }
0x47: {  	_ =	shalt  }
0x48: {  	_ =	shalt  }
0x49: {  	_ =	shalt  }
0x4a: {  	_ =	shalt  }
0x4b: {  	_ =	shalt  }
0x4c: {  	_ =	shalt  }
0x4d: {  	_ =	shalt  }
0x4e: {  	_ =	shalt  }
0x4f: {  	_ =	shalt  }
0x50: {  	_ =	shalt  }
0x51: {  	_ =	shalt  }
0x52: {  	_ =	shalt  }
0x53: {  	_ =	shalt  }
0x54: {  	_ =	shalt  }
0x55: {  	_ =	shalt  }
0x56: {  	_ =	shalt  }
0x57: {  	_ =	shalt  }
0x58: {  	_ =	shalt  }
0x59: {  	_ =	shalt  }
0x5a: {  	_ =	shalt  }
0x5b: {  	_ =	shalt  }
0x5c: {  	_ =	shalt  }
0x5d: {  	_ =	shalt  }
0x5e: {  	_ =	shalt  }
0x5f: {  	_ =	shalt  }
0x60: {  	_ =	shalt  }
0x61: {  	_ =	shalt  }
0x62: {  	_ =	shalt  }
0x63: {  	_ =	shalt  }
0x64: {  	_ =	shalt  }
0x65: {  	_ =	shalt  }
0x66: {  	_ =	shalt  }
0x67: {  	_ =	shalt  }
0x68: {  	_ =	shalt  }
0x69: {  	_ =	shalt  }
0x6a: {  	_ =	shalt  }
0x6b: {  	_ =	shalt  }
0x6c: {  	_ =	shalt  }
0x6d: {  	_ =	shalt  }
0x6e: {  	_ =	shalt  }
0x6f: {  	_ =	shalt  }
0x70: {  	_ =	shalt  }
0x71: {  	_ =	shalt  }
0x72: {  	_ =	shalt  }
0x73: {  	_ =	shalt  }
0x74: {  	_ =	shalt  }
0x75: {  	_ =	shalt  }
0x76: {  	_ =	shalt  }
0x77: {  	_ =	shalt  }
0x78: {  	_ =	shalt  }
0x79: {  	_ =	shalt  }
0x7a: {  	_ =	shalt  }
0x7b: {  	_ =	shalt  }
0x7c: {  	_ =	shalt  }
0x7d: {  	_ =	shalt  }
0x7e: {  	_ =	shalt  }
0x7f: {  	_ =	shalt  }
0x80: {  	_ =	shalt  }
0x81: {  	_ =	shalt  }
0x82: {  	_ =	shalt  }
0x83: {  	_ =	shalt  }
0x84: {  	_ =	shalt  }
0x85: {  	_ =	shalt  }
0x86: {  	_ =	shalt  }
0x87: {  	_ =	shalt  }
.Lfunc_end0:
.L_simem_size_0:
called_computation_lowered:
.L_overlay_start_0:
0x88: {  	s2 =	sld [smem:$0x3FD9]  }
0x89: {  	s3 =	sld [smem:$0x3FFE];
	_ =	sdelay $0x1  }
0x8a: {  	s1 =	srdreg.scid  }
0x8b: {  	s0 =	sand.u32 $0x1, s1  }
0x8c: {  	s15 =	sshll.u32 s0, $0xA;
	s2 =	sadd.s32 s3, s2  }
0x8d: {  	s2 =	sadd.s32 s2, s15  }
0x8e: {  	[smem:$0x3FC5] =	sst s2  }
0x8f: {  	_ = 	snop  }
0x90: {  	s16 =	sld [smem:$0x3FD0];
	_ =	sdelay $0x2  }
0x91: {  	s4 =	simm.s32 $0xD;
	s5 =	simm.s32 $0x10;
	s2 =	sld [smem:$0x3FC7]  }
0x92: {  	[smem:s5], [sflag:s4] =	dma.local [hbm:s16], $0x1  }
0x93: {  	_ =	swait.eq [sflag:s4], $0x1  }
0x94: {  	[sflag:s4] =	ssyncset.done $0x0  }
0x95: {  	[sflag:s4] =	ssyncadd.s32 $0xFFFFFFFF  }
0x96: {  	s17 =	sld [smem:$0x10];
	(tm) =	ssettm $0x1  }
0x97: {  	s18 =	sld [smem:$0x3FFB];
	_ =	sdelay $0x3  }
0x98: {  	_ =	strace s18  }
0x99: {  	s3 =	sld [smem:$0x3FFC];
	_ =	sdelay $0x3  }
0x9a: {  	_ =	strace s3  }
0x9b: {  	s3 =	sld [smem:$0x3FFD];
	_ =	sdelay $0x3  }
0x9c: {  	_ =	strace s3  }
0x9d: {  	_ =	strace $0x8FFFFFFF  }
0x9e: {  	s19 =	sld [smem:$0x3FDB];
	_ =	sdelay $0x1  }
0x9f: {  	s20 =	simm.s32 $_scs_section_size  }
0xa0: {  	s6 =	simm.s32 $_size__tile_overlayer_lowered;
	s7 =	simm.s32 $_tile_overlayer_lowered  }
0xa1: {  	s8 =	simm.s32 $0x1BFF;
	s21 =	sshll.u32 s7, $0x1;
	s5 =	sadd.s32 s20, s19  }
0xa2: {  	s22 =	simm.s32 $0x0;
	s6 =	sshll.u32 s6, $0x1;
	s7 =	sadd.s32 s21, s5  }
0xa3: {  	[timem:s22], [sflag:s8] =	dma.local [hbm:s7], s6  }
0xa4: {  	_ =	swait.ge [sflag:s8], s6  }
0xa5: {  	s6 =	ssub.s32 $0x0, s6;
	[sflag:s8] =	ssyncset.done $0x0  }
0xa6: {  	[sflag:s8] =	ssyncadd.s32 s6;
	_ =	sdelay $0x1  }
0xa7: {  	s23 =	simm.s32 $0x1B8B  }
0xa8: {  	_ =	swait.ge [sflag:s23], $0x1  }
0xa9: {  	[sflag:s23] =	ssyncset.done $0x0  }
0xaa: {  	[sflag:s23] =	ssyncadd.s32 $0xFFFFFFFF  }
0xab: {  	s6 =	sld [smem:$0x0]  }
0xac: {  	s7 =	sand.u32 $0xFFFFFFFE, s1  }
0xad: {  	p0 =	sne.s32 s1, s7  }
0xae: {  	s7 =	sshll.u32 @p0 s7, $0xE  }
0xaf: {  	s7 =	sadd.s32 @p0 $0x11B8D, s7;
	s8 =	sshll.u32 @p0 s6, $0x11  }
0xb0: {  	s7 =	sor.u32 @p0 s8, s7  }
0xb1: {  	[sflag:s7] =	ssyncadd.remote.s32 @p0 $0x1;
	_ =	sdelay $0x1  }
0xb2: {  	s7 =	simm.s32 @p0 $0x1B8D  }
0xb3: {  	_ =	swait.eq @p0 [sflag:s7], $0x1  }
0xb4: {  	[sflag:s7] =	ssyncadd.s32 @p0 $0xFFFFFFFF  }
0xb5: {  	s8 =	sshll.u32 @!p0 s1, $0xE  }
0xb6: {  	s8 =	sor.u32 @!p0 $0x4000, s8;
	s7 =	simm.s32 @!p0 $0x1B8D  }
0xb7: {  	s6 =	sshll.u32 @!p0 s6, $0x11;
	s8 =	sadd.s32 @!p0 $0x11B8D, s8;
	_ =	swait.eq @!p0 [sflag:s7], $0x1  }
0xb8: {  	s6 =	sor.u32 @!p0 s6, s8;
	[sflag:s7] =	ssyncadd.s32 @!p0 $0xFFFFFFFF  }
0xb9: {  	s25 =	simm.s32 $0x1B8E;
	s24 =	sld [smem:$0x3FFE];
	[sflag:s6] =	ssyncadd.remote.s32 @!p0 $0x1  }
0xba: {  	s26 =	simm.s32 $execute0_lowered;
	[smem:$0x3FD2] =	sst s25  }
0xbb: {  	s7 =	sshll.u32 s26, $0x1;
	_ =	strace $0x8000004F;
	[dreg:$0x1] =	wrdreg $0xFFFFFFFF  }
0xbc: {  	s28 =	simm.s32 $_size_execute0_lowered;
	s5 =	sadd.s32 s5, s7;
	[dreg:$0x0] =	wrdreg $0x0  }
0xbd: {  	s7 =	sshll.u32 s28, $0x1;
	[dreg:$0x2] =	wrdreg s5  }
0xbe: {  	[dreg:$0x3] =	wrdreg s7  }
0xbf: {  	[dreg:$0x4] =	wrdreg $0xC0  }
0xc0: {  	_ =	task [dreg:s22], $0x5FFFF  }
0xc1: {  	[dreg:$0x1] =	wrdreg $0xFFFFFFFF  }
0xc2: {  	[dreg:$0x0] =	wrdreg $0x60  }
0xc3: {  	[dreg:$0x2] =	wrdreg s24  }
0xc4: {  	[dreg:$0x3] =	wrdreg s2  }
0xc5: {  	[dreg:$0x4] =	wrdreg s17  }
0xc6: {  	[dreg:$0x5] =	wrdreg $0x9  }
0xc7: {  	_ =	task.clear_ibuf [dreg:s22], $0x6FFFF;
	_ =	strace $0x9000004F  }
0xc8: {  	s29 =	simm.s32 $0x9;
	_ =	strace $0x80000051  }
0xc9: {  	_ =	swait.ge [sflag:s29], $0x1  }
0xca: {  	[sflag:s29] =	ssyncadd.s32 $0xFFFFFFFF  }
0xcb: {  	_ =	strace $0x90000051  }
0xcc: {  	_ =	sfence  }
0xcd: {  	s30 =	sld [smem:$0x0];
	_ =	sdelay $0x2  }
0xce: {  	s31 =	sshll.u32 s1, $0xD;
	s1 =	sshrl.u32 s1, $0x2  }
0xcf: {  	s4 =	sand.u32 $0x4000, s31;
	s1 =	sadd.s32 s1, s30  }
0xd0: {  	s0 =	sor.u32 s4, s0;
	s1 =	sshll.u32 s1, $0x11  }
0xd1: {  	s0 =	sor.u32 s1, s0  }
0xd2: {  	s0 =	sadd.s32 $0x8F2B, s0  }
0xd3: {  	[sflag:s0] =	ssyncadd.remote.s32 $0x1  }
0xd4: {  	_ =	sfence.sel $0xFFFF  }
0xd5: {  	[dreg:$0x0] =	wrdreg $0xFFFFFFFF;
	(pc) =	sbr.abs _section_cstart, $3  }
0xd6: {  	[dreg:$0x1] =	wrdreg $0xFFFFFFFF  }
0xd7: {  	_ =	task.clear_ibuf [dreg:s22], $0x2FFFF;
	_ =	strace $0x9FFFFFFF  }
0xd8: {  	(tm) =	ssettm $0x7FFFFFFF  }
0xd9: {  	_ =	shalt  }
tec
execute0_lowered:
.L_overlay_start_1:
0x0: {  	(tag) =	ssettag $0x1  }
0x1: {  	s4 =	rddreg [dreg:$0x0]  }
0x2: {  	s2 =	rddreg [dreg:$0x1]  }
0x3: {  	s6 =	rddreg [dreg:$0x2]  }
0x4: {  	s0 =	rddreg [dreg:$0x3];
	s5 =	srdreg.scid  }
0x5: {  	s1 =	stileid.u32;
	s3 =	simm.s32 $0x0;
	s11 =	simm.s32 $0x4480  }
0x6: {  	s5 =	sand.u32 $0x1, s5;
	s7 =	sshll.u32 s1, $0x1;
	[smem:$0x7FF] =	sst s3  }
0x7: {  	s12 =	simm.s32 $0x0;
	s7 =	sor.u32 s5, s7;
	_ =	strace $0x80000050  }
0x8: {  	s5 =	ssub.s32 $0x2, s5;
	s8 =	sshll.u32 s7, $0xB;
	s9 =	sshll.u32 s7, $0x7  }
0x9: {  	s10 =	sshrl.u32 s5, $0x1;
	s7 =	smul.u32 $0xA0, s7;
	s8 =	sadd.s32 s8, s4  }
0xa: {  	s9 =	sadd.s32 s9, s4;
	s10 =	ssub.s32 s5, s10;
	s4 =	sadd.s32 $0x39200, s8  }
0xb: {  	s5 =	sadd.s32 $0x49200, s9;
	s6 =	sadd.s32 s6, s7;
	s7 =	smax.u32 s10, $0x1  }
0xc: {  	v0 =	vlaneseq.u32;
	v1 =	vimm.s32 $0x1;
	v2 =	vimm.s32 $0x0;
	s8 =	simm.s32 $0x1;
	s9 =	simm.s32 $0x4000;
	s10 =	simm.s32 $0x4080  }
.LBB2_1:
0xd: {  	[tilespmem:s3], [sflag:$0x1] =	stream.linear.gather [hbm4b:s4+s3], $0x4000, $0x38;
	[tilespmem:$0x4980] =	vst v63  }
0xe: {  	_ =	swait.ge [sflag:s8], $0x4000  }
0xf: {  	[sflag:s8] =	ssyncset.done $0x0  }
0x10: {  	[sflag:s8] =	ssyncadd.s32 $0xFFFFC000  }
0x11: {  	[tilespmem:s9], [sflag:$0x1] =	stream.linear.gather [hbm4b:s2+s3], $0x80, $0x38;
	[tilespmem:$0x4980] =	vst v63  }
0x12: {  	_ =	swait.ge [sflag:s8], $0x80  }
0x13: {  	[sflag:s8] =	ssyncset.done $0x0  }
0x14: {  	s13 =	simm.s32 $0x0;
	[sflag:s8] =	ssyncadd.s32 $0xFFFFFF80  }
.LBB2_2:
0x15: {  	s14 =	sshll.u32 s13, $0x4  }
0x16: {  	v17 =	vor.u32 s14, v0  }
0x17: {  	v3 =	vshll.u32 v17, $0x7;
	_ =	sdelay $0x4  }
0x18: {  	v7 =	vimm.f32 $-Inf;
	v4 =	vld.idx.msk [tilespmem:v3+s3+$0x0], $0xffff  }
0x19: {  	v22 =	vimm.s32 $0x0;
	v5 =	vimm.f32 $-Inf;
	v27 =	vimm.s32 $0x0  }
0x1a: {  	v14 =	vimm.s32 $0x0;
	v6 =	vimm.f32 $-Inf;
	v25 =	vimm.s32 $0x0  }
0x1b: {  	v15 =	vimm.s32 $0x0;
	v10 =	vimm.s32 $0x0;
	v24 =	vimm.s32 $0x0  }
0x1c: {  	v12 =	vimm.f32 $-Inf;
	v13 =	vimm.f32 $-Inf;
	s14 =	simm.s32 $0x0;
	v20 =	vor.u32 $0x1, v3  }
0x1d: {  	v9 =	vimm.s32 $0x0;
	v29 =	vadd.s32 s14, v20;
	vm5 =	vgt.f32 v4, v7  }
0x1e: {  	vm1 =	vgt.f32 v4, v7;
	vm0 =	vgt.f32 v4, v7;
	v19 =	vsel vm5, s14, v22  }
0x1f: {  	v23 =	vsel vm5, v4, v7;
	v11 =	vsel vm5, v7, v4;
	v28 =	vnsel vm5, s14, v22  }
0x20: {  	v18 =	vnsel vm0, s14, v22;
	v8 =	vnsel vm5, s14, v22;
	v3 =	vnsel vm0, s14, v22  }
0x21: {  	v26 =	vsel vm0, v7, v4;
	vm7 =	vmmov vm5;
	vm3 =	vmmov vm0  }
0x22: {  	vm6 =	vmmov vm0;
	vm4 =	vmmov vm0;
	vm2 =	vmmov vm5  }
0x23: {  	s15 =	simm.s32 $0x1;
	v21 =	vsel vm5, v11, v7;
	v16 =	vsel vm0, v11, v7;
	v3 =	vsel vm0, v3, v22  }
.LBB2_3:
0x24: {  	v30 =	vld.idx.msk [tilespmem:v29+s3+$0x0], $0xffff;
	p0 =	sne.s32 s15, $0x3F;
	v29 =	vnsel vm5, s14, v22;
	v31 =	vsel vm1, v7, v4;
	v32 =	vsel vm0, v5, v4;
	v22 =	vmovc v19;
	s16 =	smov.u32 s15;
	s15 =	sadd.s32 $0x1, s15  }
0x25: {  	v27 =	vsel vm7, v29, v27;
	v29 =	vnsel vm1, s14, v14;
	v6 =	vsel vm3, v32, v6  }
0x26: {  	v25 =	vsel vm6, v28, v25;
	v10 =	vsel vm2, v18, v10;
	v15 =	vsel vm4, v29, v15  }
0x27: {  	v18 =	vnsel vm6, s14, v24;
	v4 =	vsel vm4, v12, v4;
	v12 =	vsel vm4, v31, v12;
	v24 =	vmovc v25;
	s14 =	smov.u32 s16  }
0x28: {  	v5 =	vsel vm0, v11, v5;
	v14 =	vsel vm1, v18, v14;
	v13 =	vsel vm2, v4, v13  }
0x29: {  	v7 =	vsel vm1, v26, v7;
	v9 =	vsel vm0, v8, v9;
	v29 =	vadd.s32 s14, v20  }
0x2a: {  	vm5 =	vgt.f32 v30, v23;
	vm7 =	vgt.f32 v30, v21;
	vm2 =	vgt.f32 v30, v13;
	v4 =	vmovc v30  }
0x2b: {  	vm1 =	vgt.f32 v4, v7;
	vm4 =	vgt.f32 v4, v12;
	v19 =	vsel vm5, s14, v19  }
.Ltmp0:
0x2c: {  	vm0 =	vgt.f32 v4, v5;
	v11 =	vsel vm5, v23, v4;
	v23 =	vsel vm5, v4, v23;
	(pc) =	sbr.rel @p0 .LBB2_3-.Ltmp0, $4  }
0x2d: {  	v30 =	vsel vm7, v21, v4;
	v28 =	vnsel vm7, s14, v27;
	v18 =	vnsel vm4, s14, v15  }
0x2e: {  	vm6 =	vgt.f32 v4, v16;
	v8 =	vnsel vm2, s14, v10;
	v31 =	vnsel vm0, s14, v9  }
0x2f: {  	vm3 =	vgt.f32 v4, v6;
	v21 =	vsel vm7, v11, v21;
	v26 =	vsel vm6, v16, v4  }
0x30: {  	v16 =	vsel vm6, v30, v16;
	v11 =	vsel vm2, v13, v4;
	v3 =	vsel vm3, v31, v3  }
0x31: {  	_ =	sdelay $0x3  }
0x32: {  	v20 =	vld.idx.msk [tilespmem:v19+s9+$0x0], $0xffff;
	_ =	sdelay $0x2  }
0x33: {  	v29 =	vmul.u32 $0xA, v17  }
0x34: {  	v31 =	vshll.u32 v17, $0x3  }
0x35: {  	v22 =	vnsel vm5, s14, v22;
	v32 =	vadd.s32 $0x2, v29;
	v20 =	vsub.f32 v23, v20  }
0x36: {  	v22 =	vsel vm7, v22, v27  }
0x37: {  	v20 =	vmul.f32 $2.500000000e+00, v20;
	_ =	sdelay $0x1  }
0x38: {  	v33 =	vadd.s32 $0x2, v19;
	[tilespmem:v31+s10+$0x0] =	vst.idx.msk $0xffff, v20  }
0x39: {  	[tilespmem:v32+s11+$0x0] =	vst.idx.msk $0xffff, v33  }
0x3a: {  	v19 =	vld.idx.msk [tilespmem:v22+s9+$0x0], $0xffff;
	_ =	sdelay $0x3  }
0x3b: {  	v34 =	vor.u32 $0x1, v31  }
0x3c: {  	v35 =	vadd.s32 $0x3, v29;
	v19 =	vsub.f32 v21, v19  }
0x3d: {  	v36 =	vsel vm6, v28, v25  }
0x3e: {  	v19 =	vmul.f32 $2.500000000e+00, v19;
	_ =	sdelay $0x1  }
0x3f: {  	v37 =	vadd.s32 $0x2, v22;
	[tilespmem:v34+s10+$0x0] =	vst.idx.msk $0xffff, v19  }
0x40: {  	[tilespmem:v35+s11+$0x0] =	vst.idx.msk $0xffff, v37  }
0x41: {  	v19 =	vld.idx.msk [tilespmem:v36+s9+$0x0], $0xffff;
	_ =	sdelay $0x3  }
0x42: {  	v38 =	vor.u32 $0x2, v31  }
0x43: {  	v39 =	vnsel vm6, s14, v24;
	v40 =	vadd.s32 $0x4, v29;
	v16 =	vsub.f32 v16, v19  }
0x44: {  	v21 =	vsel vm1, v39, v14  }
0x45: {  	v16 =	vmul.f32 $2.500000000e+00, v16;
	_ =	sdelay $0x1  }
0x46: {  	v41 =	vadd.s32 $0x2, v36;
	[tilespmem:v38+s10+$0x0] =	vst.idx.msk $0xffff, v16  }
0x47: {  	[tilespmem:v40+s11+$0x0] =	vst.idx.msk $0xffff, v41  }
0x48: {  	v16 =	vld.idx.msk [tilespmem:v21+s9+$0x0], $0xffff;
	_ =	sdelay $0x3  }
0x49: {  	v42 =	vsel vm1, v26, v7;
	v43 =	vor.u32 $0x3, v31  }
0x4a: {  	v44 =	vnsel vm1, s14, v14;
	v45 =	vadd.s32 $0x5, v29;
	v16 =	vsub.f32 v42, v16  }
0x4b: {  	v14 =	vsel vm4, v44, v15  }
0x4c: {  	v46 =	vmul.f32 $2.500000000e+00, v16;
	_ =	sdelay $0x1  }
0x4d: {  	v47 =	vadd.s32 $0x2, v21;
	[tilespmem:v43+s10+$0x0] =	vst.idx.msk $0xffff, v46  }
0x4e: {  	[tilespmem:v45+s11+$0x0] =	vst.idx.msk $0xffff, v47  }
0x4f: {  	v15 =	vld.idx.msk [tilespmem:v14+s9+$0x0], $0xffff;
	_ =	sdelay $0x2  }
0x50: {  	v48 =	vsel vm1, v7, v4  }
0x51: {  	v7 =	vsel vm4, v48, v12;
	v49 =	vor.u32 $0x4, v31  }
0x52: {  	v50 =	vadd.s32 $0x6, v29;
	v7 =	vsub.f32 v7, v15  }
0x53: {  	v10 =	vsel vm2, v18, v10  }
0x54: {  	v7 =	vmul.f32 $2.500000000e+00, v7;
	_ =	sdelay $0x1  }
0x55: {  	v51 =	vadd.s32 $0x2, v14;
	[tilespmem:v49+s10+$0x0] =	vst.idx.msk $0xffff, v7  }
0x56: {  	[tilespmem:v50+s11+$0x0] =	vst.idx.msk $0xffff, v51  }
0x57: {  	v7 =	vld.idx.msk [tilespmem:v10+s9+$0x0], $0xffff;
	_ =	sdelay $0x2  }
0x58: {  	v52 =	vsel vm4, v12, v4  }
0x59: {  	v12 =	vsel vm2, v52, v13;
	v53 =	vor.u32 $0x5, v31  }
0x5a: {  	v54 =	vadd.s32 $0x7, v29;
	v7 =	vsub.f32 v12, v7  }
0x5b: {  	v8 =	vsel vm0, v8, v9  }
0x5c: {  	v7 =	vmul.f32 $2.500000000e+00, v7;
	_ =	sdelay $0x1  }
0x5d: {  	v55 =	vadd.s32 $0x2, v10;
	[tilespmem:v53+s10+$0x0] =	vst.idx.msk $0xffff, v7  }
0x5e: {  	[tilespmem:v54+s11+$0x0] =	vst.idx.msk $0xffff, v55  }
0x5f: {  	v7 =	vld.idx.msk [tilespmem:v8+s9+$0x0], $0xffff;
	_ =	sdelay $0x3  }
0x60: {  	v56 =	vsel vm0, v11, v5;
	v57 =	vor.u32 $0x6, v31  }
0x61: {  	v58 =	vadd.s32 $0x8, v29;
	v7 =	vsub.f32 v56, v7;
	_ =	sdelay $0x1  }
0x62: {  	v7 =	vmul.f32 $2.500000000e+00, v7;
	_ =	sdelay $0x1  }
0x63: {  	v59 =	vadd.s32 $0x2, v8;
	[tilespmem:v57+s10+$0x0] =	vst.idx.msk $0xffff, v7  }
0x64: {  	[tilespmem:v58+s11+$0x0] =	vst.idx.msk $0xffff, v59  }
0x65: {  	v7 =	vld.idx.msk [tilespmem:v3+s9+$0x0], $0xffff;
	_ =	sdelay $0x2  }
0x66: {  	v60 =	vsel vm0, v5, v4  }
0x67: {  	v4 =	vsel vm3, v60, v6;
	v61 =	vor.u32 $0x7, v31  }
0x68: {  	v62 =	vadd.s32 $0x9, v29;
	v4 =	vsub.f32 v4, v7  }
0x69: {  	s13 =	sadd.s32 $0x1, s13  }
0x6a: {  	p0 =	sne.s32 s13, $0x8;
	v63 =	vor.u32 $0x1, v29;
	v4 =	vmul.f32 $2.500000000e+00, v4  }
.Ltmp1:
0x6b: {  	_ = 	snop;
	(pc) =	sbr.rel @p0 .LBB2_2-.Ltmp1, $4  }
0x6c: {  	v3 =	vadd.s32 $0x2, v3;
	[tilespmem:v61+s10+$0x0] =	vst.idx.msk $0xffff, v4  }
0x6d: {  	[tilespmem:v62+s11+$0x0] =	vst.idx.msk $0xffff, v3  }
0x6e: {  	[tilespmem:v29+s11+$0x0] =	vst.idx.msk $0xffff, v2  }
0x6f: {  	[tilespmem:v63+s11+$0x0] =	vst.idx.msk $0xffff, v1  }
0x70: {  	[hbm4b:s5+s3] =	stream.linear.scatter [tilespmem:s10], [sflag:$0x1], $0x400, $0x38;
	[tilespmem:$0x4980] =	vst v63  }
0x71: {  	s12 =	sadd.s32 $0x1, s12;
	_ =	swait.ge [sflag:s8], $0x400  }
0x72: {  	p0 =	sne.s32 s12, s7;
	[sflag:s8] =	ssyncset.done $0x0  }
.Ltmp2:
0x73: {  	[sflag:s8] =	ssyncadd.s32 $0xFFFFFC00;
	(pc) =	sbr.rel @p0 .LBB2_1-.Ltmp2, $4  }
0x74: {  	[hbm4b:s6+s3] =	stream.linear.scatter [tilespmem:s11], [sflag:$0x1], $0x500, $0x38;
	[tilespmem:$0x4980] =	vst v63  }
0x75: {  	_ =	swait.ge [sflag:s8], $0x500  }
0x76: {  	[sflag:s8] =	ssyncset.done $0x0  }
0x77: {  	[sflag:s8] =	ssyncadd.s32 $0xFFFFFB00  }
0x78: {  	_ =	sfence.sel $0x180000  }
0x79: {  	[bflag:$0x0] =	sbarrier.arrive $0xFFFF  }
0x7a: {  	p0 =	sne.s32 s1, $0x0;
	_ =	strace $0x90000050  }
0x7b: {  	s0 =	sadd.s32 @!p0 $0x100000, s0;
	[bflag:$0x2] =	sbarrier.arrive $0xFFFF  }
0x7c: {  	[sflag:s0] =	ssyncadd.tile.s32 @!p0 $0x1;
	_ =	shalt  }
.Lfunc_end2:
_tile_overlayer_lowered:
.L_overlay_start_2:
0x7d: {  	(tag) =	ssettag $0x2  }
0x7e: {  	s0 =	rddreg [dreg:$0x0];
	s2 =	stileid.u32  }
0x7f: {  	s1 =	rddreg [dreg:$0x1];
	p0 =	sne.s32 s2, $0x0  }
0x80: {  	s3 =	rddreg [dreg:$0x2];
	[bflag:$0x3] =	sbarrier.arrive $0xFFFF;
	s2 =	simm.s32 @!p0 $0x1C01  }
0x81: {  	[timem:s3], [sflag:s2] =	dma.local @!p0 [hbm:s0], s1  }
0x82: {  	s0 =	simm.s32 @!p0 $0x1  }
0x83: {  	_ =	swait.ge @!p0 [sflag:s0], s1  }
0x84: {  	s1 =	ssub.s32 @!p0 $0x0, s1;
	[sflag:s0] =	ssyncset.done @!p0 $0x0  }
0x85: {  	[sflag:s0] =	ssyncadd.s32 @!p0 s1  }
0x86: {  	[bflag:$0x3] =	sbarrier.arrive $0xFFFF  }
0x87: {  	_ =	shalt  }

// kernel: kernel.13.cloned.1.call-start
scs
__scs_entry_jumppad:
0x0: {  	(pc) =	sbr.rel $0x88, $3  }
0x1: {  	(tag) =	ssettag $0x0;
	lr =	simm.s32 $0x1  }
0x2: {  	[smem:$0x3F9E] =	sst lr;
	_ =	strace $0xD0000000  }
0x3: {  	_ = 	snop  }
0x4: {  	_ = 	snop  }
0x5: {  	_ = 	snop  }
0x6: {  	_ = 	snop  }
0x7: {  	_ = 	snop  }
__scs_overlays_trampoline_lowered:
0x8: {  	[smem:$0x3FAD] =	sst s0  }
0x9: {  	[smem:$0x3FAE] =	sst s1  }
0xa: {  	[smem:$0x3FAF] =	sst s2  }
0xb: {  	[smem:$0x3FB0] =	sst s3  }
0xc: {  	[smem:$0x3FB1] =	sst s4  }
0xd: {  	[smem:$0x3FB2] =	sst s5  }
0xe: {  	[smem:$0x3FB3] =	sst s6  }
0xf: {  	[smem:$0x3FB4] =	sst s7  }
0x10: {  	[smem:$0x3FB5] =	sst s8  }
0x11: {  	[smem:$0x3FB6] =	sst s9;
	s0 =	simm.s32 @!p0 $0x0  }
0x12: {  	s1 =	sld [smem:$0x3F9C];
	s0 =	simm.s32 @p0 $0x1  }
0x13: {  	[smem:$0x3FB7] =	sst s0;
	s0 =	simm.s32 @!p1 $0x0  }
0x14: {  	s2 =	sld [smem:$0x3F9B];
	s0 =	simm.s32 @p1 $0x1  }
0x15: {  	[smem:$0x3FB8] =	sst s0;
	s0 =	simm.s32 @!p2 $0x0  }
0x16: {  	s3 =	sld [smem:$0x3FDB];
	s0 =	simm.s32 @p2 $0x1  }
0x17: {  	s4 =	simm.s32 $0x1BF5;
	[smem:$0x3FBA] =	sst s0  }
0x18: {  	s0 =	sld [smem:$0x3F9D];
	_ =	swait.ge [sflag:s4], $0x0  }
0x19: {  	s7 =	sld [smem:$0x3F9E]  }
0x1a: {  	s8 =	sadd.s32 $0xFFFFE003, lr  }
0x1b: {  	s9 =	sadd.s32 $0xFFFFFEF7, lr;
	s5 =	simm.s32 $0xFFFFFFFF;
	p2 =	slt.u32 s8, $0xFFFFF086  }
0x1c: {  	p1 =	slt.u32 s9, $0xF7A;
	s5 =	simm.s32 @!p2 $0x0  }
0x1d: {  	s5 =	simm.s32 @p1 $0x1;
	p0 =	seq.s32 s7, s2  }
0x1e: {  	s7 =	smul.u32 @!p0 $0xF7A, s2;
	p2 =	seq.s32 @!p0 s5, $0x0  }
0x1f: {  	s9 =	smul.u32 $0xF7A, s1;
	s8 =	simm.s32 @!p0 $0x1BF5;
	p2 =	por !p2, p0  }
0x20: {  	[sflag:s8] =	ssyncset.s32 @!p0 $0xFFFFF086;
	s6 =	sadd.s32 @!p0 s3, s7;
	s7 =	simm.s32 @!p0 $0x108  }
0x21: {  	s3 =	sadd.s32 s3, s9;
	s6 =	sadd.s32 @!p0 $0x88, s6;
	s7 =	simm.s32 @p2 $0x1082  }
0x22: {  	[simem:s7], [sflag:s8] =	dma.local @!p0 [hbm:s6], $0xF7A  }
0x23: {  	s9 =	sor.u32 $0xD0000000, s2;
	s6 =	simm.s32 $0x108;
	_ =	swait.ge @!p0 [sflag:s8], $0x0  }
0x24: {  	s3 =	sadd.s32 $0x88, s3;
	s6 =	simm.s32 @!p1 $0x1082;
	[sflag:s4] =	ssyncset.s32 $0xFFFFF086  }
0x25: {  	[simem:s6], [sflag:s4] =	dma.local [hbm:s3], $0xF7A  }
0x26: {  	[smem:$0x3F9E] =	sst s1;
	(tag) =	ssettag s2;
	_ =	strace s9  }
0x27: {  	s1 =	sld [smem:$0x3FAE]  }
0x28: {  	s2 =	sld [smem:$0x3FAF]  }
0x29: {  	s4 =	sld [smem:$0x3FB1]  }
0x2a: {  	p0 =	seq.s32 s5, $0x0;
	s5 =	sld [smem:$0x3FB2]  }
0x2b: {  	s6 =	sld [smem:$0x3FB3]  }
0x2c: {  	s7 =	sld [smem:$0x3FB4]  }
0x2d: {  	s3 =	simm.s32 $0x108;
	s8 =	sld [smem:$0x3FB5]  }
0x2e: {  	s3 =	simm.s32 @!p0 $0x1082;
	s9 =	sld [smem:$0x3FB6]  }
0x2f: {  	lr =	sadd.s32 s0, s3;
	s0 =	sld [smem:$0x3FAD]  }
0x30: {  	s3 =	sld [smem:$0x3FB0]  }
0x31: {  	[smem:$0x3FB9] =	sst s10  }
0x32: {  	s10 =	sld [smem:$0x3FB7];
	_ =	sdelay $0x3  }
0x33: {  	p0 =	seq.s32 s10, $0x1;
	s10 =	sld [smem:$0x3FB9];
	_ =	sdelay $0x3  }
0x34: {  	[smem:$0x3FB9] =	sst s10  }
0x35: {  	s10 =	sld [smem:$0x3FB8];
	_ =	sdelay $0x3  }
0x36: {  	p1 =	seq.s32 s10, $0x1;
	s10 =	sld [smem:$0x3FB9];
	_ =	sdelay $0x3  }
0x37: {  	[smem:$0x3FB9] =	sst s10  }
0x38: {  	s10 =	sld [smem:$0x3FBA]  }
0x39: {  	_ = 	snop;
	(pc) =	sbr.ind lr, $3  }
0x3a: {  	_ = 	snop  }
0x3b: {  	_ = 	snop  }
0x3c: {  	p2 =	seq.s32 s10, $0x1;
	s10 =	sld [smem:$0x3FB9]  }
0x3d: {  	_ =	shalt  }
0x3e: {  	_ =	shalt  }
0x3f: {  	_ =	shalt  }
0x40: {  	_ =	shalt  }
0x41: {  	_ =	shalt  }
0x42: {  	_ =	shalt  }
0x43: {  	_ =	shalt  }
0x44: {  	_ =	shalt  }
0x45: {  	_ =	shalt  }
0x46: {  	_ =	shalt  }
0x47: {  	_ =	shalt  }
0x48: {  	_ =	shalt  }
0x49: {  	_ =	shalt  }
0x4a: {  	_ =	shalt  }
0x4b: {  	_ =	shalt  }
0x4c: {  	_ =	shalt  }
0x4d: {  	_ =	shalt  }
0x4e: {  	_ =	shalt  }
0x4f: {  	_ =	shalt  }
0x50: {  	_ =	shalt  }
0x51: {  	_ =	shalt  }
0x52: {  	_ =	shalt  }
0x53: {  	_ =	shalt  }
0x54: {  	_ =	shalt  }
0x55: {  	_ =	shalt  }
0x56: {  	_ =	shalt  }
0x57: {  	_ =	shalt  }
0x58: {  	_ =	shalt  }
0x59: {  	_ =	shalt  }
0x5a: {  	_ =	shalt  }
0x5b: {  	_ =	shalt  }
0x5c: {  	_ =	shalt  }
0x5d: {  	_ =	shalt  }
0x5e: {  	_ =	shalt  }
0x5f: {  	_ =	shalt  }
0x60: {  	_ =	shalt  }
0x61: {  	_ =	shalt  }
0x62: {  	_ =	shalt  }
0x63: {  	_ =	shalt  }
0x64: {  	_ =	shalt  }
0x65: {  	_ =	shalt  }
0x66: {  	_ =	shalt  }
0x67: {  	_ =	shalt  }
0x68: {  	_ =	shalt  }
0x69: {  	_ =	shalt  }
0x6a: {  	_ =	shalt  }
0x6b: {  	_ =	shalt  }
0x6c: {  	_ =	shalt  }
0x6d: {  	_ =	shalt  }
0x6e: {  	_ =	shalt  }
0x6f: {  	_ =	shalt  }
0x70: {  	_ =	shalt  }
0x71: {  	_ =	shalt  }
0x72: {  	_ =	shalt  }
0x73: {  	_ =	shalt  }
0x74: {  	_ =	shalt  }
0x75: {  	_ =	shalt  }
0x76: {  	_ =	shalt  }
0x77: {  	_ =	shalt  }
0x78: {  	_ =	shalt  }
0x79: {  	_ =	shalt  }
0x7a: {  	_ =	shalt  }
0x7b: {  	_ =	shalt  }
0x7c: {  	_ =	shalt  }
0x7d: {  	_ =	shalt  }
0x7e: {  	_ =	shalt  }
0x7f: {  	_ =	shalt  }
0x80: {  	_ =	shalt  }
0x81: {  	_ =	shalt  }
0x82: {  	_ =	shalt  }
0x83: {  	_ =	shalt  }
0x84: {  	_ =	shalt  }
0x85: {  	_ =	shalt  }
0x86: {  	_ =	shalt  }
0x87: {  	_ =	shalt  }
.Lfunc_end0:
.L_simem_size_0:
called_computation.1_lowered:
.L_overlay_start_0:
0x88: {  	s2 =	sld [smem:$0x3FD9]  }
0x89: {  	s3 =	sld [smem:$0x3FFE];
	_ =	sdelay $0x1  }
0x8a: {  	s1 =	srdreg.scid  }
0x8b: {  	s0 =	sand.u32 $0x1, s1  }
0x8c: {  	s15 =	sshll.u32 s0, $0xA;
	s2 =	sadd.s32 s3, s2  }
0x8d: {  	s2 =	sadd.s32 s2, s15  }
0x8e: {  	[smem:$0x3FC5] =	sst s2  }
0x8f: {  	_ = 	snop  }
0x90: {  	s16 =	sld [smem:$0x3FD0];
	_ =	sdelay $0x2  }
0x91: {  	s4 =	simm.s32 $0xD;
	s5 =	simm.s32 $0x10;
	s2 =	sld [smem:$0x3FC7]  }
0x92: {  	[smem:s5], [sflag:s4] =	dma.local [hbm:s16], $0x1  }
0x93: {  	_ =	swait.eq [sflag:s4], $0x1  }
0x94: {  	[sflag:s4] =	ssyncset.done $0x0  }
0x95: {  	[sflag:s4] =	ssyncadd.s32 $0xFFFFFFFF  }
0x96: {  	s17 =	sld [smem:$0x11];
	(tm) =	ssettm $0x1  }
0x97: {  	s18 =	sld [smem:$0x3FFB];
	_ =	sdelay $0x3  }
0x98: {  	_ =	strace s18  }
0x99: {  	s3 =	sld [smem:$0x3FFC];
	_ =	sdelay $0x3  }
0x9a: {  	_ =	strace s3  }
0x9b: {  	s3 =	sld [smem:$0x3FFD];
	_ =	sdelay $0x3  }
0x9c: {  	_ =	strace s3  }
0x9d: {  	_ =	strace $0x8FFFFFFF  }
0x9e: {  	s19 =	sld [smem:$0x3FDB];
	_ =	sdelay $0x1  }
0x9f: {  	s20 =	simm.s32 $_scs_section_size  }
0xa0: {  	s6 =	simm.s32 $_size__tile_overlayer_lowered;
	s7 =	simm.s32 $_tile_overlayer_lowered  }
0xa1: {  	s8 =	simm.s32 $0x1BFF;
	s21 =	sshll.u32 s7, $0x1;
	s5 =	sadd.s32 s20, s19  }
0xa2: {  	s22 =	simm.s32 $0x0;
	s6 =	sshll.u32 s6, $0x1;
	s7 =	sadd.s32 s21, s5  }
0xa3: {  	[timem:s22], [sflag:s8] =	dma.local [hbm:s7], s6  }
0xa4: {  	_ =	swait.ge [sflag:s8], s6  }
0xa5: {  	s6 =	ssub.s32 $0x0, s6;
	[sflag:s8] =	ssyncset.done $0x0  }
0xa6: {  	[sflag:s8] =	ssyncadd.s32 s6;
	_ =	sdelay $0x1  }
0xa7: {  	s23 =	simm.s32 $0x1B8B  }
0xa8: {  	_ =	swait.ge [sflag:s23], $0x1  }
0xa9: {  	[sflag:s23] =	ssyncset.done $0x0  }
0xaa: {  	[sflag:s23] =	ssyncadd.s32 $0xFFFFFFFF  }
0xab: {  	s6 =	sld [smem:$0x0]  }
0xac: {  	s7 =	sand.u32 $0xFFFFFFFE, s1  }
0xad: {  	p0 =	sne.s32 s1, s7  }
0xae: {  	s7 =	sshll.u32 @p0 s7, $0xE  }
0xaf: {  	s7 =	sadd.s32 @p0 $0x11B8D, s7;
	s8 =	sshll.u32 @p0 s6, $0x11  }
0xb0: {  	s7 =	sor.u32 @p0 s8, s7  }
0xb1: {  	[sflag:s7] =	ssyncadd.remote.s32 @p0 $0x1;
	_ =	sdelay $0x1  }
0xb2: {  	s7 =	simm.s32 @p0 $0x1B8D  }
0xb3: {  	_ =	swait.eq @p0 [sflag:s7], $0x1  }
0xb4: {  	[sflag:s7] =	ssyncadd.s32 @p0 $0xFFFFFFFF  }
0xb5: {  	s8 =	sshll.u32 @!p0 s1, $0xE  }
0xb6: {  	s8 =	sor.u32 @!p0 $0x4000, s8;
	s7 =	simm.s32 @!p0 $0x1B8D  }
0xb7: {  	s6 =	sshll.u32 @!p0 s6, $0x11;
	s8 =	sadd.s32 @!p0 $0x11B8D, s8;
	_ =	swait.eq @!p0 [sflag:s7], $0x1  }
0xb8: {  	s6 =	sor.u32 @!p0 s6, s8;
	[sflag:s7] =	ssyncadd.s32 @!p0 $0xFFFFFFFF  }
0xb9: {  	s25 =	simm.s32 $0x1B8E;
	s24 =	sld [smem:$0x3FFE];
	[sflag:s6] =	ssyncadd.remote.s32 @!p0 $0x1  }
0xba: {  	s26 =	simm.s32 $execute0_lowered;
	[smem:$0x3FD2] =	sst s25  }
0xbb: {  	s7 =	sshll.u32 s26, $0x1;
	_ =	strace $0x8000004C;
	[dreg:$0x1] =	wrdreg $0xFFFFFFFF  }
0xbc: {  	s28 =	simm.s32 $_size_execute0_lowered;
	s5 =	sadd.s32 s5, s7;
	[dreg:$0x0] =	wrdreg $0x0  }
0xbd: {  	s7 =	sshll.u32 s28, $0x1;
	[dreg:$0x2] =	wrdreg s5  }
0xbe: {  	[dreg:$0x3] =	wrdreg s7  }
0xbf: {  	[dreg:$0x4] =	wrdreg $0xC0  }
0xc0: {  	_ =	task [dreg:s22], $0x5FFFF  }
0xc1: {  	[dreg:$0x1] =	wrdreg $0xFFFFFFFF  }
0xc2: {  	[dreg:$0x0] =	wrdreg $0x60  }
0xc3: {  	[dreg:$0x2] =	wrdreg s24  }
0xc4: {  	[dreg:$0x3] =	wrdreg s2  }
0xc5: {  	[dreg:$0x4] =	wrdreg s17  }
0xc6: {  	[dreg:$0x5] =	wrdreg $0xA  }
0xc7: {  	_ =	task.clear_ibuf [dreg:s22], $0x6FFFF;
	_ =	strace $0x9000004C  }
0xc8: {  	s29 =	simm.s32 $0xA;
	_ =	strace $0x8000004E  }
0xc9: {  	_ =	swait.ge [sflag:s29], $0x1  }
0xca: {  	[sflag:s29] =	ssyncadd.s32 $0xFFFFFFFF  }
0xcb: {  	_ =	strace $0x9000004E  }
0xcc: {  	_ =	sfence  }
0xcd: {  	s30 =	sld [smem:$0x0];
	_ =	sdelay $0x2  }
0xce: {  	s31 =	sshll.u32 s1, $0xD;
	s1 =	sshrl.u32 s1, $0x2  }
0xcf: {  	s4 =	sand.u32 $0x4000, s31;
	s1 =	sadd.s32 s1, s30  }
0xd0: {  	s0 =	sor.u32 s4, s0;
	s1 =	sshll.u32 s1, $0x11  }
0xd1: {  	s0 =	sor.u32 s1, s0  }
0xd2: {  	s0 =	sadd.s32 $0x8F2B, s0  }
0xd3: {  	[sflag:s0] =	ssyncadd.remote.s32 $0x1  }
0xd4: {  	_ =	sfence.sel $0xFFFF  }
0xd5: {  	[dreg:$0x0] =	wrdreg $0xFFFFFFFF;
	(pc) =	sbr.abs _section_cstart, $3  }
0xd6: {  	[dreg:$0x1] =	wrdreg $0xFFFFFFFF  }
0xd7: {  	_ =	task.clear_ibuf [dreg:s22], $0x2FFFF;
	_ =	strace $0x9FFFFFFF  }
0xd8: {  	(tm) =	ssettm $0x7FFFFFFF  }
0xd9: {  	_ =	shalt  }
tec
execute0_lowered:
.L_overlay_start_1:
0x0: {  	(tag) =	ssettag $0x1  }
0x1: {  	s4 =	rddreg [dreg:$0x0]  }
0x2: {  	s2 =	rddreg [dreg:$0x1]  }
0x3: {  	s6 =	rddreg [dreg:$0x2]  }
0x4: {  	s0 =	rddreg [dreg:$0x3];
	s5 =	srdreg.scid  }
0x5: {  	s1 =	stileid.u32;
	s3 =	simm.s32 $0x0;
	s11 =	simm.s32 $0x4480  }
0x6: {  	s5 =	sand.u32 $0x1, s5;
	s7 =	sshll.u32 s1, $0x1;
	[smem:$0x7FF] =	sst s3  }
0x7: {  	s12 =	simm.s32 $0x0;
	s7 =	sor.u32 s5, s7;
	_ =	strace $0x8000004D  }
0x8: {  	s5 =	ssub.s32 $0x2, s5;
	s8 =	sshll.u32 s7, $0xB;
	s9 =	sshll.u32 s7, $0x7  }
0x9: {  	s10 =	sshrl.u32 s5, $0x1;
	s7 =	smul.u32 $0xA0, s7;
	s8 =	sadd.s32 s8, s4  }
0xa: {  	s9 =	sadd.s32 s9, s4;
	s10 =	ssub.s32 s5, s10;
	s4 =	sadd.s32 $0x28200, s8  }
0xb: {  	s5 =	sadd.s32 $0x38200, s9;
	s6 =	sadd.s32 s6, s7;
	s7 =	smax.u32 s10, $0x1  }
0xc: {  	v0 =	vlaneseq.u32;
	v1 =	vimm.s32 $0x1;
	v2 =	vimm.s32 $0x0;
	s8 =	simm.s32 $0x1;
	s9 =	simm.s32 $0x4000;
	s10 =	simm.s32 $0x4080  }
.LBB2_1:
0xd: {  	[tilespmem:s3], [sflag:$0x1] =	stream.linear.gather [hbm4b:s4+s3], $0x4000, $0x38;
	[tilespmem:$0x4980] =	vst v63  }
0xe: {  	_ =	swait.ge [sflag:s8], $0x4000  }
0xf: {  	[sflag:s8] =	ssyncset.done $0x0  }
0x10: {  	[sflag:s8] =	ssyncadd.s32 $0xFFFFC000  }
0x11: {  	[tilespmem:s9], [sflag:$0x1] =	stream.linear.gather [hbm4b:s2+s3], $0x80, $0x38;
	[tilespmem:$0x4980] =	vst v63  }
0x12: {  	_ =	swait.ge [sflag:s8], $0x80  }
0x13: {  	[sflag:s8] =	ssyncset.done $0x0  }
0x14: {  	s13 =	simm.s32 $0x0;
	[sflag:s8] =	ssyncadd.s32 $0xFFFFFF80  }
.LBB2_2:
0x15: {  	s14 =	sshll.u32 s13, $0x4  }
0x16: {  	v17 =	vor.u32 s14, v0  }
0x17: {  	v3 =	vshll.u32 v17, $0x7;
	_ =	sdelay $0x4  }
0x18: {  	v7 =	vimm.f32 $-Inf;
	v4 =	vld.idx.msk [tilespmem:v3+s3+$0x0], $0xffff  }
0x19: {  	v22 =	vimm.s32 $0x0;
	v5 =	vimm.f32 $-Inf;
	v27 =	vimm.s32 $0x0  }
0x1a: {  	v14 =	vimm.s32 $0x0;
	v6 =	vimm.f32 $-Inf;
	v25 =	vimm.s32 $0x0  }
0x1b: {  	v15 =	vimm.s32 $0x0;
	v10 =	vimm.s32 $0x0;
	v24 =	vimm.s32 $0x0  }
0x1c: {  	v12 =	vimm.f32 $-Inf;
	v13 =	vimm.f32 $-Inf;
	s14 =	simm.s32 $0x0;
	v20 =	vor.u32 $0x1, v3  }
0x1d: {  	v9 =	vimm.s32 $0x0;
	v29 =	vadd.s32 s14, v20;
	vm5 =	vgt.f32 v4, v7  }
0x1e: {  	vm1 =	vgt.f32 v4, v7;
	vm0 =	vgt.f32 v4, v7;
	v19 =	vsel vm5, s14, v22  }
0x1f: {  	v23 =	vsel vm5, v4, v7;
	v11 =	vsel vm5, v7, v4;
	v28 =	vnsel vm5, s14, v22  }
0x20: {  	v18 =	vnsel vm0, s14, v22;
	v8 =	vnsel vm5, s14, v22;
	v3 =	vnsel vm0, s14, v22  }
0x21: {  	v26 =	vsel vm0, v7, v4;
	vm7 =	vmmov vm5;
	vm3 =	vmmov vm0  }
0x22: {  	vm6 =	vmmov vm0;
	vm4 =	vmmov vm0;
	vm2 =	vmmov vm5  }
0x23: {  	s15 =	simm.s32 $0x1;
	v21 =	vsel vm5, v11, v7;
	v16 =	vsel vm0, v11, v7;
	v3 =	vsel vm0, v3, v22  }
.LBB2_3:
0x24: {  	v30 =	vld.idx.msk [tilespmem:v29+s3+$0x0], $0xffff;
	p0 =	sne.s32 s15, $0x3F;
	v29 =	vnsel vm5, s14, v22;
	v31 =	vsel vm1, v7, v4;
	v32 =	vsel vm0, v5, v4;
	v22 =	vmovc v19;
	s16 =	smov.u32 s15;
	s15 =	sadd.s32 $0x1, s15  }
0x25: {  	v27 =	vsel vm7, v29, v27;
	v29 =	vnsel vm1, s14, v14;
	v6 =	vsel vm3, v32, v6  }
0x26: {  	v25 =	vsel vm6, v28, v25;
	v10 =	vsel vm2, v18, v10;
	v15 =	vsel vm4, v29, v15  }
0x27: {  	v18 =	vnsel vm6, s14, v24;
	v4 =	vsel vm4, v12, v4;
	v12 =	vsel vm4, v31, v12;
	v24 =	vmovc v25;
	s14 =	smov.u32 s16  }
0x28: {  	v5 =	vsel vm0, v11, v5;
	v14 =	vsel vm1, v18, v14;
	v13 =	vsel vm2, v4, v13  }
0x29: {  	v7 =	vsel vm1, v26, v7;
	v9 =	vsel vm0, v8, v9;
	v29 =	vadd.s32 s14, v20  }
0x2a: {  	vm5 =	vgt.f32 v30, v23;
	vm7 =	vgt.f32 v30, v21;
	vm2 =	vgt.f32 v30, v13;
	v4 =	vmovc v30  }
0x2b: {  	vm1 =	vgt.f32 v4, v7;
	vm4 =	vgt.f32 v4, v12;
	v19 =	vsel vm5, s14, v19  }
.Ltmp0:
0x2c: {  	vm0 =	vgt.f32 v4, v5;
	v11 =	vsel vm5, v23, v4;
	v23 =	vsel vm5, v4, v23;
	(pc) =	sbr.rel @p0 .LBB2_3-.Ltmp0, $4  }
0x2d: {  	v30 =	vsel vm7, v21, v4;
	v28 =	vnsel vm7, s14, v27;
	v18 =	vnsel vm4, s14, v15  }
0x2e: {  	vm6 =	vgt.f32 v4, v16;
	v8 =	vnsel vm2, s14, v10;
	v31 =	vnsel vm0, s14, v9  }
0x2f: {  	vm3 =	vgt.f32 v4, v6;
	v21 =	vsel vm7, v11, v21;
	v26 =	vsel vm6, v16, v4  }
0x30: {  	v16 =	vsel vm6, v30, v16;
	v11 =	vsel vm2, v13, v4;
	v3 =	vsel vm3, v31, v3  }
0x31: {  	_ =	sdelay $0x3  }
0x32: {  	v20 =	vld.idx.msk [tilespmem:v19+s9+$0x0], $0xffff;
	_ =	sdelay $0x2  }
0x33: {  	v29 =	vmul.u32 $0xA, v17  }
0x34: {  	v31 =	vshll.u32 v17, $0x3  }
0x35: {  	v22 =	vnsel vm5, s14, v22;
	v32 =	vadd.s32 $0x2, v29;
	v20 =	vsub.f32 v23, v20  }
0x36: {  	v22 =	vsel vm7, v22, v27  }
0x37: {  	v20 =	vmul.f32 $2.500000000e+00, v20;
	_ =	sdelay $0x1  }
0x38: {  	v33 =	vadd.s32 $0x2, v19;
	[tilespmem:v31+s10+$0x0] =	vst.idx.msk $0xffff, v20  }
0x39: {  	[tilespmem:v32+s11+$0x0] =	vst.idx.msk $0xffff, v33  }
0x3a: {  	v19 =	vld.idx.msk [tilespmem:v22+s9+$0x0], $0xffff;
	_ =	sdelay $0x3  }
0x3b: {  	v34 =	vor.u32 $0x1, v31  }
0x3c: {  	v35 =	vadd.s32 $0x3, v29;
	v19 =	vsub.f32 v21, v19  }
0x3d: {  	v36 =	vsel vm6, v28, v25  }
0x3e: {  	v19 =	vmul.f32 $2.500000000e+00, v19;
	_ =	sdelay $0x1  }
0x3f: {  	v37 =	vadd.s32 $0x2, v22;
	[tilespmem:v34+s10+$0x0] =	vst.idx.msk $0xffff, v19  }
0x40: {  	[tilespmem:v35+s11+$0x0] =	vst.idx.msk $0xffff, v37  }
0x41: {  	v19 =	vld.idx.msk [tilespmem:v36+s9+$0x0], $0xffff;
	_ =	sdelay $0x3  }
0x42: {  	v38 =	vor.u32 $0x2, v31  }
0x43: {  	v39 =	vnsel vm6, s14, v24;
	v40 =	vadd.s32 $0x4, v29;
	v16 =	vsub.f32 v16, v19  }
0x44: {  	v21 =	vsel vm1, v39, v14  }
0x45: {  	v16 =	vmul.f32 $2.500000000e+00, v16;
	_ =	sdelay $0x1  }
0x46: {  	v41 =	vadd.s32 $0x2, v36;
	[tilespmem:v38+s10+$0x0] =	vst.idx.msk $0xffff, v16  }
0x47: {  	[tilespmem:v40+s11+$0x0] =	vst.idx.msk $0xffff, v41  }
0x48: {  	v16 =	vld.idx.msk [tilespmem:v21+s9+$0x0], $0xffff;
	_ =	sdelay $0x3  }
0x49: {  	v42 =	vsel vm1, v26, v7;
	v43 =	vor.u32 $0x3, v31  }
0x4a: {  	v44 =	vnsel vm1, s14, v14;
	v45 =	vadd.s32 $0x5, v29;
	v16 =	vsub.f32 v42, v16  }
0x4b: {  	v14 =	vsel vm4, v44, v15  }
0x4c: {  	v46 =	vmul.f32 $2.500000000e+00, v16;
	_ =	sdelay $0x1  }
0x4d: {  	v47 =	vadd.s32 $0x2, v21;
	[tilespmem:v43+s10+$0x0] =	vst.idx.msk $0xffff, v46  }
0x4e: {  	[tilespmem:v45+s11+$0x0] =	vst.idx.msk $0xffff, v47  }
0x4f: {  	v15 =	vld.idx.msk [tilespmem:v14+s9+$0x0], $0xffff;
	_ =	sdelay $0x2  }
0x50: {  	v48 =	vsel vm1, v7, v4  }
0x51: {  	v7 =	vsel vm4, v48, v12;
	v49 =	vor.u32 $0x4, v31  }
0x52: {  	v50 =	vadd.s32 $0x6, v29;
	v7 =	vsub.f32 v7, v15  }
0x53: {  	v10 =	vsel vm2, v18, v10  }
0x54: {  	v7 =	vmul.f32 $2.500000000e+00, v7;
	_ =	sdelay $0x1  }
0x55: {  	v51 =	vadd.s32 $0x2, v14;
	[tilespmem:v49+s10+$0x0] =	vst.idx.msk $0xffff, v7  }
0x56: {  	[tilespmem:v50+s11+$0x0] =	vst.idx.msk $0xffff, v51  }
0x57: {  	v7 =	vld.idx.msk [tilespmem:v10+s9+$0x0], $0xffff;
	_ =	sdelay $0x2  }
0x58: {  	v52 =	vsel vm4, v12, v4  }
0x59: {  	v12 =	vsel vm2, v52, v13;
	v53 =	vor.u32 $0x5, v31  }
0x5a: {  	v54 =	vadd.s32 $0x7, v29;
	v7 =	vsub.f32 v12, v7  }
0x5b: {  	v8 =	vsel vm0, v8, v9  }
0x5c: {  	v7 =	vmul.f32 $2.500000000e+00, v7;
	_ =	sdelay $0x1  }
0x5d: {  	v55 =	vadd.s32 $0x2, v10;
	[tilespmem:v53+s10+$0x0] =	vst.idx.msk $0xffff, v7  }
0x5e: {  	[tilespmem:v54+s11+$0x0] =	vst.idx.msk $0xffff, v55  }
0x5f: {  	v7 =	vld.idx.msk [tilespmem:v8+s9+$0x0], $0xffff;
	_ =	sdelay $0x3  }
0x60: {  	v56 =	vsel vm0, v11, v5;
	v57 =	vor.u32 $0x6, v31  }
0x61: {  	v58 =	vadd.s32 $0x8, v29;
	v7 =	vsub.f32 v56, v7;
	_ =	sdelay $0x1  }
0x62: {  	v7 =	vmul.f32 $2.500000000e+00, v7;
	_ =	sdelay $0x1  }
0x63: {  	v59 =	vadd.s32 $0x2, v8;
	[tilespmem:v57+s10+$0x0] =	vst.idx.msk $0xffff, v7  }
0x64: {  	[tilespmem:v58+s11+$0x0] =	vst.idx.msk $0xffff, v59  }
0x65: {  	v7 =	vld.idx.msk [tilespmem:v3+s9+$0x0], $0xffff;
	_ =	sdelay $0x2  }
0x66: {  	v60 =	vsel vm0, v5, v4  }
0x67: {  	v4 =	vsel vm3, v60, v6;
	v61 =	vor.u32 $0x7, v31  }
0x68: {  	v62 =	vadd.s32 $0x9, v29;
	v4 =	vsub.f32 v4, v7  }
0x69: {  	s13 =	sadd.s32 $0x1, s13  }
0x6a: {  	p0 =	sne.s32 s13, $0x8;
	v63 =	vor.u32 $0x1, v29;
	v4 =	vmul.f32 $2.500000000e+00, v4  }
.Ltmp1:
0x6b: {  	_ = 	snop;
	(pc) =	sbr.rel @p0 .LBB2_2-.Ltmp1, $4  }
0x6c: {  	v3 =	vadd.s32 $0x2, v3;
	[tilespmem:v61+s10+$0x0] =	vst.idx.msk $0xffff, v4  }
0x6d: {  	[tilespmem:v62+s11+$0x0] =	vst.idx.msk $0xffff, v3  }
0x6e: {  	[tilespmem:v29+s11+$0x0] =	vst.idx.msk $0xffff, v2  }
0x6f: {  	[tilespmem:v63+s11+$0x0] =	vst.idx.msk $0xffff, v1  }
0x70: {  	[hbm4b:s5+s3] =	stream.linear.scatter [tilespmem:s10], [sflag:$0x1], $0x400, $0x38;
	[tilespmem:$0x4980] =	vst v63  }
0x71: {  	s12 =	sadd.s32 $0x1, s12;
	_ =	swait.ge [sflag:s8], $0x400  }
0x72: {  	p0 =	sne.s32 s12, s7;
	[sflag:s8] =	ssyncset.done $0x0  }
.Ltmp2:
0x73: {  	[sflag:s8] =	ssyncadd.s32 $0xFFFFFC00;
	(pc) =	sbr.rel @p0 .LBB2_1-.Ltmp2, $4  }
0x74: {  	[hbm4b:s6+s3] =	stream.linear.scatter [tilespmem:s11], [sflag:$0x1], $0x500, $0x38;
	[tilespmem:$0x4980] =	vst v63  }
0x75: {  	_ =	swait.ge [sflag:s8], $0x500  }
0x76: {  	[sflag:s8] =	ssyncset.done $0x0  }
0x77: {  	[sflag:s8] =	ssyncadd.s32 $0xFFFFFB00  }
0x78: {  	_ =	sfence.sel $0x180000  }
0x79: {  	[bflag:$0x0] =	sbarrier.arrive $0xFFFF  }
0x7a: {  	p0 =	sne.s32 s1, $0x0;
	_ =	strace $0x9000004D  }
0x7b: {  	s0 =	sadd.s32 @!p0 $0x100000, s0;
	[bflag:$0x2] =	sbarrier.arrive $0xFFFF  }
0x7c: {  	[sflag:s0] =	ssyncadd.tile.s32 @!p0 $0x1;
	_ =	shalt  }
.Lfunc_end2:
_tile_overlayer_lowered:
.L_overlay_start_2:
0x7d: {  	(tag) =	ssettag $0x2  }
0x7e: {  	s0 =	rddreg [dreg:$0x0];
	s2 =	stileid.u32  }
0x7f: {  	s1 =	rddreg [dreg:$0x1];
	p0 =	sne.s32 s2, $0x0  }
0x80: {  	s3 =	rddreg [dreg:$0x2];
	[bflag:$0x3] =	sbarrier.arrive $0xFFFF;
	s2 =	simm.s32 @!p0 $0x1C01  }
0x81: {  	[timem:s3], [sflag:s2] =	dma.local @!p0 [hbm:s0], s1  }
0x82: {  	s0 =	simm.s32 @!p0 $0x1  }
0x83: {  	_ =	swait.ge @!p0 [sflag:s0], s1  }
0x84: {  	s1 =	ssub.s32 @!p0 $0x0, s1;
	[sflag:s0] =	ssyncset.done @!p0 $0x0  }
0x85: {  	[sflag:s0] =	ssyncadd.s32 @!p0 s1  }
0x86: {  	[bflag:$0x3] =	sbarrier.arrive $0xFFFF  }
0x87: {  	_ =	shalt  }

// kernel: kernel.16.cloned.1.call-start
scs
__scs_entry_jumppad:
0x0: {  	(pc) =	sbr.rel $0x88, $3  }
0x1: {  	(tag) =	ssettag $0x0;
	lr =	simm.s32 $0x1  }
0x2: {  	[smem:$0x3F9E] =	sst lr;
	_ =	strace $0xD0000000  }
0x3: {  	_ = 	snop  }
0x4: {  	_ = 	snop  }
0x5: {  	_ = 	snop  }
0x6: {  	_ = 	snop  }
0x7: {  	_ = 	snop  }
__scs_overlays_trampoline_lowered:
0x8: {  	[smem:$0x3FAD] =	sst s0  }
0x9: {  	[smem:$0x3FAE] =	sst s1  }
0xa: {  	[smem:$0x3FAF] =	sst s2  }
0xb: {  	[smem:$0x3FB0] =	sst s3  }
0xc: {  	[smem:$0x3FB1] =	sst s4  }
0xd: {  	[smem:$0x3FB2] =	sst s5  }
0xe: {  	[smem:$0x3FB3] =	sst s6  }
0xf: {  	[smem:$0x3FB4] =	sst s7  }
0x10: {  	[smem:$0x3FB5] =	sst s8  }
0x11: {  	[smem:$0x3FB6] =	sst s9;
	s0 =	simm.s32 @!p0 $0x0  }
0x12: {  	s1 =	sld [smem:$0x3F9C];
	s0 =	simm.s32 @p0 $0x1  }
0x13: {  	[smem:$0x3FB7] =	sst s0;
	s0 =	simm.s32 @!p1 $0x0  }
0x14: {  	s2 =	sld [smem:$0x3F9B];
	s0 =	simm.s32 @p1 $0x1  }
0x15: {  	[smem:$0x3FB8] =	sst s0;
	s0 =	simm.s32 @!p2 $0x0  }
0x16: {  	s3 =	sld [smem:$0x3FDB];
	s0 =	simm.s32 @p2 $0x1  }
0x17: {  	s4 =	simm.s32 $0x1BF5;
	[smem:$0x3FBA] =	sst s0  }
0x18: {  	s0 =	sld [smem:$0x3F9D];
	_ =	swait.ge [sflag:s4], $0x0  }
0x19: {  	s7 =	sld [smem:$0x3F9E]  }
0x1a: {  	s8 =	sadd.s32 $0xFFFFE003, lr  }
0x1b: {  	s9 =	sadd.s32 $0xFFFFFEF7, lr;
	s5 =	simm.s32 $0xFFFFFFFF;
	p2 =	slt.u32 s8, $0xFFFFF086  }
0x1c: {  	p1 =	slt.u32 s9, $0xF7A;
	s5 =	simm.s32 @!p2 $0x0  }
0x1d: {  	s5 =	simm.s32 @p1 $0x1;
	p0 =	seq.s32 s7, s2  }
0x1e: {  	s7 =	smul.u32 @!p0 $0xF7A, s2;
	p2 =	seq.s32 @!p0 s5, $0x0  }
0x1f: {  	s9 =	smul.u32 $0xF7A, s1;
	s8 =	simm.s32 @!p0 $0x1BF5;
	p2 =	por !p2, p0  }
0x20: {  	[sflag:s8] =	ssyncset.s32 @!p0 $0xFFFFF086;
	s6 =	sadd.s32 @!p0 s3, s7;
	s7 =	simm.s32 @!p0 $0x108  }
0x21: {  	s3 =	sadd.s32 s3, s9;
	s6 =	sadd.s32 @!p0 $0x88, s6;
	s7 =	simm.s32 @p2 $0x1082  }
0x22: {  	[simem:s7], [sflag:s8] =	dma.local @!p0 [hbm:s6], $0xF7A  }
0x23: {  	s9 =	sor.u32 $0xD0000000, s2;
	s6 =	simm.s32 $0x108;
	_ =	swait.ge @!p0 [sflag:s8], $0x0  }
0x24: {  	s3 =	sadd.s32 $0x88, s3;
	s6 =	simm.s32 @!p1 $0x1082;
	[sflag:s4] =	ssyncset.s32 $0xFFFFF086  }
0x25: {  	[simem:s6], [sflag:s4] =	dma.local [hbm:s3], $0xF7A  }
0x26: {  	[smem:$0x3F9E] =	sst s1;
	(tag) =	ssettag s2;
	_ =	strace s9  }
0x27: {  	s1 =	sld [smem:$0x3FAE]  }
0x28: {  	s2 =	sld [smem:$0x3FAF]  }
0x29: {  	s4 =	sld [smem:$0x3FB1]  }
0x2a: {  	p0 =	seq.s32 s5, $0x0;
	s5 =	sld [smem:$0x3FB2]  }
0x2b: {  	s6 =	sld [smem:$0x3FB3]  }
0x2c: {  	s7 =	sld [smem:$0x3FB4]  }
0x2d: {  	s3 =	simm.s32 $0x108;
	s8 =	sld [smem:$0x3FB5]  }
0x2e: {  	s3 =	simm.s32 @!p0 $0x1082;
	s9 =	sld [smem:$0x3FB6]  }
0x2f: {  	lr =	sadd.s32 s0, s3;
	s0 =	sld [smem:$0x3FAD]  }
0x30: {  	s3 =	sld [smem:$0x3FB0]  }
0x31: {  	[smem:$0x3FB9] =	sst s10  }
0x32: {  	s10 =	sld [smem:$0x3FB7];
	_ =	sdelay $0x3  }
0x33: {  	p0 =	seq.s32 s10, $0x1;
	s10 =	sld [smem:$0x3FB9];
	_ =	sdelay $0x3  }
0x34: {  	[smem:$0x3FB9] =	sst s10  }
0x35: {  	s10 =	sld [smem:$0x3FB8];
	_ =	sdelay $0x3  }
0x36: {  	p1 =	seq.s32 s10, $0x1;
	s10 =	sld [smem:$0x3FB9];
	_ =	sdelay $0x3  }
0x37: {  	[smem:$0x3FB9] =	sst s10  }
0x38: {  	s10 =	sld [smem:$0x3FBA]  }
0x39: {  	_ = 	snop;
	(pc) =	sbr.ind lr, $3  }
0x3a: {  	_ = 	snop  }
0x3b: {  	_ = 	snop  }
0x3c: {  	p2 =	seq.s32 s10, $0x1;
	s10 =	sld [smem:$0x3FB9]  }
0x3d: {  	_ =	shalt  }
0x3e: {  	_ =	shalt  }
0x3f: {  	_ =	shalt  }
0x40: {  	_ =	shalt  }
0x41: {  	_ =	shalt  }
0x42: {  	_ =	shalt  }
0x43: {  	_ =	shalt  }
0x44: {  	_ =	shalt  }
0x45: {  	_ =	shalt  }
0x46: {  	_ =	shalt  }
0x47: {  	_ =	shalt  }
0x48: {  	_ =	shalt  }
0x49: {  	_ =	shalt  }
0x4a: {  	_ =	shalt  }
0x4b: {  	_ =	shalt  }
0x4c: {  	_ =	shalt  }
0x4d: {  	_ =	shalt  }
0x4e: {  	_ =	shalt  }
0x4f: {  	_ =	shalt  }
0x50: {  	_ =	shalt  }
0x51: {  	_ =	shalt  }
0x52: {  	_ =	shalt  }
0x53: {  	_ =	shalt  }
0x54: {  	_ =	shalt  }
0x55: {  	_ =	shalt  }
0x56: {  	_ =	shalt  }
0x57: {  	_ =	shalt  }
0x58: {  	_ =	shalt  }
0x59: {  	_ =	shalt  }
0x5a: {  	_ =	shalt  }
0x5b: {  	_ =	shalt  }
0x5c: {  	_ =	shalt  }
0x5d: {  	_ =	shalt  }
0x5e: {  	_ =	shalt  }
0x5f: {  	_ =	shalt  }
0x60: {  	_ =	shalt  }
0x61: {  	_ =	shalt  }
0x62: {  	_ =	shalt  }
0x63: {  	_ =	shalt  }
0x64: {  	_ =	shalt  }
0x65: {  	_ =	shalt  }
0x66: {  	_ =	shalt  }
0x67: {  	_ =	shalt  }
0x68: {  	_ =	shalt  }
0x69: {  	_ =	shalt  }
0x6a: {  	_ =	shalt  }
0x6b: {  	_ =	shalt  }
0x6c: {  	_ =	shalt  }
0x6d: {  	_ =	shalt  }
0x6e: {  	_ =	shalt  }
0x6f: {  	_ =	shalt  }
0x70: {  	_ =	shalt  }
0x71: {  	_ =	shalt  }
0x72: {  	_ =	shalt  }
0x73: {  	_ =	shalt  }
0x74: {  	_ =	shalt  }
0x75: {  	_ =	shalt  }
0x76: {  	_ =	shalt  }
0x77: {  	_ =	shalt  }
0x78: {  	_ =	shalt  }
0x79: {  	_ =	shalt  }
0x7a: {  	_ =	shalt  }
0x7b: {  	_ =	shalt  }
0x7c: {  	_ =	shalt  }
0x7d: {  	_ =	shalt  }
0x7e: {  	_ =	shalt  }
0x7f: {  	_ =	shalt  }
0x80: {  	_ =	shalt  }
0x81: {  	_ =	shalt  }
0x82: {  	_ =	shalt  }
0x83: {  	_ =	shalt  }
0x84: {  	_ =	shalt  }
0x85: {  	_ =	shalt  }
0x86: {  	_ =	shalt  }
0x87: {  	_ =	shalt  }
.Lfunc_end0:
.L_simem_size_0:
called_computation.2_lowered:
.L_overlay_start_0:
0x88: {  	s2 =	sld [smem:$0x3FD9]  }
0x89: {  	s3 =	sld [smem:$0x3FFE];
	_ =	sdelay $0x1  }
0x8a: {  	s1 =	srdreg.scid  }
0x8b: {  	s0 =	sand.u32 $0x1, s1  }
0x8c: {  	s17 =	sshll.u32 s0, $0xA;
	s2 =	sadd.s32 s3, s2  }
0x8d: {  	s2 =	sadd.s32 s2, s17  }
0x8e: {  	[smem:$0x3FC5] =	sst s2  }
0x8f: {  	_ = 	snop  }
0x90: {  	s18 =	sld [smem:$0x3FC7];
	(tm) =	ssettm $0x1  }
0x91: {  	s19 =	sld [smem:$0x3FFB];
	_ =	sdelay $0x3  }
0x92: {  	_ =	strace s19  }
0x93: {  	s2 =	sld [smem:$0x3FFC];
	_ =	sdelay $0x3  }
0x94: {  	_ =	strace s2  }
0x95: {  	s2 =	sld [smem:$0x3FFD];
	_ =	sdelay $0x3  }
0x96: {  	_ =	strace s2  }
0x97: {  	_ =	strace $0x8FFFFFFF  }
0x98: {  	s20 =	sld [smem:$0x3FDB];
	_ =	sdelay $0x1  }
0x99: {  	s4 =	simm.s32 $_scs_section_size  }
0x9a: {  	s5 =	simm.s32 $_size__tile_overlayer_lowered;
	s6 =	simm.s32 $_tile_overlayer_lowered  }
0x9b: {  	s7 =	simm.s32 $0x1BFF;
	s21 =	sshll.u32 s6, $0x1;
	s4 =	sadd.s32 s4, s20  }
0x9c: {  	s22 =	simm.s32 $0x0;
	s5 =	sshll.u32 s5, $0x1;
	s6 =	sadd.s32 s21, s4  }
0x9d: {  	[timem:s22], [sflag:s7] =	dma.local [hbm:s6], s5  }
0x9e: {  	_ =	swait.ge [sflag:s7], s5  }
0x9f: {  	s5 =	ssub.s32 $0x0, s5;
	[sflag:s7] =	ssyncset.done $0x0  }
0xa0: {  	[sflag:s7] =	ssyncadd.s32 s5;
	_ =	sdelay $0x1  }
0xa1: {  	s23 =	simm.s32 $0x1B8B  }
0xa2: {  	_ =	swait.ge [sflag:s23], $0x1  }
0xa3: {  	[sflag:s23] =	ssyncset.done $0x0  }
0xa4: {  	[sflag:s23] =	ssyncadd.s32 $0xFFFFFFFF  }
0xa5: {  	s5 =	sld [smem:$0x0]  }
0xa6: {  	s6 =	sand.u32 $0xFFFFFFFE, s1  }
0xa7: {  	p0 =	sne.s32 s1, s6  }
0xa8: {  	s6 =	sshll.u32 @p0 s6, $0xE  }
0xa9: {  	s6 =	sadd.s32 @p0 $0x11B8D, s6;
	s7 =	sshll.u32 @p0 s5, $0x11  }
0xaa: {  	s6 =	sor.u32 @p0 s7, s6  }
0xab: {  	[sflag:s6] =	ssyncadd.remote.s32 @p0 $0x1;
	_ =	sdelay $0x1  }
0xac: {  	s6 =	simm.s32 @p0 $0x1B8D  }
0xad: {  	_ =	swait.eq @p0 [sflag:s6], $0x1  }
0xae: {  	[sflag:s6] =	ssyncadd.s32 @p0 $0xFFFFFFFF  }
0xaf: {  	s7 =	sshll.u32 @!p0 s1, $0xE  }
0xb0: {  	s7 =	sor.u32 @!p0 $0x4000, s7;
	s6 =	simm.s32 @!p0 $0x1B8D  }
0xb1: {  	s5 =	sshll.u32 @!p0 s5, $0x11;
	s7 =	sadd.s32 @!p0 $0x11B8D, s7;
	_ =	swait.eq @!p0 [sflag:s6], $0x1  }
0xb2: {  	s5 =	sor.u32 @!p0 s5, s7;
	[sflag:s6] =	ssyncadd.s32 @!p0 $0xFFFFFFFF  }
0xb3: {  	s25 =	simm.s32 $0x1B8E;
	s24 =	sld [smem:$0x3FFE];
	[sflag:s5] =	ssyncadd.remote.s32 @!p0 $0x1  }
0xb4: {  	s26 =	simm.s32 $execute0_lowered;
	[smem:$0x3FD2] =	sst s25  }
0xb5: {  	s6 =	sshll.u32 s26, $0x1;
	_ =	strace $0x80000049;
	[dreg:$0x1] =	wrdreg $0xFFFFFFFF  }
0xb6: {  	s28 =	simm.s32 $_size_execute0_lowered;
	s4 =	sadd.s32 s4, s6;
	[dreg:$0x0] =	wrdreg $0x0  }
0xb7: {  	s6 =	sshll.u32 s28, $0x1;
	[dreg:$0x2] =	wrdreg s4  }
0xb8: {  	[dreg:$0x3] =	wrdreg s6  }
0xb9: {  	[dreg:$0x4] =	wrdreg $0xC0  }
0xba: {  	_ =	task [dreg:s22], $0x5FFFF  }
0xbb: {  	[dreg:$0x1] =	wrdreg $0xFFFFFFFF  }
0xbc: {  	[dreg:$0x0] =	wrdreg $0x60  }
0xbd: {  	[dreg:$0x2] =	wrdreg s24  }
0xbe: {  	[dreg:$0x3] =	wrdreg s18  }
0xbf: {  	[dreg:$0x4] =	wrdreg $0xB  }
0xc0: {  	_ =	task.clear_ibuf [dreg:s22], $0x5FFFF;
	_ =	strace $0x90000049  }
0xc1: {  	s29 =	simm.s32 $0xB;
	_ =	strace $0x8000004B  }
0xc2: {  	_ =	swait.ge [sflag:s29], $0x1  }
0xc3: {  	[sflag:s29] =	ssyncadd.s32 $0xFFFFFFFF  }
0xc4: {  	_ =	strace $0x9000004B  }
0xc5: {  	_ =	sfence  }
0xc6: {  	s30 =	sld [smem:$0x0];
	_ =	sdelay $0x2  }
0xc7: {  	s31 =	sshll.u32 s1, $0xD;
	s1 =	sshrl.u32 s1, $0x2  }
0xc8: {  	s4 =	sand.u32 $0x4000, s31;
	s1 =	sadd.s32 s1, s30  }
0xc9: {  	s0 =	sor.u32 s4, s0;
	s1 =	sshll.u32 s1, $0x11  }
0xca: {  	s0 =	sor.u32 s1, s0  }
0xcb: {  	s0 =	sadd.s32 $0x8F2B, s0  }
0xcc: {  	[sflag:s0] =	ssyncadd.remote.s32 $0x1  }
0xcd: {  	_ =	sfence.sel $0xFFFF  }
0xce: {  	[dreg:$0x0] =	wrdreg $0xFFFFFFFF;
	(pc) =	sbr.abs _section_cstart, $3  }
0xcf: {  	[dreg:$0x1] =	wrdreg $0xFFFFFFFF  }
0xd0: {  	_ =	task.clear_ibuf [dreg:s22], $0x2FFFF;
	_ =	strace $0x9FFFFFFF  }
0xd1: {  	(tm) =	ssettm $0x7FFFFFFF  }
tec
execute0_lowered:
.L_overlay_start_1:
0x0: {  	(tag) =	ssettag $0x1  }
0x1: {  	s4 =	rddreg [dreg:$0x0]  }
0x2: {  	s2 =	rddreg [dreg:$0x1]  }
0x3: {  	s0 =	rddreg [dreg:$0x2];
	s3 =	simm.s32 $0x0;
	s5 =	srdreg.scid  }
0x4: {  	s1 =	stileid.u32;
	s10 =	simm.s32 $0x4080;
	s11 =	simm.s32 $0x4480  }
0x5: {  	[smem:$0x7FF] =	sst s3;
	s5 =	sand.u32 $0x1, s5;
	s6 =	sshll.u32 s1, $0x1  }
0x6: {  	s12 =	simm.s32 $0x0;
	_ =	strace $0x8000004A;
	s6 =	sor.u32 s5, s6  }
0x7: {  	s5 =	ssub.s32 $0x2, s5;
	s7 =	sshll.u32 s6, $0xB;
	s8 =	smul.u32 $0xA0, s6  }
0x8: {  	s6 =	sshll.u32 s6, $0x7;
	s9 =	sshrl.u32 s5, $0x1;
	s7 =	sadd.s32 s7, s4  }
0x9: {  	s6 =	sadd.s32 s6, s4;
	s9 =	ssub.s32 s5, s9;
	s8 =	sadd.s32 s8, s4  }
0xa: {  	s4 =	sadd.s32 $0x15E00, s7;
	s5 =	sadd.s32 $0x25E00, s6;
	s7 =	smax.u32 s9, $0x1  }
0xb: {  	v0 =	vlaneseq.u32;
	v1 =	vimm.s32 $0x1;
	v2 =	vimm.s32 $0x0;
	s9 =	simm.s32 $0x4000;
	s6 =	sadd.s32 $0x26E00, s8;
	s8 =	simm.s32 $0x1  }
.LBB2_1:
0xc: {  	[tilespmem:s3], [sflag:$0x1] =	stream.linear.gather [hbm4b:s4+s3], $0x4000, $0x38;
	[tilespmem:$0x4980] =	vst v63  }
0xd: {  	_ =	swait.ge [sflag:s8], $0x4000  }
0xe: {  	[sflag:s8] =	ssyncset.done $0x0  }
0xf: {  	[sflag:s8] =	ssyncadd.s32 $0xFFFFC000  }
0x10: {  	[tilespmem:s9], [sflag:$0x1] =	stream.linear.gather [hbm4b:s2+s3], $0x80, $0x38;
	[tilespmem:$0x4980] =	vst v63  }
0x11: {  	_ =	swait.ge [sflag:s8], $0x80  }
0x12: {  	[sflag:s8] =	ssyncset.done $0x0  }
0x13: {  	s13 =	simm.s32 $0x0;
	[sflag:s8] =	ssyncadd.s32 $0xFFFFFF80  }
.LBB2_2:
0x14: {  	s14 =	sshll.u32 s13, $0x4  }
0x15: {  	v17 =	vor.u32 s14, v0  }
0x16: {  	v3 =	vshll.u32 v17, $0x7;
	_ =	sdelay $0x4  }
0x17: {  	v7 =	vimm.f32 $-Inf;
	v4 =	vld.idx.msk [tilespmem:v3+s3+$0x0], $0xffff  }
0x18: {  	v22 =	vimm.s32 $0x0;
	v5 =	vimm.f32 $-Inf;
	v27 =	vimm.s32 $0x0  }
0x19: {  	v14 =	vimm.s32 $0x0;
	v6 =	vimm.f32 $-Inf;
	v25 =	vimm.s32 $0x0  }
0x1a: {  	v15 =	vimm.s32 $0x0;
	v10 =	vimm.s32 $0x0;
	v24 =	vimm.s32 $0x0  }
0x1b: {  	v12 =	vimm.f32 $-Inf;
	v13 =	vimm.f32 $-Inf;
	s14 =	simm.s32 $0x0;
	v20 =	vor.u32 $0x1, v3  }
0x1c: {  	v9 =	vimm.s32 $0x0;
	v29 =	vadd.s32 s14, v20;
	vm5 =	vgt.f32 v4, v7  }
0x1d: {  	vm1 =	vgt.f32 v4, v7;
	vm0 =	vgt.f32 v4, v7;
	v19 =	vsel vm5, s14, v22  }
0x1e: {  	v23 =	vsel vm5, v4, v7;
	v11 =	vsel vm5, v7, v4;
	v28 =	vnsel vm5, s14, v22  }
0x1f: {  	v18 =	vnsel vm0, s14, v22;
	v8 =	vnsel vm5, s14, v22;
	v3 =	vnsel vm0, s14, v22  }
0x20: {  	v26 =	vsel vm0, v7, v4;
	vm7 =	vmmov vm5;
	vm3 =	vmmov vm0  }
0x21: {  	vm6 =	vmmov vm0;
	vm4 =	vmmov vm0;
	vm2 =	vmmov vm5  }
0x22: {  	s15 =	simm.s32 $0x1;
	v21 =	vsel vm5, v11, v7;
	v16 =	vsel vm0, v11, v7;
	v3 =	vsel vm0, v3, v22  }
.LBB2_3:
0x23: {  	v30 =	vld.idx.msk [tilespmem:v29+s3+$0x0], $0xffff;
	p0 =	sne.s32 s15, $0x3F;
	v29 =	vnsel vm5, s14, v22;
	v31 =	vsel vm1, v7, v4;
	v32 =	vsel vm0, v5, v4;
	v22 =	vmovc v19;
	s16 =	smov.u32 s15;
	s15 =	sadd.s32 $0x1, s15  }
0x24: {  	v27 =	vsel vm7, v29, v27;
	v29 =	vnsel vm1, s14, v14;
	v6 =	vsel vm3, v32, v6  }
0x25: {  	v25 =	vsel vm6, v28, v25;
	v10 =	vsel vm2, v18, v10;
	v15 =	vsel vm4, v29, v15  }
0x26: {  	v18 =	vnsel vm6, s14, v24;
	v4 =	vsel vm4, v12, v4;
	v12 =	vsel vm4, v31, v12;
	v24 =	vmovc v25;
	s14 =	smov.u32 s16  }
0x27: {  	v5 =	vsel vm0, v11, v5;
	v14 =	vsel vm1, v18, v14;
	v13 =	vsel vm2, v4, v13  }
0x28: {  	v7 =	vsel vm1, v26, v7;
	v9 =	vsel vm0, v8, v9;
	v29 =	vadd.s32 s14, v20  }
0x29: {  	vm5 =	vgt.f32 v30, v23;
	vm7 =	vgt.f32 v30, v21;
	vm2 =	vgt.f32 v30, v13;
	v4 =	vmovc v30  }
0x2a: {  	vm1 =	vgt.f32 v4, v7;
	vm4 =	vgt.f32 v4, v12;
	v19 =	vsel vm5, s14, v19  }
.Ltmp0:
0x2b: {  	vm0 =	vgt.f32 v4, v5;
	v11 =	vsel vm5, v23, v4;
	v23 =	vsel vm5, v4, v23;
	(pc) =	sbr.rel @p0 .LBB2_3-.Ltmp0, $4  }
0x2c: {  	v30 =	vsel vm7, v21, v4;
	v28 =	vnsel vm7, s14, v27;
	v18 =	vnsel vm4, s14, v15  }
0x2d: {  	vm6 =	vgt.f32 v4, v16;
	v8 =	vnsel vm2, s14, v10;
	v31 =	vnsel vm0, s14, v9  }
0x2e: {  	vm3 =	vgt.f32 v4, v6;
	v21 =	vsel vm7, v11, v21;
	v26 =	vsel vm6, v16, v4  }
0x2f: {  	v16 =	vsel vm6, v30, v16;
	v11 =	vsel vm2, v13, v4;
	v3 =	vsel vm3, v31, v3  }
0x30: {  	_ =	sdelay $0x3  }
0x31: {  	v20 =	vld.idx.msk [tilespmem:v19+s9+$0x0], $0xffff;
	_ =	sdelay $0x2  }
0x32: {  	v29 =	vmul.u32 $0xA, v17  }
0x33: {  	v31 =	vshll.u32 v17, $0x3  }
0x34: {  	v22 =	vnsel vm5, s14, v22;
	v32 =	vadd.s32 $0x2, v29;
	v20 =	vsub.f32 v23, v20  }
0x35: {  	v22 =	vsel vm7, v22, v27  }
0x36: {  	v20 =	vmul.f32 $2.500000000e+00, v20;
	_ =	sdelay $0x1  }
0x37: {  	v33 =	vadd.s32 $0x2, v19;
	[tilespmem:v31+s10+$0x0] =	vst.idx.msk $0xffff, v20  }
0x38: {  	[tilespmem:v32+s11+$0x0] =	vst.idx.msk $0xffff, v33  }
0x39: {  	v19 =	vld.idx.msk [tilespmem:v22+s9+$0x0], $0xffff;
	_ =	sdelay $0x3  }
0x3a: {  	v34 =	vor.u32 $0x1, v31  }
0x3b: {  	v35 =	vadd.s32 $0x3, v29;
	v19 =	vsub.f32 v21, v19  }
0x3c: {  	v36 =	vsel vm6, v28, v25  }
0x3d: {  	v19 =	vmul.f32 $2.500000000e+00, v19;
	_ =	sdelay $0x1  }
0x3e: {  	v37 =	vadd.s32 $0x2, v22;
	[tilespmem:v34+s10+$0x0] =	vst.idx.msk $0xffff, v19  }
0x3f: {  	[tilespmem:v35+s11+$0x0] =	vst.idx.msk $0xffff, v37  }
0x40: {  	v19 =	vld.idx.msk [tilespmem:v36+s9+$0x0], $0xffff;
	_ =	sdelay $0x3  }
0x41: {  	v38 =	vor.u32 $0x2, v31  }
0x42: {  	v39 =	vnsel vm6, s14, v24;
	v40 =	vadd.s32 $0x4, v29;
	v16 =	vsub.f32 v16, v19  }
0x43: {  	v21 =	vsel vm1, v39, v14  }
0x44: {  	v16 =	vmul.f32 $2.500000000e+00, v16;
	_ =	sdelay $0x1  }
0x45: {  	v41 =	vadd.s32 $0x2, v36;
	[tilespmem:v38+s10+$0x0] =	vst.idx.msk $0xffff, v16  }
0x46: {  	[tilespmem:v40+s11+$0x0] =	vst.idx.msk $0xffff, v41  }
0x47: {  	v16 =	vld.idx.msk [tilespmem:v21+s9+$0x0], $0xffff;
	_ =	sdelay $0x3  }
0x48: {  	v42 =	vsel vm1, v26, v7;
	v43 =	vor.u32 $0x3, v31  }
0x49: {  	v44 =	vnsel vm1, s14, v14;
	v45 =	vadd.s32 $0x5, v29;
	v16 =	vsub.f32 v42, v16  }
0x4a: {  	v14 =	vsel vm4, v44, v15  }
0x4b: {  	v46 =	vmul.f32 $2.500000000e+00, v16;
	_ =	sdelay $0x1  }
0x4c: {  	v47 =	vadd.s32 $0x2, v21;
	[tilespmem:v43+s10+$0x0] =	vst.idx.msk $0xffff, v46  }
0x4d: {  	[tilespmem:v45+s11+$0x0] =	vst.idx.msk $0xffff, v47  }
0x4e: {  	v15 =	vld.idx.msk [tilespmem:v14+s9+$0x0], $0xffff;
	_ =	sdelay $0x2  }
0x4f: {  	v48 =	vsel vm1, v7, v4  }
0x50: {  	v7 =	vsel vm4, v48, v12;
	v49 =	vor.u32 $0x4, v31  }
0x51: {  	v50 =	vadd.s32 $0x6, v29;
	v7 =	vsub.f32 v7, v15  }
0x52: {  	v10 =	vsel vm2, v18, v10  }
0x53: {  	v7 =	vmul.f32 $2.500000000e+00, v7;
	_ =	sdelay $0x1  }
0x54: {  	v51 =	vadd.s32 $0x2, v14;
	[tilespmem:v49+s10+$0x0] =	vst.idx.msk $0xffff, v7  }
0x55: {  	[tilespmem:v50+s11+$0x0] =	vst.idx.msk $0xffff, v51  }
0x56: {  	v7 =	vld.idx.msk [tilespmem:v10+s9+$0x0], $0xffff;
	_ =	sdelay $0x2  }
0x57: {  	v52 =	vsel vm4, v12, v4  }
0x58: {  	v12 =	vsel vm2, v52, v13;
	v53 =	vor.u32 $0x5, v31  }
0x59: {  	v54 =	vadd.s32 $0x7, v29;
	v7 =	vsub.f32 v12, v7  }
0x5a: {  	v8 =	vsel vm0, v8, v9  }
0x5b: {  	v7 =	vmul.f32 $2.500000000e+00, v7;
	_ =	sdelay $0x1  }
0x5c: {  	v55 =	vadd.s32 $0x2, v10;
	[tilespmem:v53+s10+$0x0] =	vst.idx.msk $0xffff, v7  }
0x5d: {  	[tilespmem:v54+s11+$0x0] =	vst.idx.msk $0xffff, v55  }
0x5e: {  	v7 =	vld.idx.msk [tilespmem:v8+s9+$0x0], $0xffff;
	_ =	sdelay $0x3  }
0x5f: {  	v56 =	vsel vm0, v11, v5;
	v57 =	vor.u32 $0x6, v31  }
0x60: {  	v58 =	vadd.s32 $0x8, v29;
	v7 =	vsub.f32 v56, v7;
	_ =	sdelay $0x1  }
0x61: {  	v7 =	vmul.f32 $2.500000000e+00, v7;
	_ =	sdelay $0x1  }
0x62: {  	v59 =	vadd.s32 $0x2, v8;
	[tilespmem:v57+s10+$0x0] =	vst.idx.msk $0xffff, v7  }
0x63: {  	[tilespmem:v58+s11+$0x0] =	vst.idx.msk $0xffff, v59  }
0x64: {  	v7 =	vld.idx.msk [tilespmem:v3+s9+$0x0], $0xffff;
	_ =	sdelay $0x2  }
0x65: {  	v60 =	vsel vm0, v5, v4  }
0x66: {  	v4 =	vsel vm3, v60, v6;
	v61 =	vor.u32 $0x7, v31  }
0x67: {  	v62 =	vadd.s32 $0x9, v29;
	v4 =	vsub.f32 v4, v7  }
0x68: {  	s13 =	sadd.s32 $0x1, s13  }
0x69: {  	p0 =	sne.s32 s13, $0x8;
	v63 =	vor.u32 $0x1, v29;
	v4 =	vmul.f32 $2.500000000e+00, v4  }
.Ltmp1:
0x6a: {  	_ = 	snop;
	(pc) =	sbr.rel @p0 .LBB2_2-.Ltmp1, $4  }
0x6b: {  	v3 =	vadd.s32 $0x2, v3;
	[tilespmem:v61+s10+$0x0] =	vst.idx.msk $0xffff, v4  }
0x6c: {  	[tilespmem:v62+s11+$0x0] =	vst.idx.msk $0xffff, v3  }
0x6d: {  	[tilespmem:v29+s11+$0x0] =	vst.idx.msk $0xffff, v2  }
0x6e: {  	[tilespmem:v63+s11+$0x0] =	vst.idx.msk $0xffff, v1  }
0x6f: {  	[hbm4b:s5+s3] =	stream.linear.scatter [tilespmem:s10], [sflag:$0x1], $0x400, $0x38;
	[tilespmem:$0x4980] =	vst v63  }
0x70: {  	s12 =	sadd.s32 $0x1, s12;
	_ =	swait.ge [sflag:s8], $0x400  }
0x71: {  	p0 =	sne.s32 s12, s7;
	[sflag:s8] =	ssyncset.done $0x0  }
.Ltmp2:
0x72: {  	[sflag:s8] =	ssyncadd.s32 $0xFFFFFC00;
	(pc) =	sbr.rel @p0 .LBB2_1-.Ltmp2, $4  }
0x73: {  	[hbm4b:s6+s3] =	stream.linear.scatter [tilespmem:s11], [sflag:$0x1], $0x500, $0x38;
	[tilespmem:$0x4980] =	vst v63  }
0x74: {  	_ =	swait.ge [sflag:s8], $0x500  }
0x75: {  	[sflag:s8] =	ssyncset.done $0x0  }
0x76: {  	[sflag:s8] =	ssyncadd.s32 $0xFFFFFB00  }
0x77: {  	_ =	sfence.sel $0x180000  }
0x78: {  	[bflag:$0x0] =	sbarrier.arrive $0xFFFF  }
0x79: {  	p0 =	sne.s32 s1, $0x0;
	_ =	strace $0x9000004A  }
0x7a: {  	s0 =	sadd.s32 @!p0 $0x100000, s0;
	[bflag:$0x2] =	sbarrier.arrive $0xFFFF  }
0x7b: {  	[sflag:s0] =	ssyncadd.tile.s32 @!p0 $0x1;
	_ =	shalt  }
.Lfunc_end2:
_tile_overlayer_lowered:
.L_overlay_start_2:
0x7c: {  	(tag) =	ssettag $0x2  }
0x7d: {  	s0 =	rddreg [dreg:$0x0];
	s2 =	stileid.u32  }
0x7e: {  	s1 =	rddreg [dreg:$0x1];
	p0 =	sne.s32 s2, $0x0  }
0x7f: {  	s3 =	rddreg [dreg:$0x2];
	[bflag:$0x3] =	sbarrier.arrive $0xFFFF;
	s2 =	simm.s32 @!p0 $0x1C01  }
0x80: {  	[timem:s3], [sflag:s2] =	dma.local @!p0 [hbm:s0], s1  }
0x81: {  	s0 =	simm.s32 @!p0 $0x1  }
0x82: {  	_ =	swait.ge @!p0 [sflag:s0], s1  }
0x83: {  	s1 =	ssub.s32 @!p0 $0x0, s1;
	[sflag:s0] =	ssyncset.done @!p0 $0x0  }
0x84: {  	[sflag:s0] =	ssyncadd.s32 @!p0 s1  }
0x85: {  	[bflag:$0x3] =	sbarrier.arrive $0xFFFF  }
0x86: {  	_ =	shalt  }

// kernel: kernel.19.cloned.1.call-start
scs
__scs_entry_jumppad:
0x0: {  	(pc) =	sbr.rel $0x88, $3  }
0x1: {  	(tag) =	ssettag $0x0;
	lr =	simm.s32 $0x1  }
0x2: {  	[smem:$0x3F9E] =	sst lr;
	_ =	strace $0xD0000000  }
0x3: {  	_ = 	snop  }
0x4: {  	_ = 	snop  }
0x5: {  	_ = 	snop  }
0x6: {  	_ = 	snop  }
0x7: {  	_ = 	snop  }
__scs_overlays_trampoline_lowered:
0x8: {  	[smem:$0x3FAD] =	sst s0  }
0x9: {  	[smem:$0x3FAE] =	sst s1  }
0xa: {  	[smem:$0x3FAF] =	sst s2  }
0xb: {  	[smem:$0x3FB0] =	sst s3  }
0xc: {  	[smem:$0x3FB1] =	sst s4  }
0xd: {  	[smem:$0x3FB2] =	sst s5  }
0xe: {  	[smem:$0x3FB3] =	sst s6  }
0xf: {  	[smem:$0x3FB4] =	sst s7  }
0x10: {  	[smem:$0x3FB5] =	sst s8  }
0x11: {  	[smem:$0x3FB6] =	sst s9;
	s0 =	simm.s32 @!p0 $0x0  }
0x12: {  	s1 =	sld [smem:$0x3F9C];
	s0 =	simm.s32 @p0 $0x1  }
0x13: {  	[smem:$0x3FB7] =	sst s0;
	s0 =	simm.s32 @!p1 $0x0  }
0x14: {  	s2 =	sld [smem:$0x3F9B];
	s0 =	simm.s32 @p1 $0x1  }
0x15: {  	[smem:$0x3FB8] =	sst s0;
	s0 =	simm.s32 @!p2 $0x0  }
0x16: {  	s3 =	sld [smem:$0x3FDB];
	s0 =	simm.s32 @p2 $0x1  }
0x17: {  	s4 =	simm.s32 $0x1BF5;
	[smem:$0x3FBA] =	sst s0  }
0x18: {  	s0 =	sld [smem:$0x3F9D];
	_ =	swait.ge [sflag:s4], $0x0  }
0x19: {  	s7 =	sld [smem:$0x3F9E]  }
0x1a: {  	s8 =	sadd.s32 $0xFFFFE003, lr  }
0x1b: {  	s9 =	sadd.s32 $0xFFFFFEF7, lr;
	s5 =	simm.s32 $0xFFFFFFFF;
	p2 =	slt.u32 s8, $0xFFFFF086  }
0x1c: {  	p1 =	slt.u32 s9, $0xF7A;
	s5 =	simm.s32 @!p2 $0x0  }
0x1d: {  	s5 =	simm.s32 @p1 $0x1;
	p0 =	seq.s32 s7, s2  }
0x1e: {  	s7 =	smul.u32 @!p0 $0xF7A, s2;
	p2 =	seq.s32 @!p0 s5, $0x0  }
0x1f: {  	s9 =	smul.u32 $0xF7A, s1;
	s8 =	simm.s32 @!p0 $0x1BF5;
	p2 =	por !p2, p0  }
0x20: {  	[sflag:s8] =	ssyncset.s32 @!p0 $0xFFFFF086;
	s6 =	sadd.s32 @!p0 s3, s7;
	s7 =	simm.s32 @!p0 $0x108  }
0x21: {  	s3 =	sadd.s32 s3, s9;
	s6 =	sadd.s32 @!p0 $0x88, s6;
	s7 =	simm.s32 @p2 $0x1082  }
0x22: {  	[simem:s7], [sflag:s8] =	dma.local @!p0 [hbm:s6], $0xF7A  }
0x23: {  	s9 =	sor.u32 $0xD0000000, s2;
	s6 =	simm.s32 $0x108;
	_ =	swait.ge @!p0 [sflag:s8], $0x0  }
0x24: {  	s3 =	sadd.s32 $0x88, s3;
	s6 =	simm.s32 @!p1 $0x1082;
	[sflag:s4] =	ssyncset.s32 $0xFFFFF086  }
0x25: {  	[simem:s6], [sflag:s4] =	dma.local [hbm:s3], $0xF7A  }
0x26: {  	[smem:$0x3F9E] =	sst s1;
	(tag) =	ssettag s2;
	_ =	strace s9  }
0x27: {  	s1 =	sld [smem:$0x3FAE]  }
0x28: {  	s2 =	sld [smem:$0x3FAF]  }
0x29: {  	s4 =	sld [smem:$0x3FB1]  }
0x2a: {  	p0 =	seq.s32 s5, $0x0;
	s5 =	sld [smem:$0x3FB2]  }
0x2b: {  	s6 =	sld [smem:$0x3FB3]  }
0x2c: {  	s7 =	sld [smem:$0x3FB4]  }
0x2d: {  	s3 =	simm.s32 $0x108;
	s8 =	sld [smem:$0x3FB5]  }
0x2e: {  	s3 =	simm.s32 @!p0 $0x1082;
	s9 =	sld [smem:$0x3FB6]  }
0x2f: {  	lr =	sadd.s32 s0, s3;
	s0 =	sld [smem:$0x3FAD]  }
0x30: {  	s3 =	sld [smem:$0x3FB0]  }
0x31: {  	[smem:$0x3FB9] =	sst s10  }
0x32: {  	s10 =	sld [smem:$0x3FB7];
	_ =	sdelay $0x3  }
0x33: {  	p0 =	seq.s32 s10, $0x1;
	s10 =	sld [smem:$0x3FB9];
	_ =	sdelay $0x3  }
0x34: {  	[smem:$0x3FB9] =	sst s10  }
0x35: {  	s10 =	sld [smem:$0x3FB8];
	_ =	sdelay $0x3  }
0x36: {  	p1 =	seq.s32 s10, $0x1;
	s10 =	sld [smem:$0x3FB9];
	_ =	sdelay $0x3  }
0x37: {  	[smem:$0x3FB9] =	sst s10  }
0x38: {  	s10 =	sld [smem:$0x3FBA]  }
0x39: {  	_ = 	snop;
	(pc) =	sbr.ind lr, $3  }
0x3a: {  	_ = 	snop  }
0x3b: {  	_ = 	snop  }
0x3c: {  	p2 =	seq.s32 s10, $0x1;
	s10 =	sld [smem:$0x3FB9]  }
0x3d: {  	_ =	shalt  }
0x3e: {  	_ =	shalt  }
0x3f: {  	_ =	shalt  }
0x40: {  	_ =	shalt  }
0x41: {  	_ =	shalt  }
0x42: {  	_ =	shalt  }
0x43: {  	_ =	shalt  }
0x44: {  	_ =	shalt  }
0x45: {  	_ =	shalt  }
0x46: {  	_ =	shalt  }
0x47: {  	_ =	shalt  }
0x48: {  	_ =	shalt  }
0x49: {  	_ =	shalt  }
0x4a: {  	_ =	shalt  }
0x4b: {  	_ =	shalt  }
0x4c: {  	_ =	shalt  }
0x4d: {  	_ =	shalt  }
0x4e: {  	_ =	shalt  }
0x4f: {  	_ =	shalt  }
0x50: {  	_ =	shalt  }
0x51: {  	_ =	shalt  }
0x52: {  	_ =	shalt  }
0x53: {  	_ =	shalt  }
0x54: {  	_ =	shalt  }
0x55: {  	_ =	shalt  }
0x56: {  	_ =	shalt  }
0x57: {  	_ =	shalt  }
0x58: {  	_ =	shalt  }
0x59: {  	_ =	shalt  }
0x5a: {  	_ =	shalt  }
0x5b: {  	_ =	shalt  }
0x5c: {  	_ =	shalt  }
0x5d: {  	_ =	shalt  }
0x5e: {  	_ =	shalt  }
0x5f: {  	_ =	shalt  }
0x60: {  	_ =	shalt  }
0x61: {  	_ =	shalt  }
0x62: {  	_ =	shalt  }
0x63: {  	_ =	shalt  }
0x64: {  	_ =	shalt  }
0x65: {  	_ =	shalt  }
0x66: {  	_ =	shalt  }
0x67: {  	_ =	shalt  }
0x68: {  	_ =	shalt  }
0x69: {  	_ =	shalt  }
0x6a: {  	_ =	shalt  }
0x6b: {  	_ =	shalt  }
0x6c: {  	_ =	shalt  }
0x6d: {  	_ =	shalt  }
0x6e: {  	_ =	shalt  }
0x6f: {  	_ =	shalt  }
0x70: {  	_ =	shalt  }
0x71: {  	_ =	shalt  }
0x72: {  	_ =	shalt  }
0x73: {  	_ =	shalt  }
0x74: {  	_ =	shalt  }
0x75: {  	_ =	shalt  }
0x76: {  	_ =	shalt  }
0x77: {  	_ =	shalt  }
0x78: {  	_ =	shalt  }
0x79: {  	_ =	shalt  }
0x7a: {  	_ =	shalt  }
0x7b: {  	_ =	shalt  }
0x7c: {  	_ =	shalt  }
0x7d: {  	_ =	shalt  }
0x7e: {  	_ =	shalt  }
0x7f: {  	_ =	shalt  }
0x80: {  	_ =	shalt  }
0x81: {  	_ =	shalt  }
0x82: {  	_ =	shalt  }
0x83: {  	_ =	shalt  }
0x84: {  	_ =	shalt  }
0x85: {  	_ =	shalt  }
0x86: {  	_ =	shalt  }
0x87: {  	_ =	shalt  }
.Lfunc_end0:
.L_simem_size_0:
called_computation.3_lowered:
.L_overlay_start_0:
0x88: {  	s2 =	sld [smem:$0x3FD9]  }
0x89: {  	s3 =	sld [smem:$0x3FFE];
	_ =	sdelay $0x1  }
0x8a: {  	s1 =	srdreg.scid  }
0x8b: {  	s0 =	sand.u32 $0x1, s1  }
0x8c: {  	s17 =	sshll.u32 s0, $0xA;
	s2 =	sadd.s32 s3, s2  }
0x8d: {  	s2 =	sadd.s32 s2, s17  }
0x8e: {  	[smem:$0x3FC5] =	sst s2  }
0x8f: {  	_ = 	snop  }
0x90: {  	s2 =	sld [smem:$0x3FC7];
	(tm) =	ssettm $0x1  }
0x91: {  	s18 =	sld [smem:$0x3FFB];
	_ =	sdelay $0x3  }
0x92: {  	_ =	strace s18  }
0x93: {  	s3 =	sld [smem:$0x3FFC];
	_ =	sdelay $0x3  }
0x94: {  	_ =	strace s3  }
0x95: {  	s3 =	sld [smem:$0x3FFD];
	_ =	sdelay $0x3  }
0x96: {  	_ =	strace s3  }
0x97: {  	_ =	strace $0x8FFFFFFF  }
0x98: {  	s19 =	sld [smem:$0x3FDB];
	_ =	sdelay $0x1  }
0x99: {  	s4 =	simm.s32 $_scs_section_size  }
0x9a: {  	s5 =	simm.s32 $_size__tile_overlayer_lowered;
	s6 =	simm.s32 $_tile_overlayer_lowered  }
0x9b: {  	s22 =	simm.s32 $0x1BFF;
	s21 =	sshll.u32 s6, $0x1;
	s3 =	sadd.s32 s4, s19  }
0x9c: {  	s7 =	simm.s32 $0x0;
	s20 =	sshll.u32 s5, $0x1;
	s5 =	sadd.s32 s21, s3  }
0x9d: {  	[timem:s7], [sflag:s22] =	dma.local [hbm:s5], s20  }
0x9e: {  	_ =	swait.ge [sflag:s22], s20  }
0x9f: {  	s4 =	ssub.s32 $0x0, s20;
	[sflag:s22] =	ssyncset.done $0x0  }
0xa0: {  	[sflag:s22] =	ssyncadd.s32 s4;
	_ =	sdelay $0x1  }
0xa1: {  	s23 =	simm.s32 $0x1B8B  }
0xa2: {  	_ =	swait.ge [sflag:s23], $0x1  }
0xa3: {  	[sflag:s23] =	ssyncset.done $0x0  }
0xa4: {  	s25 =	simm.s32 $0x1B8E;
	s24 =	sld [smem:$0x3FFE];
	[sflag:s23] =	ssyncadd.s32 $0xFFFFFFFF  }
0xa5: {  	s26 =	simm.s32 $execute0_lowered;
	[smem:$0x3FD2] =	sst s25  }
0xa6: {  	s5 =	sshll.u32 s26, $0x1;
	_ =	strace $0x80000046;
	[dreg:$0x1] =	wrdreg $0xFFFFFFFF  }
0xa7: {  	s28 =	simm.s32 $_size_execute0_lowered;
	s3 =	sadd.s32 s3, s5;
	[dreg:$0x0] =	wrdreg $0x0  }
0xa8: {  	s5 =	sshll.u32 s28, $0x1;
	[dreg:$0x2] =	wrdreg s3  }
0xa9: {  	[dreg:$0x3] =	wrdreg s5  }
0xaa: {  	[dreg:$0x4] =	wrdreg $0xC0  }
0xab: {  	_ =	task [dreg:s7], $0x5FFFF  }
0xac: {  	[dreg:$0x1] =	wrdreg $0xFFFFFFFF  }
0xad: {  	[dreg:$0x0] =	wrdreg $0x60  }
0xae: {  	[dreg:$0x2] =	wrdreg s24  }
0xaf: {  	[dreg:$0x3] =	wrdreg s2  }
0xb0: {  	[dreg:$0x4] =	wrdreg $0xC  }
0xb1: {  	_ =	task.clear_ibuf [dreg:s7], $0x5FFFF;
	_ =	strace $0x90000046  }
0xb2: {  	s29 =	simm.s32 $0xC;
	_ =	strace $0x80000048  }
0xb3: {  	_ =	swait.ge [sflag:s29], $0x1  }
0xb4: {  	[sflag:s29] =	ssyncadd.s32 $0xFFFFFFFF  }
0xb5: {  	_ =	strace $0x90000048  }
0xb6: {  	_ =	sfence  }
0xb7: {  	s30 =	sld [smem:$0x0];
	_ =	sdelay $0x2  }
0xb8: {  	s31 =	sshll.u32 s1, $0xD;
	s1 =	sshrl.u32 s1, $0x2  }
0xb9: {  	s3 =	sand.u32 $0x4000, s31;
	s1 =	sadd.s32 s1, s30  }
0xba: {  	s0 =	sor.u32 s3, s0;
	s1 =	sshll.u32 s1, $0x11  }
0xbb: {  	s0 =	sor.u32 s1, s0  }
0xbc: {  	s0 =	sadd.s32 $0x8F2B, s0  }
0xbd: {  	[sflag:s0] =	ssyncadd.remote.s32 $0x1  }
0xbe: {  	_ =	sfence.sel $0xFFFF  }
0xbf: {  	[dreg:$0x0] =	wrdreg $0xFFFFFFFF;
	(pc) =	sbr.abs _section_cstart, $3  }
0xc0: {  	[dreg:$0x1] =	wrdreg $0xFFFFFFFF  }
0xc1: {  	_ =	task.clear_ibuf [dreg:s7], $0x2FFFF;
	_ =	strace $0x9FFFFFFF  }
0xc2: {  	(tm) =	ssettm $0x7FFFFFFF  }
0xc3: {  	_ =	shalt  }
tec
execute0_lowered:
.L_overlay_start_1:
0x0: {  	(tag) =	ssettag $0x1  }
0x1: {  	s4 =	rddreg [dreg:$0x0]  }
0x2: {  	s2 =	rddreg [dreg:$0x1]  }
0x3: {  	s0 =	rddreg [dreg:$0x2];
	s3 =	simm.s32 $0x0;
	s5 =	srdreg.scid  }
0x4: {  	s1 =	stileid.u32;
	s10 =	simm.s32 $0x4080;
	s11 =	simm.s32 $0x4480  }
0x5: {  	[smem:$0x7FF] =	sst s3;
	s5 =	sand.u32 $0x1, s5;
	s6 =	sshll.u32 s1, $0x1  }
0x6: {  	s12 =	simm.s32 $0x0;
	_ =	strace $0x80000047;
	s6 =	sor.u32 s5, s6  }
0x7: {  	s5 =	ssub.s32 $0x2, s5;
	s7 =	sshll.u32 s6, $0xB;
	s8 =	smul.u32 $0xA0, s6  }
0x8: {  	s6 =	sshll.u32 s6, $0x7;
	s9 =	sshrl.u32 s5, $0x1;
	s7 =	sadd.s32 s7, s4  }
0x9: {  	s6 =	sadd.s32 s6, s4;
	s9 =	ssub.s32 s5, s9;
	s8 =	sadd.s32 s8, s4  }
0xa: {  	s4 =	sadd.s32 $0x3A00, s7;
	s5 =	sadd.s32 $0x13A00, s6;
	s7 =	smax.u32 s9, $0x1  }
0xb: {  	v0 =	vlaneseq.u32;
	v1 =	vimm.s32 $0x1;
	v2 =	vimm.s32 $0x0;
	s9 =	simm.s32 $0x4000;
	s6 =	sadd.s32 $0x14A00, s8;
	s8 =	simm.s32 $0x1  }
.LBB2_1:
0xc: {  	[tilespmem:s3], [sflag:$0x1] =	stream.linear.gather [hbm4b:s4+s3], $0x4000, $0x38;
	[tilespmem:$0x4980] =	vst v63  }
0xd: {  	_ =	swait.ge [sflag:s8], $0x4000  }
0xe: {  	[sflag:s8] =	ssyncset.done $0x0  }
0xf: {  	[sflag:s8] =	ssyncadd.s32 $0xFFFFC000  }
0x10: {  	[tilespmem:s9], [sflag:$0x1] =	stream.linear.gather [hbm4b:s2+s3], $0x80, $0x38;
	[tilespmem:$0x4980] =	vst v63  }
0x11: {  	_ =	swait.ge [sflag:s8], $0x80  }
0x12: {  	[sflag:s8] =	ssyncset.done $0x0  }
0x13: {  	s13 =	simm.s32 $0x0;
	[sflag:s8] =	ssyncadd.s32 $0xFFFFFF80  }
.LBB2_2:
0x14: {  	s14 =	sshll.u32 s13, $0x4  }
0x15: {  	v17 =	vor.u32 s14, v0  }
0x16: {  	v3 =	vshll.u32 v17, $0x7;
	_ =	sdelay $0x4  }
0x17: {  	v7 =	vimm.f32 $-Inf;
	v4 =	vld.idx.msk [tilespmem:v3+s3+$0x0], $0xffff  }
0x18: {  	v22 =	vimm.s32 $0x0;
	v5 =	vimm.f32 $-Inf;
	v27 =	vimm.s32 $0x0  }
0x19: {  	v14 =	vimm.s32 $0x0;
	v6 =	vimm.f32 $-Inf;
	v25 =	vimm.s32 $0x0  }
0x1a: {  	v15 =	vimm.s32 $0x0;
	v10 =	vimm.s32 $0x0;
	v24 =	vimm.s32 $0x0  }
0x1b: {  	v12 =	vimm.f32 $-Inf;
	v13 =	vimm.f32 $-Inf;
	s14 =	simm.s32 $0x0;
	v20 =	vor.u32 $0x1, v3  }
0x1c: {  	v9 =	vimm.s32 $0x0;
	v29 =	vadd.s32 s14, v20;
	vm5 =	vgt.f32 v4, v7  }
0x1d: {  	vm1 =	vgt.f32 v4, v7;
	vm0 =	vgt.f32 v4, v7;
	v19 =	vsel vm5, s14, v22  }
0x1e: {  	v23 =	vsel vm5, v4, v7;
	v11 =	vsel vm5, v7, v4;
	v28 =	vnsel vm5, s14, v22  }
0x1f: {  	v18 =	vnsel vm0, s14, v22;
	v8 =	vnsel vm5, s14, v22;
	v3 =	vnsel vm0, s14, v22  }
0x20: {  	v26 =	vsel vm0, v7, v4;
	vm7 =	vmmov vm5;
	vm3 =	vmmov vm0  }
0x21: {  	vm6 =	vmmov vm0;
	vm4 =	vmmov vm0;
	vm2 =	vmmov vm5  }
0x22: {  	s15 =	simm.s32 $0x1;
	v21 =	vsel vm5, v11, v7;
	v16 =	vsel vm0, v11, v7;
	v3 =	vsel vm0, v3, v22  }
.LBB2_3:
0x23: {  	v30 =	vld.idx.msk [tilespmem:v29+s3+$0x0], $0xffff;
	p0 =	sne.s32 s15, $0x3F;
	v29 =	vnsel vm5, s14, v22;
	v31 =	vsel vm1, v7, v4;
	v32 =	vsel vm0, v5, v4;
	v22 =	vmovc v19;
	s16 =	smov.u32 s15;
	s15 =	sadd.s32 $0x1, s15  }
0x24: {  	v27 =	vsel vm7, v29, v27;
	v29 =	vnsel vm1, s14, v14;
	v6 =	vsel vm3, v32, v6  }
0x25: {  	v25 =	vsel vm6, v28, v25;
	v10 =	vsel vm2, v18, v10;
	v15 =	vsel vm4, v29, v15  }
0x26: {  	v18 =	vnsel vm6, s14, v24;
	v4 =	vsel vm4, v12, v4;
	v12 =	vsel vm4, v31, v12;
	v24 =	vmovc v25;
	s14 =	smov.u32 s16  }
0x27: {  	v5 =	vsel vm0, v11, v5;
	v14 =	vsel vm1, v18, v14;
	v13 =	vsel vm2, v4, v13  }
0x28: {  	v7 =	vsel vm1, v26, v7;
	v9 =	vsel vm0, v8, v9;
	v29 =	vadd.s32 s14, v20  }
0x29: {  	vm5 =	vgt.f32 v30, v23;
	vm7 =	vgt.f32 v30, v21;
	vm2 =	vgt.f32 v30, v13;
	v4 =	vmovc v30  }
0x2a: {  	vm1 =	vgt.f32 v4, v7;
	vm4 =	vgt.f32 v4, v12;
	v19 =	vsel vm5, s14, v19  }
.Ltmp0:
0x2b: {  	vm0 =	vgt.f32 v4, v5;
	v11 =	vsel vm5, v23, v4;
	v23 =	vsel vm5, v4, v23;
	(pc) =	sbr.rel @p0 .LBB2_3-.Ltmp0, $4  }
0x2c: {  	v30 =	vsel vm7, v21, v4;
	v28 =	vnsel vm7, s14, v27;
	v18 =	vnsel vm4, s14, v15  }
0x2d: {  	vm6 =	vgt.f32 v4, v16;
	v8 =	vnsel vm2, s14, v10;
	v31 =	vnsel vm0, s14, v9  }
0x2e: {  	vm3 =	vgt.f32 v4, v6;
	v21 =	vsel vm7, v11, v21;
	v26 =	vsel vm6, v16, v4  }
0x2f: {  	v16 =	vsel vm6, v30, v16;
	v11 =	vsel vm2, v13, v4;
	v3 =	vsel vm3, v31, v3  }
0x30: {  	_ =	sdelay $0x3  }
0x31: {  	v20 =	vld.idx.msk [tilespmem:v19+s9+$0x0], $0xffff;
	_ =	sdelay $0x2  }
0x32: {  	v29 =	vmul.u32 $0xA, v17  }
0x33: {  	v31 =	vshll.u32 v17, $0x3  }
0x34: {  	v22 =	vnsel vm5, s14, v22;
	v32 =	vadd.s32 $0x2, v29;
	v20 =	vsub.f32 v23, v20  }
0x35: {  	v22 =	vsel vm7, v22, v27  }
0x36: {  	v20 =	vmul.f32 $2.500000000e+00, v20;
	_ =	sdelay $0x1  }
0x37: {  	v33 =	vadd.s32 $0x2, v19;
	[tilespmem:v31+s10+$0x0] =	vst.idx.msk $0xffff, v20  }
0x38: {  	[tilespmem:v32+s11+$0x0] =	vst.idx.msk $0xffff, v33  }
0x39: {  	v19 =	vld.idx.msk [tilespmem:v22+s9+$0x0], $0xffff;
	_ =	sdelay $0x3  }
0x3a: {  	v34 =	vor.u32 $0x1, v31  }
0x3b: {  	v35 =	vadd.s32 $0x3, v29;
	v19 =	vsub.f32 v21, v19  }
0x3c: {  	v36 =	vsel vm6, v28, v25  }
0x3d: {  	v19 =	vmul.f32 $2.500000000e+00, v19;
	_ =	sdelay $0x1  }
0x3e: {  	v37 =	vadd.s32 $0x2, v22;
	[tilespmem:v34+s10+$0x0] =	vst.idx.msk $0xffff, v19  }
0x3f: {  	[tilespmem:v35+s11+$0x0] =	vst.idx.msk $0xffff, v37  }
0x40: {  	v19 =	vld.idx.msk [tilespmem:v36+s9+$0x0], $0xffff;
	_ =	sdelay $0x3  }
0x41: {  	v38 =	vor.u32 $0x2, v31  }
0x42: {  	v39 =	vnsel vm6, s14, v24;
	v40 =	vadd.s32 $0x4, v29;
	v16 =	vsub.f32 v16, v19  }
0x43: {  	v21 =	vsel vm1, v39, v14  }
0x44: {  	v16 =	vmul.f32 $2.500000000e+00, v16;
	_ =	sdelay $0x1  }
0x45: {  	v41 =	vadd.s32 $0x2, v36;
	[tilespmem:v38+s10+$0x0] =	vst.idx.msk $0xffff, v16  }
0x46: {  	[tilespmem:v40+s11+$0x0] =	vst.idx.msk $0xffff, v41  }
0x47: {  	v16 =	vld.idx.msk [tilespmem:v21+s9+$0x0], $0xffff;
	_ =	sdelay $0x3  }
0x48: {  	v42 =	vsel vm1, v26, v7;
	v43 =	vor.u32 $0x3, v31  }
0x49: {  	v44 =	vnsel vm1, s14, v14;
	v45 =	vadd.s32 $0x5, v29;
	v16 =	vsub.f32 v42, v16  }
0x4a: {  	v14 =	vsel vm4, v44, v15  }
0x4b: {  	v46 =	vmul.f32 $2.500000000e+00, v16;
	_ =	sdelay $0x1  }
0x4c: {  	v47 =	vadd.s32 $0x2, v21;
	[tilespmem:v43+s10+$0x0] =	vst.idx.msk $0xffff, v46  }
0x4d: {  	[tilespmem:v45+s11+$0x0] =	vst.idx.msk $0xffff, v47  }
0x4e: {  	v15 =	vld.idx.msk [tilespmem:v14+s9+$0x0], $0xffff;
	_ =	sdelay $0x2  }
0x4f: {  	v48 =	vsel vm1, v7, v4  }
0x50: {  	v7 =	vsel vm4, v48, v12;
	v49 =	vor.u32 $0x4, v31  }
0x51: {  	v50 =	vadd.s32 $0x6, v29;
	v7 =	vsub.f32 v7, v15  }
0x52: {  	v10 =	vsel vm2, v18, v10  }
0x53: {  	v7 =	vmul.f32 $2.500000000e+00, v7;
	_ =	sdelay $0x1  }
0x54: {  	v51 =	vadd.s32 $0x2, v14;
	[tilespmem:v49+s10+$0x0] =	vst.idx.msk $0xffff, v7  }
0x55: {  	[tilespmem:v50+s11+$0x0] =	vst.idx.msk $0xffff, v51  }
0x56: {  	v7 =	vld.idx.msk [tilespmem:v10+s9+$0x0], $0xffff;
	_ =	sdelay $0x2  }
0x57: {  	v52 =	vsel vm4, v12, v4  }
0x58: {  	v12 =	vsel vm2, v52, v13;
	v53 =	vor.u32 $0x5, v31  }
0x59: {  	v54 =	vadd.s32 $0x7, v29;
	v7 =	vsub.f32 v12, v7  }
0x5a: {  	v8 =	vsel vm0, v8, v9  }
0x5b: {  	v7 =	vmul.f32 $2.500000000e+00, v7;
	_ =	sdelay $0x1  }
0x5c: {  	v55 =	vadd.s32 $0x2, v10;
	[tilespmem:v53+s10+$0x0] =	vst.idx.msk $0xffff, v7  }
0x5d: {  	[tilespmem:v54+s11+$0x0] =	vst.idx.msk $0xffff, v55  }
0x5e: {  	v7 =	vld.idx.msk [tilespmem:v8+s9+$0x0], $0xffff;
	_ =	sdelay $0x3  }
0x5f: {  	v56 =	vsel vm0, v11, v5;
	v57 =	vor.u32 $0x6, v31  }
0x60: {  	v58 =	vadd.s32 $0x8, v29;
	v7 =	vsub.f32 v56, v7;
	_ =	sdelay $0x1  }
0x61: {  	v7 =	vmul.f32 $2.500000000e+00, v7;
	_ =	sdelay $0x1  }
0x62: {  	v59 =	vadd.s32 $0x2, v8;
	[tilespmem:v57+s10+$0x0] =	vst.idx.msk $0xffff, v7  }
0x63: {  	[tilespmem:v58+s11+$0x0] =	vst.idx.msk $0xffff, v59  }
0x64: {  	v7 =	vld.idx.msk [tilespmem:v3+s9+$0x0], $0xffff;
	_ =	sdelay $0x2  }
0x65: {  	v60 =	vsel vm0, v5, v4  }
0x66: {  	v4 =	vsel vm3, v60, v6;
	v61 =	vor.u32 $0x7, v31  }
0x67: {  	v62 =	vadd.s32 $0x9, v29;
	v4 =	vsub.f32 v4, v7  }
0x68: {  	s13 =	sadd.s32 $0x1, s13  }
0x69: {  	p0 =	sne.s32 s13, $0x8;
	v63 =	vor.u32 $0x1, v29;
	v4 =	vmul.f32 $2.500000000e+00, v4  }
.Ltmp1:
0x6a: {  	_ = 	snop;
	(pc) =	sbr.rel @p0 .LBB2_2-.Ltmp1, $4  }
0x6b: {  	v3 =	vadd.s32 $0x2, v3;
	[tilespmem:v61+s10+$0x0] =	vst.idx.msk $0xffff, v4  }
0x6c: {  	[tilespmem:v62+s11+$0x0] =	vst.idx.msk $0xffff, v3  }
0x6d: {  	[tilespmem:v29+s11+$0x0] =	vst.idx.msk $0xffff, v2  }
0x6e: {  	[tilespmem:v63+s11+$0x0] =	vst.idx.msk $0xffff, v1  }
0x6f: {  	[hbm4b:s5+s3] =	stream.linear.scatter [tilespmem:s10], [sflag:$0x1], $0x400, $0x38;
	[tilespmem:$0x4980] =	vst v63  }
0x70: {  	s12 =	sadd.s32 $0x1, s12;
	_ =	swait.ge [sflag:s8], $0x400  }
0x71: {  	p0 =	sne.s32 s12, s7;
	[sflag:s8] =	ssyncset.done $0x0  }
.Ltmp2:
0x72: {  	[sflag:s8] =	ssyncadd.s32 $0xFFFFFC00;
	(pc) =	sbr.rel @p0 .LBB2_1-.Ltmp2, $4  }
0x73: {  	[hbm4b:s6+s3] =	stream.linear.scatter [tilespmem:s11], [sflag:$0x1], $0x500, $0x38;
	[tilespmem:$0x4980] =	vst v63  }
0x74: {  	_ =	swait.ge [sflag:s8], $0x500  }
0x75: {  	[sflag:s8] =	ssyncset.done $0x0  }
0x76: {  	[sflag:s8] =	ssyncadd.s32 $0xFFFFFB00  }
0x77: {  	_ =	sfence.sel $0x180000  }
0x78: {  	[bflag:$0x0] =	sbarrier.arrive $0xFFFF  }
0x79: {  	p0 =	sne.s32 s1, $0x0;
	_ =	strace $0x90000047  }
0x7a: {  	s0 =	sadd.s32 @!p0 $0x100000, s0;
	[bflag:$0x2] =	sbarrier.arrive $0xFFFF  }
0x7b: {  	[sflag:s0] =	ssyncadd.tile.s32 @!p0 $0x1;
	_ =	shalt  }
.Lfunc_end2:
_tile_overlayer_lowered:
.L_overlay_start_2:
0x7c: {  	(tag) =	ssettag $0x2  }
0x7d: {  	s0 =	rddreg [dreg:$0x0];
	s2 =	stileid.u32  }
0x7e: {  	s1 =	rddreg [dreg:$0x1];
	p0 =	sne.s32 s2, $0x0  }
0x7f: {  	s3 =	rddreg [dreg:$0x2];
	[bflag:$0x3] =	sbarrier.arrive $0xFFFF;
	s2 =	simm.s32 @!p0 $0x1C01  }
0x80: {  	[timem:s3], [sflag:s2] =	dma.local @!p0 [hbm:s0], s1  }
0x81: {  	s0 =	simm.s32 @!p0 $0x1  }
0x82: {  	_ =	swait.ge @!p0 [sflag:s0], s1  }
0x83: {  	s1 =	ssub.s32 @!p0 $0x0, s1;
	[sflag:s0] =	ssyncset.done @!p0 $0x0  }
0x84: {  	[sflag:s0] =	ssyncadd.s32 @!p0 s1  }
0x85: {  	[bflag:$0x3] =	sbarrier.arrive $0xFFFF  }
0x86: {  	_ =	shalt  }

</sc_bundles>
